<compile_context>
chip_gen: v7x
topology: tpu7x:2x2x1
jax: 0.10.2.dev20260603
libtpu: 0.0.44.dev20260713+nightly
codegen_flags: <defaults>
</compile_context>

<pallas_src>
import functools
import math

import jax
import jax.numpy as jnp
from jax import lax
from jax.experimental import pallas as pl
from jax.experimental.pallas import tpu as pltpu
from jax.experimental.pallas import tpu_sc as plsc

B, S, H = 8, 32, 1024
HEADS, DH = 16, 64
NSTOCK, SED = 6000, 256
NKV, TOPK = 512, 128

NIDS = B + B * NKV
NIDS_PAD = 4352
ROWS = HEADS * S


@functools.lru_cache(maxsize=1)
def _make_sc_gather():
    info = plsc.get_sparse_core_info()
    nw = info.num_cores * info.num_subcores
    b_per_w = NIDS_PAD // nw
    mesh = plsc.VectorSubcoreMesh(core_axis_name="c", subcore_axis_name="s")

    @functools.partial(
        pl.kernel,
        mesh=mesh,
        out_type=jax.ShapeDtypeStruct((NIDS_PAD, SED), jnp.float32),
        scratch_types=[
            pltpu.VMEM((b_per_w,), jnp.int32),
            pltpu.VMEM((b_per_w, SED), jnp.float32),
            pltpu.SemaphoreType.DMA,
        ],
    )
    def gather_kernel(table_hbm, idx_hbm, out_hbm, idx_v, rows_v, sem):
        wid = lax.axis_index("s") * info.num_cores + lax.axis_index("c")
        base = wid * b_per_w
        pltpu.sync_copy(idx_hbm.at[pl.ds(base, b_per_w)], idx_v)
        pltpu.async_copy(table_hbm.at[idx_v], rows_v, sem).wait()
        pltpu.sync_copy(rows_v, out_hbm.at[pl.ds(base, b_per_w)])

    return gather_kernel


def _gather_rows(table, ids):
    return _make_sc_gather()(table, ids)


def _embed_mlp_body(e_ref, pw1_ref, pb1_ref, pw2_ref, pb2_ref, out_ref):
    h1 = jax.nn.gelu(jnp.dot(e_ref[...], pw1_ref[...]) + pb1_ref[...])
    out_ref[...] = jnp.dot(h1, pw2_ref[...]) + pb2_ref[...]


def _embed_mlp(e_all, pw1, pb1r, pw2, pb2r):
    nblk = NIDS_PAD // 256
    return pl.pallas_call(
        _embed_mlp_body,
        grid=(nblk,),
        in_specs=[
            pl.BlockSpec((256, SED), lambda i: (i, 0)),
            pl.BlockSpec((SED, H), lambda i: (0, 0)),
            pl.BlockSpec((1, H), lambda i: (0, 0)),
            pl.BlockSpec((H, H), lambda i: (0, 0)),
            pl.BlockSpec((1, H), lambda i: (0, 0)),
        ],
        out_specs=pl.BlockSpec((256, H), lambda i: (i, 0)),
        out_shape=jax.ShapeDtypeStruct((NIDS_PAD, H), jnp.float32),
    )(e_all, pw1, pb1r, pw2, pb2r)


def _proj_body(qf_ref, bsf_ref, bse_ref, qse_ref, qw_ref, qb_ref, kw_ref,
               kb_ref, vw_ref, vb_ref, gw1a_ref, gw1b_ref, gb1_ref, gw2_ref,
               gb2_ref, v_out, gs_out, gs31_out):
    kv = bsf_ref[0] + bse_ref[0]
    k = jnp.dot(kv, kw_ref[...]) + kb_ref[...]
    v_out[0] = jnp.dot(kv, vw_ref[...]) + vb_ref[...]
    qf = qf_ref[0]
    qc = jnp.mean(qf, axis=0, keepdims=True) + qse_ref[0]
    q = jnp.dot(qf, qw_ref[...]) + qb_ref[...]
    qt = q.T
    g1 = jnp.dot(qc, gw1a_ref[...]) + jnp.dot(kv, gw1b_ref[...]) + gb1_ref[...]
    g = jax.nn.sigmoid(jnp.dot(jax.nn.gelu(g1), gw2_ref[...]) + gb2_ref[...])
    scale = 1.0 / math.sqrt(DH)
    for h in range(HEADS):
        kh = k[:, h * DH:(h + 1) * DH]
        qh_t = qt[h * DH:(h + 1) * DH, :]
        sh_t = jnp.dot(kh, qh_t) * scale * g[:, h:h + 1]
        gs_out[0, :, h * S:(h + 1) * S] = sh_t
        gs31_out[0, :, h:h + 1] = sh_t[:, S - 1:S]


def _proj(qf, bsf, bse, qse, qw, qbr, kw, kbr, vw, vbr, gw1a, gw1b, gb1r,
          gw2, gb2r):
    return pl.pallas_call(
        _proj_body,
        grid=(B,),
        in_specs=[
            pl.BlockSpec((1, S, H), lambda b: (b, 0, 0)),
            pl.BlockSpec((1, NKV, H), lambda b: (b, 0, 0)),
            pl.BlockSpec((1, NKV, H), lambda b: (b, 0, 0)),
            pl.BlockSpec((1, 1, H), lambda b: (b, 0, 0)),
            pl.BlockSpec((H, H), lambda b: (0, 0)),
            pl.BlockSpec((1, H), lambda b: (0, 0)),
            pl.BlockSpec((H, H), lambda b: (0, 0)),
            pl.BlockSpec((1, H), lambda b: (0, 0)),
            pl.BlockSpec((H, H), lambda b: (0, 0)),
            pl.BlockSpec((1, H), lambda b: (0, 0)),
            pl.BlockSpec((H, H), lambda b: (0, 0)),
            pl.BlockSpec((H, H), lambda b: (0, 0)),
            pl.BlockSpec((1, H), lambda b: (0, 0)),
            pl.BlockSpec((H, HEADS), lambda b: (0, 0)),
            pl.BlockSpec((1, HEADS), lambda b: (0, 0)),
        ],
        out_specs=[
            pl.BlockSpec((1, NKV, H), lambda b: (b, 0, 0)),
            pl.BlockSpec((1, NKV, ROWS), lambda b: (b, 0, 0)),
            pl.BlockSpec((1, NKV, HEADS), lambda b: (b, 0, 0)),
        ],
        out_shape=[
            jax.ShapeDtypeStruct((B, NKV, H), jnp.float32),
            jax.ShapeDtypeStruct((B, NKV, ROWS), jnp.float32),
            jax.ShapeDtypeStruct((B, NKV, HEADS), jnp.float32),
        ],
    )(qf, bsf, bse, qse, qw, qbr, kw, kbr, vw, vbr, gw1a, gw1b, gb1r, gw2,
      gb2r)


def _ce_stage(x, d, wantmax_col):
    n = x.shape[0]
    pad = jnp.zeros((d, x.shape[1]), x.dtype)
    up = jnp.concatenate([x[d:], pad], axis=0)
    dn = jnp.concatenate([pad, x[:n - d]], axis=0)
    pos = lax.broadcasted_iota(jnp.int32, (n, 1), 0)
    is_lower = (pos & d) == 0
    p = jnp.where(is_lower, up, dn)
    take_self = (x >= p) == wantmax_col
    return jnp.where(take_self, x, p)


def _bitonic_top128_desc(x):
    n = x.shape[0]
    pos = lax.broadcasted_iota(jnp.int32, (n, 1), 0)
    posb = pos & 127
    even_blk = (pos & 128) == 0
    for size in (2, 4, 8, 16, 32, 64, 128):
        dir_desc = ((posb & size) == 0) == even_blk
        d = size // 2
        while d >= 1:
            wantmax = dir_desc == ((pos & d) == 0)
            x = _ce_stage(x, d, wantmax)
            d //= 2
    y = jnp.concatenate([jnp.maximum(x[0:128], x[128:256]),
                         jnp.maximum(x[256:384], x[384:512])], axis=0)
    posy = lax.broadcasted_iota(jnp.int32, (256, 1), 0)
    even_y = (posy & 128) == 0
    d = 64
    while d >= 1:
        wantmax = even_y == ((posy & d) == 0)
        y = _ce_stage(y, d, wantmax)
        d //= 2
    z = jnp.maximum(y[0:128], y[128:256])
    posz = lax.broadcasted_iota(jnp.int32, (128, 1), 0)
    d = 64
    while d >= 1:
        wantmax = (posz & d) == 0
        z = _ce_stage(z, d, wantmax)
        d //= 2
    return z


def _attend_body(gs_ref, v_ref, qf_ref, ow_ref, ob_ref, lng_ref,
                 lnb_ref, y_out, attn_out, ctx_ref):
    sc = gs_ref[0]

    st = _bitonic_top128_desc(sc)

    v0 = st[0:1, :]
    e = jnp.exp(st - v0)
    denom = jnp.sum(e, axis=0, keepdims=True)
    attn_out[0] = (e / denom).T

    th = st[TOPK - 1:TOPK, :]
    gt = sc > th
    eqth = (sc == th).astype(jnp.float32)
    k_need = TOPK - jnp.sum(gt.astype(jnp.float32), axis=0, keepdims=True)
    rank = eqth
    for shift in (1, 2, 4, 8, 16, 32, 64, 128, 256):
        shifted = jnp.concatenate(
            [jnp.zeros((shift, ROWS), jnp.float32), rank[:NKV - shift]],
            axis=0)
        rank = rank + shifted
    sel = gt | ((eqth > 0.0) & (rank <= k_need))
    p_t = jnp.where(sel, jnp.exp(sc - v0), 0.0) / denom
    p = p_t.T
    vv = v_ref[0]
    for h in range(HEADS):
        ph = p[h * S:(h + 1) * S, :]
        vh = vv[:, h * DH:(h + 1) * DH]
        ctx_ref[:, h * DH:(h + 1) * DH] = jnp.dot(ph, vh)

    out = jnp.dot(ctx_ref[...], ow_ref[...]) + ob_ref[...]
    x = qf_ref[0] + out
    mu = jnp.mean(x, axis=1, keepdims=True)
    var = jnp.mean((x - mu) ** 2, axis=1, keepdims=True)
    y_out[0] = (x - mu) * lax.rsqrt(var + 1e-5) * lng_ref[...] + lnb_ref[...]


def _attend(gs, v, qf, ow, obr, lngr, lnbr):
    return pl.pallas_call(
        _attend_body,
        grid=(B,),
        in_specs=[
            pl.BlockSpec((1, NKV, ROWS), lambda b: (b, 0, 0)),
            pl.BlockSpec((1, NKV, H), lambda b: (b, 0, 0)),
            pl.BlockSpec((1, S, H), lambda b: (b, 0, 0)),
            pl.BlockSpec((H, H), lambda b: (0, 0)),
            pl.BlockSpec((1, H), lambda b: (0, 0)),
            pl.BlockSpec((1, H), lambda b: (0, 0)),
            pl.BlockSpec((1, H), lambda b: (0, 0)),
        ],
        out_specs=[
            pl.BlockSpec((1, S, H), lambda b: (b, 0, 0)),
            pl.BlockSpec((1, ROWS, TOPK), lambda b: (b, 0, 0)),
        ],
        out_shape=[
            jax.ShapeDtypeStruct((B, S, H), jnp.float32),
            jax.ShapeDtypeStruct((B, ROWS, TOPK), jnp.float32),
        ],
        scratch_shapes=[
            pltpu.VMEM((S, H), jnp.float32),
        ],
    )(gs, v, qf, ow, obr, lngr, lnbr)


def _attended_body(gs31_ref, idx_out, sc_ref, idxs_ref):
    cols = B * HEADS
    for b in range(B):
        sc_ref[:, b * HEADS:(b + 1) * HEADS] = gs31_ref[b]
    sc31 = sc_ref[...]
    iota31 = lax.broadcasted_iota(jnp.int32, (NKV, cols), 0)

    def step(j, carry):
        pv, pi = carry
        rem = (sc31 < pv) | ((sc31 == pv) & (iota31 > pi))
        cur = jnp.max(jnp.where(rem, sc31, -jnp.inf), axis=0, keepdims=True)
        hit = rem & (sc31 == cur)
        idxv = jnp.min(jnp.where(hit, iota31, jnp.int32(1 << 30)), axis=0,
                       keepdims=True)
        idxs_ref[pl.ds(j, 1), :] = idxv
        return cur, idxv

    lax.fori_loop(0, TOPK, step,
                  (jnp.full((1, cols), jnp.inf, jnp.float32),
                   jnp.full((1, cols), -1, jnp.int32)))
    idx_out[...] = idxs_ref[...].T


def _attended(gs31):
    return pl.pallas_call(
        _attended_body,
        out_shape=jax.ShapeDtypeStruct((B * HEADS, TOPK), jnp.int32),
        scratch_shapes=[pltpu.VMEM((NKV, B * HEADS), jnp.float32),
                        pltpu.VMEM((TOPK, B * HEADS), jnp.int32)],
    )(gs31)


def kernel(query_features, query_stock_ids, batch_stock_ids,
           batch_stock_features, stock_table, pw1, pb1, pw2, pb2, qw, qb, kw,
           kb, vw, vb, ow, ob, gw1, gb1, gw2, gb2, ln_g, ln_b):
    ids_all = jnp.concatenate([
        query_stock_ids.astype(jnp.int32),
        batch_stock_ids.reshape(-1).astype(jnp.int32),
        jnp.zeros((NIDS_PAD - NIDS,), jnp.int32),
    ])
    e_all = _gather_rows(stock_table, ids_all)
    emb = _embed_mlp(e_all, pw1, pb1.reshape(1, H), pw2, pb2.reshape(1, H))
    qse = emb[:B].reshape(B, 1, H)
    bse = emb[B:B + B * NKV].reshape(B, NKV, H)

    v_all, gs, gs31 = _proj(
        query_features, batch_stock_features, bse, qse,
        qw, qb.reshape(1, H), kw, kb.reshape(1, H), vw, vb.reshape(1, H),
        gw1[:H], gw1[H:], gb1.reshape(1, H), gw2, gb2.reshape(1, HEADS))

    y, attn = _attend(
        gs, v_all, query_features, ow, ob.reshape(1, H),
        ln_g.reshape(1, H), ln_b.reshape(1, H))
    attended = _attended(gs31).reshape(B, HEADS, TOPK)

    attn = attn.reshape(B, HEADS, S, TOPK)
    return y, attn, attended

# --- scband reference (transcript-rebuilt; emitter-appended) ---
"""Pipeline reference for scband-learned-cross-stock-attention-9792525435558 (READ-ONLY COPY).

The authoritative reference and input builder live on the scoring server;
editing this copy changes nothing except your own understanding.
"""

import jax, jax.numpy as jnp
import numpy as np
import math

B, S, H = 8, 32, 1024
HEADS, DH = 16, 64
NSTOCK, SED = 6000, 256
NKV, TOPK = 512, 128


def _embed(ids, table, pw1, pb1, pw2, pb2):
    e = jnp.take(table, ids, axis=0)
    h = jax.nn.gelu(e @ pw1 + pb1)
    return h @ pw2 + pb2


def _forward(query_features, query_stock_ids, batch_stock_ids, batch_stock_features, stock_table, pw1, pb1, pw2, pb2, qw, qb, kw, kb, vw, vb, ow, ob, gw1, gb1, gw2, gb2, ln_g, ln_b):
    b, s, _ = query_features.shape
    qse = _embed(query_stock_ids, stock_table, pw1, pb1, pw2, pb2)
    qc = query_features.mean(axis=1) + qse
    bse = _embed(batch_stock_ids.reshape(-1), stock_table, pw1, pb1, pw2, pb2).reshape(b, NKV, H)
    kv_feat = batch_stock_features + bse
    q = (query_features @ qw + qb).reshape(b, s, HEADS, DH).transpose(0, 2, 1, 3)
    k = (kv_feat @ kw + kb).reshape(b, NKV, HEADS, DH).transpose(0, 2, 1, 3)
    v = (kv_feat @ vw + vb).reshape(b, NKV, HEADS, DH).transpose(0, 2, 1, 3)
    scores = jnp.einsum('bhsd,bhnd->bhsn', q, k) / math.sqrt(DH)
    rel_in = jnp.concatenate([jnp.broadcast_to(qc[:, None, :], (b, NKV, H)), kv_feat], axis=-1)
    gates = jax.nn.sigmoid(jax.nn.gelu(rel_in @ gw1 + gb1) @ gw2 + gb2)
    scores = scores * gates.transpose(0, 2, 1)[:, :, None, :]
    top_scores, top_idx = jax.lax.top_k(scores, TOPK)
    attn = jax.nn.softmax(top_scores, axis=-1)
    gather_one = lambda idx_s: jnp.take_along_axis(v, idx_s[..., None], axis=2)
    top_v = jax.vmap(gather_one, in_axes=2, out_axes=2)(top_idx)
    context = jnp.einsum('bhsk,bhskd->bhsd', attn, top_v)
    attended = top_idx[:, :, -1, :]
    ctx = context.transpose(0, 2, 1, 3).reshape(b, s, H)
    out = ctx @ ow + ob
    x = query_features + out
    mu = x.mean(axis=-1, keepdims=True)
    var = x.var(axis=-1, keepdims=True)
    y = (x - mu) / jnp.sqrt(var + 1e-5) * ln_g + ln_b
    return y, attn, attended


def setup_inputs(seed: int = 0):
    key = jax.random.key(seed)
    ks = jax.random.split(key, 20)
    w = lambda k, shp: jax.random.normal(k, shp, jnp.float32) * 0.02
    inp = {}
    inp['query_features'] = jax.random.normal(ks[0], (B, S, H), jnp.float32)
    inp['query_stock_ids'] = jax.random.randint(ks[1], (B,), 0, NSTOCK)
    inp['batch_stock_ids'] = jax.random.randint(ks[2], (B, NKV), 0, NSTOCK)
    inp['batch_stock_features'] = jax.random.normal(ks[3], (B, NKV, H), jnp.float32)
    inp['stock_table'] = w(ks[4], (NSTOCK, SED))
    inp['pw1'] = w(ks[5], (SED, H)); inp['pb1'] = jnp.zeros((H,), jnp.float32)
    inp['pw2'] = w(ks[6], (H, H)); inp['pb2'] = jnp.zeros((H,), jnp.float32)
    inp['qw'] = w(ks[7], (H, H)); inp['qb'] = jnp.zeros((H,), jnp.float32)
    inp['kw'] = w(ks[8], (H, H)); inp['kb'] = jnp.zeros((H,), jnp.float32)
    inp['vw'] = w(ks[9], (H, H)); inp['vb'] = jnp.zeros((H,), jnp.float32)
    inp['ow'] = w(ks[10], (H, H)); inp['ob'] = jnp.zeros((H,), jnp.float32)
    inp['gw1'] = w(ks[11], (2 * H, H)); inp['gb1'] = jnp.zeros((H,), jnp.float32)
    inp['gw2'] = w(ks[12], (H, HEADS)); inp['gb2'] = jnp.zeros((HEADS,), jnp.float32)
    inp['ln_g'] = jnp.ones((H,), jnp.float32)
    inp['ln_b'] = jnp.zeros((H,), jnp.float32)
    return inp


def reference(query_features, query_stock_ids, batch_stock_ids, batch_stock_features, stock_table, pw1, pb1, pw2, pb2, qw, qb, kw, kb, vw, vb, ow, ob, gw1, gb1, gw2, gb2, ln_g, ln_b):
    return _forward(query_features, query_stock_ids, batch_stock_ids, batch_stock_features, stock_table, pw1, pb1, pw2, pb2, qw, qb, kw, kb, vw, vb, ow, ob, gw1, gb1, gw2, gb2, ln_g, ln_b)

if __name__ == "__main__":
    import jax
    _d = setup_inputs()
    print(jax.jit(kernel)(*tuple(_d.values())))

</pallas_src>

<mosaic_0001>
#map = affine_map<(d0, d1) -> (0, 0)>
#map1 = affine_map<(d0, d1) -> (0)>
module attributes {stable_mosaic.version = 14 : i64} {
  func.func @gather_kernel(%arg0: i32, %arg1: i32, %arg2: memref<6000x256xf32, #tpu.memory_space<hbm>>, %arg3: memref<4352xi32, #tpu.memory_space<hbm>>, %arg4: memref<4352x256xf32, #tpu.memory_space<hbm>>, %arg5: memref<136xi32, #tpu.memory_space<vmem>>, %arg6: memref<136x256xf32, #tpu.memory_space<vmem>>, %arg7: memref<!tpu.dma_semaphore, #tpu.memory_space<semaphore_mem>>) attributes {dimension_semantics = [#tpu.dimension_semantics<core_parallel>, #tpu.dimension_semantics<subcore_parallel>], iteration_bounds = array<i64: 2, 16>, scalar_prefetch = 0 : i64, scratch_operands = 3 : i64, tpu.core_type = #tpu.core_type<sc_vector_subcore>, window_params = [{transform_indices = #map}, {transform_indices = #map1}, {transform_indices = #map}]} {
    %mul3A = arith.constant 2 : i32
    %mul3A_0 = arith.muli %arg1, %mul3A : i32
    %add3A = arith.addi %mul3A_0, %arg0 : i32
    %mul3A_1 = arith.constant 136 : i32
    %mul3A_2 = arith.muli %add3A, %mul3A_1 : i32
    "tpu.region"() ({
      %run_scoped3A = tpu.sem_alloc : memref<!tpu.dma_semaphore, #tpu.memory_space<semaphore_mem>>
      %dma_start3A_7 = tpu.memref_slice %arg3[%mul3A_2] : memref<4352xi32, #tpu.memory_space<hbm>> -> memref<136xi32, #tpu.memory_space<hbm>>
      %dma_start3A_8 = tpu.memref_slice %arg3[%mul3A_2] : memref<4352xi32, #tpu.memory_space<hbm>> -> memref<136xi32, #tpu.memory_space<hbm>>
      tpu.enqueue_dma source(%dma_start3A_8 : memref<136xi32, #tpu.memory_space<hbm>>) target(%arg5 : memref<136xi32, #tpu.memory_space<vmem>>) target_semaphore(%run_scoped3A : memref<!tpu.dma_semaphore, #tpu.memory_space<semaphore_mem>>)
      %dma_wait3A_9 = tpu.memref_slice %arg3[%mul3A_2] : memref<4352xi32, #tpu.memory_space<hbm>> -> memref<136xi32, #tpu.memory_space<hbm>>
      %dma_wait3A_10 = tpu.memref_slice %arg3[%mul3A_2] : memref<4352xi32, #tpu.memory_space<hbm>> -> memref<136xi32, #tpu.memory_space<hbm>>
      tpu.wait_dma2 semaphore(%run_scoped3A : memref<!tpu.dma_semaphore, #tpu.memory_space<semaphore_mem>>) src(%dma_wait3A_10 : memref<136xi32, #tpu.memory_space<hbm>>) dst(%arg5 : memref<136xi32, #tpu.memory_space<vmem>>)
      tpu.yield
    }) : () -> ()
    %dma_start3A = arith.constant 0 : i32
    %dma_start3A_3 = arith.constant 0 : i32
    %dma_start3A_4 = tpu.memref_slice %arg2[%dma_start3A, %dma_start3A_3] : memref<6000x256xf32, #tpu.memory_space<hbm>> -> memref<6000x256xf32, #tpu.memory_space<hbm>>
    tpu.enqueue_indirect_dma source(%dma_start3A_4 : memref<6000x256xf32, #tpu.memory_space<hbm>>) target(%arg6 : memref<136x256xf32, #tpu.memory_space<vmem>>) offsets(%arg5 : memref<136xi32, #tpu.memory_space<vmem>>) semaphore(%arg7 : memref<!tpu.dma_semaphore, #tpu.memory_space<semaphore_mem>>)
    %dma_wait3A = arith.constant 0 : i32
    %dma_wait3A_5 = arith.constant 0 : i32
    %dma_wait3A_6 = tpu.memref_slice %arg2[%dma_wait3A, %dma_wait3A_5] : memref<6000x256xf32, #tpu.memory_space<hbm>> -> memref<6000x256xf32, #tpu.memory_space<hbm>>
    tpu.wait_indirect_dma semaphore(%arg7 : memref<!tpu.dma_semaphore, #tpu.memory_space<semaphore_mem>>) src(%dma_wait3A_6 : memref<6000x256xf32, #tpu.memory_space<hbm>>) dst(%arg6 : memref<136x256xf32, #tpu.memory_space<vmem>>)
    "tpu.region"() ({
      %run_scoped3A = tpu.sem_alloc : memref<!tpu.dma_semaphore, #tpu.memory_space<semaphore_mem>>
      %dma_start3A_7 = arith.constant 0 : i32
      %dma_start3A_8 = tpu.memref_slice %arg4[%mul3A_2, %dma_start3A_7] : memref<4352x256xf32, #tpu.memory_space<hbm>> -> memref<136x256xf32, #tpu.memory_space<hbm>>
      %dma_start3A_9 = arith.constant 0 : i32
      %dma_start3A_10 = tpu.memref_slice %arg4[%mul3A_2, %dma_start3A_9] : memref<4352x256xf32, #tpu.memory_space<hbm>> -> memref<136x256xf32, #tpu.memory_space<hbm>>
      tpu.enqueue_dma source(%arg6 : memref<136x256xf32, #tpu.memory_space<vmem>>) target(%dma_start3A_10 : memref<136x256xf32, #tpu.memory_space<hbm>>) target_semaphore(%run_scoped3A : memref<!tpu.dma_semaphore, #tpu.memory_space<semaphore_mem>>)
      %dma_wait3A_11 = arith.constant 0 : i32
      %dma_wait3A_12 = tpu.memref_slice %arg4[%mul3A_2, %dma_wait3A_11] : memref<4352x256xf32, #tpu.memory_space<hbm>> -> memref<136x256xf32, #tpu.memory_space<hbm>>
      %dma_wait3A_13 = arith.constant 0 : i32
      %dma_wait3A_14 = tpu.memref_slice %arg4[%mul3A_2, %dma_wait3A_13] : memref<4352x256xf32, #tpu.memory_space<hbm>> -> memref<136x256xf32, #tpu.memory_space<hbm>>
      tpu.wait_dma2 semaphore(%run_scoped3A : memref<!tpu.dma_semaphore, #tpu.memory_space<semaphore_mem>>) src(%arg6 : memref<136x256xf32, #tpu.memory_space<vmem>>) dst(%dma_wait3A_14 : memref<136x256xf32, #tpu.memory_space<hbm>>)
      tpu.yield
    }) : () -> ()
    return
  }
}

module attributes {stable_mosaic.version = 14 : i64} {
  func.func @_embed_mlp_body(%arg0: i32, %arg1: memref<256x256xf32, #tpu.memory_space<vmem>>, %arg2: memref<256x1024xf32, #tpu.memory_space<vmem>>, %arg3: memref<1x1024xf32, #tpu.memory_space<vmem>>, %arg4: memref<1024x1024xf32, #tpu.memory_space<vmem>>, %arg5: memref<1x1024xf32, #tpu.memory_space<vmem>>, %arg6: memref<256x1024xf32, #tpu.memory_space<vmem>>) attributes {dimension_semantics = [#tpu.dimension_semantics<arbitrary>], iteration_bounds = array<i64: 17>, scalar_prefetch = 0 : i64, scratch_operands = 0 : i64, tpu.core_type = #tpu.core_type<tc>, window_params = [{transform_indices = @transform_0, window_bounds = array<i64: 256, 256>}, {pipeline_mode = #tpu.pipeline_mode<synchronous>, transform_indices = @transform_1, window_bounds = array<i64: 256, 1024>}, {pipeline_mode = #tpu.pipeline_mode<synchronous>, transform_indices = @transform_2, window_bounds = array<i64: 1, 1024>}, {pipeline_mode = #tpu.pipeline_mode<synchronous>, transform_indices = @transform_3, window_bounds = array<i64: 1024, 1024>}, {pipeline_mode = #tpu.pipeline_mode<synchronous>, transform_indices = @transform_4, window_bounds = array<i64: 1, 1024>}, {transform_indices = @transform_5, window_bounds = array<i64: 256, 1024>}]} {
    %get3A = arith.constant 0 : index
    %get3A_0 = arith.constant 0 : index
    %get3A_1 = vector.load %arg1[%get3A, %get3A_0] : memref<256x256xf32, #tpu.memory_space<vmem>>, vector<256x256xf32>
    %get3A_2 = arith.constant 0 : index
    %get3A_3 = arith.constant 0 : index
    %get3A_4 = vector.load %arg2[%get3A_2, %get3A_3] : memref<256x1024xf32, #tpu.memory_space<vmem>>, vector<256x1024xf32>
    %dot_general3A = arith.constant dense<0.000000e+00> : vector<256x1024xf32>
    %dot_general3A_5 = tpu.matmul %get3A_1, %get3A_4, %dot_general3A {dimension_numbers = #tpu.dot_dimension_numbers<[1], [0], [0], [1], [0, 0, 1, 1], [], []>, transpose_lhs_hint = false} : vector<256x256xf32>, vector<256x1024xf32>, vector<256x1024xf32> -> vector<256x1024xf32>
    %get3A_6 = arith.constant 0 : index
    %get3A_7 = arith.constant 0 : index
    %get3A_8 = vector.load %arg3[%get3A_6, %get3A_7] : memref<1x1024xf32, #tpu.memory_space<vmem>>, vector<1x1024xf32>
    %add3A = vector.broadcast %get3A_8 : vector<1x1024xf32> to vector<256x1024xf32>
    %add3A_9 = arith.addf %dot_general3A_5, %add3A : vector<256x1024xf32>
    %integer_pow3A = arith.mulf %add3A_9, %add3A_9 : vector<256x1024xf32>
    %integer_pow3A_10 = arith.mulf %add3A_9, %integer_pow3A : vector<256x1024xf32>
    %mul3A = arith.constant 4.471500e-02 : f32
    %mul3A_11 = vector.broadcast %mul3A : f32 to vector<256x1024xf32>
    %mul3A_12 = arith.mulf %mul3A_11, %integer_pow3A_10 : vector<256x1024xf32>
    %add3A_13 = arith.addf %add3A_9, %mul3A_12 : vector<256x1024xf32>
    %mul3A_14 = arith.constant 0.797884583 : f32
    %mul3A_15 = vector.broadcast %mul3A_14 : f32 to vector<256x1024xf32>
    %mul3A_16 = arith.mulf %mul3A_15, %add3A_13 : vector<256x1024xf32>
    %tanh3A = math.tanh %mul3A_16 : vector<256x1024xf32>
    %add3A_17 = arith.constant 1.000000e+00 : f32
    %add3A_18 = vector.broadcast %add3A_17 : f32 to vector<256x1024xf32>
    %add3A_19 = arith.addf %add3A_18, %tanh3A : vector<256x1024xf32>
    %mul3A_20 = arith.constant 5.000000e-01 : f32
    %mul3A_21 = vector.broadcast %mul3A_20 : f32 to vector<256x1024xf32>
    %mul3A_22 = arith.mulf %mul3A_21, %add3A_19 : vector<256x1024xf32>
    %mul3A_23 = arith.mulf %add3A_9, %mul3A_22 : vector<256x1024xf32>
    %get3A_24 = arith.constant 0 : index
    %get3A_25 = arith.constant 0 : index
    %get3A_26 = vector.load %arg4[%get3A_24, %get3A_25] : memref<1024x1024xf32, #tpu.memory_space<vmem>>, vector<1024x1024xf32>
    %dot_general3A_27 = arith.constant dense<0.000000e+00> : vector<256x1024xf32>
    %dot_general3A_28 = tpu.matmul %mul3A_23, %get3A_26, %dot_general3A_27 {dimension_numbers = #tpu.dot_dimension_numbers<[1], [0], [0], [1], [0, 0, 1, 1], [], []>, transpose_lhs_hint = false} : vector<256x1024xf32>, vector<1024x1024xf32>, vector<256x1024xf32> -> vector<256x1024xf32>
    %get3A_29 = arith.constant 0 : index
    %get3A_30 = arith.constant 0 : index
    %get3A_31 = vector.load %arg5[%get3A_29, %get3A_30] : memref<1x1024xf32, #tpu.memory_space<vmem>>, vector<1x1024xf32>
    %add3A_32 = vector.broadcast %get3A_31 : vector<1x1024xf32> to vector<256x1024xf32>
    %add3A_33 = arith.addf %dot_general3A_28, %add3A_32 : vector<256x1024xf32>
    %swap3A = arith.constant 0 : index
    %swap3A_34 = arith.constant 0 : index
    %swap3A_35 = vector.load %arg6[%swap3A, %swap3A_34] : memref<256x1024xf32, #tpu.memory_space<vmem>>, vector<256x1024xf32>
    tpu.vector_store %arg6[%swap3A, %swap3A_34], %add3A_33 {strides = array<i32>} : memref<256x1024xf32, #tpu.memory_space<vmem>>, vector<256x1024xf32>,
    return
  }
  func.func @transform_0(%arg0: i32) -> (i32, i32) {
    %c0_i32 = arith.constant 0 : i32
    %c0_i32_0 = arith.constant 0 : i32
    return %arg0, %c0_i32 : i32, i32
  }
  func.func @transform_1(%arg0: i32) -> (i32, i32) {
    %c0_i32 = arith.constant 0 : i32
    %c0_i32_0 = arith.constant 0 : i32
    %c0_i32_1 = arith.constant 0 : i32
    return %c0_i32, %c0_i32_0 : i32, i32
  }
  func.func @transform_2(%arg0: i32) -> (i32, i32) {
    %c0_i32 = arith.constant 0 : i32
    %c0_i32_0 = arith.constant 0 : i32
    %c0_i32_1 = arith.constant 0 : i32
    return %c0_i32, %c0_i32_0 : i32, i32
  }
  func.func @transform_3(%arg0: i32) -> (i32, i32) {
    %c0_i32 = arith.constant 0 : i32
    %c0_i32_0 = arith.constant 0 : i32
    %c0_i32_1 = arith.constant 0 : i32
    return %c0_i32, %c0_i32_0 : i32, i32
  }
  func.func @transform_4(%arg0: i32) -> (i32, i32) {
    %c0_i32 = arith.constant 0 : i32
    %c0_i32_0 = arith.constant 0 : i32
    %c0_i32_1 = arith.constant 0 : i32
    return %c0_i32, %c0_i32_0 : i32, i32
  }
  func.func @transform_5(%arg0: i32) -> (i32, i32) {
    %c0_i32 = arith.constant 0 : i32
    %c0_i32_0 = arith.constant 0 : i32
    return %arg0, %c0_i32 : i32, i32
  }
}

module attributes {stable_mosaic.version = 14 : i64} {
  func.func @_proj_body(%arg0: i32, %arg1: memref<1x32x1024xf32, #tpu.memory_space<vmem>>, %arg2: memref<1x512x1024xf32, #tpu.memory_space<vmem>>, %arg3: memref<1x512x1024xf32, #tpu.memory_space<vmem>>, %arg4: memref<1x1x1024xf32, #tpu.memory_space<vmem>>, %arg5: memref<1024x1024xf32, #tpu.memory_space<vmem>>, %arg6: memref<1x1024xf32, #tpu.memory_space<vmem>>, %arg7: memref<1024x1024xf32, #tpu.memory_space<vmem>>, %arg8: memref<1x1024xf32, #tpu.memory_space<vmem>>, %arg9: memref<1024x1024xf32, #tpu.memory_space<vmem>>, %arg10: memref<1x1024xf32, #tpu.memory_space<vmem>>, %arg11: memref<1024x1024xf32, #tpu.memory_space<vmem>>, %arg12: memref<1024x1024xf32, #tpu.memory_space<vmem>>, %arg13: memref<1x1024xf32, #tpu.memory_space<vmem>>, %arg14: memref<1024x16xf32, #tpu.memory_space<vmem>>, %arg15: memref<1x16xf32, #tpu.memory_space<vmem>>, %arg16: memref<1x512x1024xf32, #tpu.memory_space<vmem>>, %arg17: memref<1x512x512xf32, #tpu.memory_space<vmem>>, %arg18: memref<1x512x16xf32, #tpu.memory_space<vmem>>) attributes {dimension_semantics = [#tpu.dimension_semantics<arbitrary>], iteration_bounds = array<i64: 8>, scalar_prefetch = 0 : i64, scratch_operands = 0 : i64, tpu.core_type = #tpu.core_type<tc>, window_params = [{transform_indices = @transform_0, window_bounds = array<i64: 1, 32, 1024>}, {transform_indices = @transform_1, window_bounds = array<i64: 1, 512, 1024>}, {transform_indices = @transform_2, window_bounds = array<i64: 1, 512, 1024>}, {transform_indices = @transform_3, window_bounds = array<i64: 1, 1, 1024>}, {pipeline_mode = #tpu.pipeline_mode<synchronous>, transform_indices = @transform_4, window_bounds = array<i64: 1024, 1024>}, {pipeline_mode = #tpu.pipeline_mode<synchronous>, transform_indices = @transform_5, window_bounds = array<i64: 1, 1024>}, {pipeline_mode = #tpu.pipeline_mode<synchronous>, transform_indices = @transform_6, window_bounds = array<i64: 1024, 1024>}, {pipeline_mode = #tpu.pipeline_mode<synchronous>, transform_indices = @transform_7, window_bounds = array<i64: 1, 1024>}, {pipeline_mode = #tpu.pipeline_mode<synchronous>, transform_indices = @transform_8, window_bounds = array<i64: 1024, 1024>}, {pipeline_mode = #tpu.pipeline_mode<synchronous>, transform_indices = @transform_9, window_bounds = array<i64: 1, 1024>}, {pipeline_mode = #tpu.pipeline_mode<synchronous>, transform_indices = @transform_10, window_bounds = array<i64: 1024, 1024>}, {pipeline_mode = #tpu.pipeline_mode<synchronous>, transform_indices = @transform_11, window_bounds = array<i64: 1024, 1024>}, {pipeline_mode = #tpu.pipeline_mode<synchronous>, transform_indices = @transform_12, window_bounds = array<i64: 1, 1024>}, {pipeline_mode = #tpu.pipeline_mode<synchronous>, transform_indices = @transform_13, window_bounds = array<i64: 1024, 16>}, {pipeline_mode = #tpu.pipeline_mode<synchronous>, transform_indices = @transform_14, window_bounds = array<i64: 1, 16>}, {transform_indices = @transform_15, window_bounds = array<i64: 1, 512, 1024>}, {transform_indices = @transform_16, window_bounds = array<i64: 1, 512, 512>}, {transform_indices = @transform_17, window_bounds = array<i64: 1, 512, 16>}]} {
    %get3A = arith.constant 0 : index
    %get3A_0 = arith.constant 0 : index
    %get3A_1 = arith.constant 0 : index
    %get3A_2 = vector.load %arg2[%get3A, %get3A_0, %get3A_1] : memref<1x512x1024xf32, #tpu.memory_space<vmem>>, vector<1x512x1024xf32>
    %get3A_3 = vector.shape_cast %get3A_2 : vector<1x512x1024xf32> to vector<512x1024xf32>
    %get3A_4 = arith.constant 0 : index
    %get3A_5 = arith.constant 0 : index
    %get3A_6 = arith.constant 0 : index
    %get3A_7 = vector.load %arg3[%get3A_4, %get3A_5, %get3A_6] : memref<1x512x1024xf32, #tpu.memory_space<vmem>>, vector<1x512x1024xf32>
    %get3A_8 = vector.shape_cast %get3A_7 : vector<1x512x1024xf32> to vector<512x1024xf32>
    %add3A = arith.addf %get3A_3, %get3A_8 : vector<512x1024xf32>
    %get3A_9 = arith.constant 0 : index
    %get3A_10 = arith.constant 0 : index
    %get3A_11 = vector.load %arg7[%get3A_9, %get3A_10] : memref<1024x1024xf32, #tpu.memory_space<vmem>>, vector<1024x1024xf32>
    %dot_general3A = arith.constant dense<0.000000e+00> : vector<512x1024xf32>
    %dot_general3A_12 = tpu.matmul %add3A, %get3A_11, %dot_general3A {dimension_numbers = #tpu.dot_dimension_numbers<[1], [0], [0], [1], [0, 0, 1, 1], [], []>, transpose_lhs_hint = false} : vector<512x1024xf32>, vector<1024x1024xf32>, vector<512x1024xf32> -> vector<512x1024xf32>
    %get3A_13 = arith.constant 0 : index
    %get3A_14 = arith.constant 0 : index
    %get3A_15 = vector.load %arg8[%get3A_13, %get3A_14] : memref<1x1024xf32, #tpu.memory_space<vmem>>, vector<1x1024xf32>
    %add3A_16 = vector.broadcast %get3A_15 : vector<1x1024xf32> to vector<512x1024xf32>
    %add3A_17 = arith.addf %dot_general3A_12, %add3A_16 : vector<512x1024xf32>
    %get3A_18 = arith.constant 0 : index
    %get3A_19 = arith.constant 0 : index
    %get3A_20 = vector.load %arg9[%get3A_18, %get3A_19] : memref<1024x1024xf32, #tpu.memory_space<vmem>>, vector<1024x1024xf32>
    %dot_general3A_21 = arith.constant dense<0.000000e+00> : vector<512x1024xf32>
    %dot_general3A_22 = tpu.matmul %add3A, %get3A_20, %dot_general3A_21 {dimension_numbers = #tpu.dot_dimension_numbers<[1], [0], [0], [1], [0, 0, 1, 1], [], []>, transpose_lhs_hint = false} : vector<512x1024xf32>, vector<1024x1024xf32>, vector<512x1024xf32> -> vector<512x1024xf32>
    %get3A_23 = arith.constant 0 : index
    %get3A_24 = arith.constant 0 : index
    %get3A_25 = vector.load %arg10[%get3A_23, %get3A_24] : memref<1x1024xf32, #tpu.memory_space<vmem>>, vector<1x1024xf32>
    %add3A_26 = vector.broadcast %get3A_25 : vector<1x1024xf32> to vector<512x1024xf32>
    %add3A_27 = arith.addf %dot_general3A_22, %add3A_26 : vector<512x1024xf32>
    %swap3A = arith.constant 0 : index
    %swap3A_28 = arith.constant 0 : index
    %swap3A_29 = arith.constant 0 : index
    %swap3A_30 = vector.load %arg16[%swap3A, %swap3A_28, %swap3A_29] : memref<1x512x1024xf32, #tpu.memory_space<vmem>>, vector<1x512x1024xf32>
    %swap3A_31 = vector.shape_cast %swap3A_30 : vector<1x512x1024xf32> to vector<512x1024xf32>
    %swap3A_32 = vector.shape_cast %add3A_27 : vector<512x1024xf32> to vector<1x512x1024xf32>
    tpu.vector_store %arg16[%swap3A, %swap3A_28, %swap3A_29], %swap3A_32 {strides = array<i32>} : memref<1x512x1024xf32, #tpu.memory_space<vmem>>, vector<1x512x1024xf32>,
    %get3A_33 = arith.constant 0 : index
    %get3A_34 = arith.constant 0 : index
    %get3A_35 = arith.constant 0 : index
    %get3A_36 = vector.load %arg1[%get3A_33, %get3A_34, %get3A_35] : memref<1x32x1024xf32, #tpu.memory_space<vmem>>, vector<1x32x1024xf32>
    %get3A_37 = vector.shape_cast %get3A_36 : vector<1x32x1024xf32> to vector<32x1024xf32>
    %reduce_sum3A = arith.constant dense<0.000000e+00> : vector<1024xf32>
    %reduce_sum3A_38 = vector.multi_reduction <add>, %get3A_37, %reduce_sum3A [0] : vector<32x1024xf32> to vector<1024xf32>
    %broadcast_in_dim3A = vector.shape_cast %reduce_sum3A_38 : vector<1024xf32> to vector<1x1024xf32>
    %div3A = arith.constant 3.200000e+01 : f32
    %div3A_39 = vector.broadcast %div3A : f32 to vector<1x1024xf32>
    %div3A_40 = arith.divf %broadcast_in_dim3A, %div3A_39 : vector<1x1024xf32>
    %get3A_41 = arith.constant 0 : index
    %get3A_42 = arith.constant 0 : index
    %get3A_43 = arith.constant 0 : index
    %get3A_44 = vector.load %arg4[%get3A_41, %get3A_42, %get3A_43] : memref<1x1x1024xf32, #tpu.memory_space<vmem>>, vector<1x1x1024xf32>
    %get3A_45 = vector.shape_cast %get3A_44 : vector<1x1x1024xf32> to vector<1x1024xf32>
    %add3A_46 = arith.addf %div3A_40, %get3A_45 : vector<1x1024xf32>
    %get3A_47 = arith.constant 0 : index
    %get3A_48 = arith.constant 0 : index
    %get3A_49 = vector.load %arg5[%get3A_47, %get3A_48] : memref<1024x1024xf32, #tpu.memory_space<vmem>>, vector<1024x1024xf32>
    %dot_general3A_50 = arith.constant dense<0.000000e+00> : vector<32x1024xf32>
    %dot_general3A_51 = tpu.matmul %get3A_37, %get3A_49, %dot_general3A_50 {dimension_numbers = #tpu.dot_dimension_numbers<[1], [0], [0], [1], [0, 0, 1, 1], [], []>, transpose_lhs_hint = false} : vector<32x1024xf32>, vector<1024x1024xf32>, vector<32x1024xf32> -> vector<32x1024xf32>
    %get3A_52 = arith.constant 0 : index
    %get3A_53 = arith.constant 0 : index
    %get3A_54 = vector.load %arg6[%get3A_52, %get3A_53] : memref<1x1024xf32, #tpu.memory_space<vmem>>, vector<1x1024xf32>
    %add3A_55 = vector.broadcast %get3A_54 : vector<1x1024xf32> to vector<32x1024xf32>
    %add3A_56 = arith.addf %dot_general3A_51, %add3A_55 : vector<32x1024xf32>
    %transpose3A = tpu.transpose %add3A_56, [1, 0] : vector<32x1024xf32> -> vector<1024x32xf32>
    %get3A_57 = arith.constant 0 : index
    %get3A_58 = arith.constant 0 : index
    %get3A_59 = vector.load %arg11[%get3A_57, %get3A_58] : memref<1024x1024xf32, #tpu.memory_space<vmem>>, vector<1024x1024xf32>
    %dot_general3A_60 = arith.constant dense<0.000000e+00> : vector<1x1024xf32>
    %dot_general3A_61 = tpu.matmul %add3A_46, %get3A_59, %dot_general3A_60 {dimension_numbers = #tpu.dot_dimension_numbers<[1], [0], [0], [1], [0, 0, 1, 1], [], []>, transpose_lhs_hint = false} : vector<1x1024xf32>, vector<1024x1024xf32>, vector<1x1024xf32> -> vector<1x1024xf32>
    %get3A_62 = arith.constant 0 : index
    %get3A_63 = arith.constant 0 : index
    %get3A_64 = vector.load %arg12[%get3A_62, %get3A_63] : memref<1024x1024xf32, #tpu.memory_space<vmem>>, vector<1024x1024xf32>
    %dot_general3A_65 = arith.constant dense<0.000000e+00> : vector<512x1024xf32>
    %dot_general3A_66 = tpu.matmul %add3A, %get3A_64, %dot_general3A_65 {dimension_numbers = #tpu.dot_dimension_numbers<[1], [0], [0], [1], [0, 0, 1, 1], [], []>, transpose_lhs_hint = false} : vector<512x1024xf32>, vector<1024x1024xf32>, vector<512x1024xf32> -> vector<512x1024xf32>
    %add3A_67 = vector.broadcast %dot_general3A_61 : vector<1x1024xf32> to vector<512x1024xf32>
    %add3A_68 = arith.addf %add3A_67, %dot_general3A_66 : vector<512x1024xf32>
    %get3A_69 = arith.constant 0 : index
    %get3A_70 = arith.constant 0 : index
    %get3A_71 = vector.load %arg13[%get3A_69, %get3A_70] : memref<1x1024xf32, #tpu.memory_space<vmem>>, vector<1x1024xf32>
    %add3A_72 = vector.broadcast %get3A_71 : vector<1x1024xf32> to vector<512x1024xf32>
    %add3A_73 = arith.addf %add3A_68, %add3A_72 : vector<512x1024xf32>
    %integer_pow3A = arith.mulf %add3A_73, %add3A_73 : vector<512x1024xf32>
    %integer_pow3A_74 = arith.mulf %add3A_73, %integer_pow3A : vector<512x1024xf32>
    %mul3A = arith.constant 4.471500e-02 : f32
    %mul3A_75 = vector.broadcast %mul3A : f32 to vector<512x1024xf32>
    %mul3A_76 = arith.mulf %mul3A_75, %integer_pow3A_74 : vector<512x1024xf32>
    %add3A_77 = arith.addf %add3A_73, %mul3A_76 : vector<512x1024xf32>
    %mul3A_78 = arith.constant 0.797884583 : f32
    %mul3A_79 = vector.broadcast %mul3A_78 : f32 to vector<512x1024xf32>
    %mul3A_80 = arith.mulf %mul3A_79, %add3A_77 : vector<512x1024xf32>
    %tanh3A = math.tanh %mul3A_80 : vector<512x1024xf32>
    %add3A_81 = arith.constant 1.000000e+00 : f32
    %add3A_82 = vector.broadcast %add3A_81 : f32 to vector<512x1024xf32>
    %add3A_83 = arith.addf %add3A_82, %tanh3A : vector<512x1024xf32>
    %mul3A_84 = arith.constant 5.000000e-01 : f32
    %mul3A_85 = vector.broadcast %mul3A_84 : f32 to vector<512x1024xf32>
    %mul3A_86 = arith.mulf %mul3A_85, %add3A_83 : vector<512x1024xf32>
    %mul3A_87 = arith.mulf %add3A_73, %mul3A_86 : vector<512x1024xf32>
    %get3A_88 = arith.constant 0 : index
    %get3A_89 = arith.constant 0 : index
    %get3A_90 = vector.load %arg14[%get3A_88, %get3A_89] : memref<1024x16xf32, #tpu.memory_space<vmem>>, vector<1024x16xf32>
    %dot_general3A_91 = arith.constant dense<0.000000e+00> : vector<512x16xf32>
    %dot_general3A_92 = tpu.matmul %mul3A_87, %get3A_90, %dot_general3A_91 {dimension_numbers = #tpu.dot_dimension_numbers<[1], [0], [0], [1], [0, 0, 1, 1], [], []>, transpose_lhs_hint = false} : vector<512x1024xf32>, vector<1024x16xf32>, vector<512x16xf32> -> vector<512x16xf32>
    %get3A_93 = arith.constant 0 : index
    %get3A_94 = arith.constant 0 : index
    %get3A_95 = vector.load %arg15[%get3A_93, %get3A_94] : memref<1x16xf32, #tpu.memory_space<vmem>>, vector<1x16xf32>
    %add3A_96 = vector.broadcast %get3A_95 : vector<1x16xf32> to vector<512x16xf32>
    %add3A_97 = arith.addf %dot_general3A_92, %add3A_96 : vector<512x16xf32>
    %logistic3A = arith.negf %add3A_97 : vector<512x16xf32>
    %logistic3A_98 = math.exp %logistic3A : vector<512x16xf32>
    %logistic3A_99 = arith.constant 1.000000e+00 : f32
    %logistic3A_100 = vector.broadcast %logistic3A_99 : f32 to vector<512x16xf32>
    %logistic3A_101 = arith.addf %logistic3A_100, %logistic3A_98 : vector<512x16xf32>
    %logistic3A_102 = arith.divf %logistic3A_100, %logistic3A_101 : vector<512x16xf32>
    %slice3A = vector.extract_strided_slice %add3A_17 {offsets = [0, 0], sizes = [512, 64], strides = [1, 1]} : vector<512x1024xf32> to vector<512x64xf32>
    %slice3A_103 = vector.extract_strided_slice %transpose3A {offsets = [0, 0], sizes = [64, 32], strides = [1, 1]} : vector<1024x32xf32> to vector<64x32xf32>
    %dot_general3A_104 = arith.constant dense<0.000000e+00> : vector<512x32xf32>
    %dot_general3A_105 = tpu.matmul %slice3A, %slice3A_103, %dot_general3A_104 {dimension_numbers = #tpu.dot_dimension_numbers<[1], [0], [0], [1], [0, 0, 1, 1], [], []>, transpose_lhs_hint = false} : vector<512x64xf32>, vector<64x32xf32>, vector<512x32xf32> -> vector<512x32xf32>
    %mul3A_106 = arith.constant 1.250000e-01 : f32
    %mul3A_107 = vector.broadcast %mul3A_106 : f32 to vector<512x32xf32>
    %mul3A_108 = arith.mulf %dot_general3A_105, %mul3A_107 : vector<512x32xf32>
    %slice3A_109 = vector.extract_strided_slice %logistic3A_102 {offsets = [0, 0], sizes = [512, 1], strides = [1, 1]} : vector<512x16xf32> to vector<512x1xf32>
    %mul3A_110 = vector.broadcast %slice3A_109 : vector<512x1xf32> to vector<512x32xf32>
    %mul3A_111 = arith.mulf %mul3A_108, %mul3A_110 : vector<512x32xf32>
    %swap3A_112 = arith.constant 0 : index
    %swap3A_113 = arith.constant 0 : index
    %swap3A_114 = arith.constant 0 : index
    %swap3A_115 = vector.load %arg17[%swap3A_112, %swap3A_113, %swap3A_114] : memref<1x512x512xf32, #tpu.memory_space<vmem>>, vector<1x512x32xf32>
    %swap3A_116 = vector.shape_cast %swap3A_115 : vector<1x512x32xf32> to vector<512x32xf32>
    %swap3A_117 = vector.shape_cast %mul3A_111 : vector<512x32xf32> to vector<1x512x32xf32>
    tpu.vector_store %arg17[%swap3A_112, %swap3A_113, %swap3A_114], %swap3A_117 {strides = array<i32>} : memref<1x512x512xf32, #tpu.memory_space<vmem>>, vector<1x512x32xf32>,
    %slice3A_118 = vector.extract_strided_slice %mul3A_111 {offsets = [0, 31], sizes = [512, 1], strides = [1, 1]} : vector<512x32xf32> to vector<512x1xf32>
    %swap3A_119 = arith.constant 0 : index
    %swap3A_120 = arith.constant 0 : index
    %swap3A_121 = arith.constant 0 : index
    %swap3A_122 = vector.load %arg18[%swap3A_119, %swap3A_120, %swap3A_121] : memref<1x512x16xf32, #tpu.memory_space<vmem>>, vector<1x512x1xf32>
    %swap3A_123 = vector.shape_cast %swap3A_122 : vector<1x512x1xf32> to vector<512x1xf32>
    %swap3A_124 = vector.shape_cast %slice3A_118 : vector<512x1xf32> to vector<1x512x1xf32>
    tpu.vector_store %arg18[%swap3A_119, %swap3A_120, %swap3A_121], %swap3A_124 {strides = array<i32>} : memref<1x512x16xf32, #tpu.memory_space<vmem>>, vector<1x512x1xf32>,
    %slice3A_125 = vector.extract_strided_slice %add3A_17 {offsets = [0, 64], sizes = [512, 64], strides = [1, 1]} : vector<512x1024xf32> to vector<512x64xf32>
    %slice3A_126 = vector.extract_strided_slice %transpose3A {offsets = [64, 0], sizes = [64, 32], strides = [1, 1]} : vector<1024x32xf32> to vector<64x32xf32>
    %dot_general3A_127 = arith.constant dense<0.000000e+00> : vector<512x32xf32>
    %dot_general3A_128 = tpu.matmul %slice3A_125, %slice3A_126, %dot_general3A_127 {dimension_numbers = #tpu.dot_dimension_numbers<[1], [0], [0], [1], [0, 0, 1, 1], [], []>, transpose_lhs_hint = false} : vector<512x64xf32>, vector<64x32xf32>, vector<512x32xf32> -> vector<512x32xf32>
    %mul3A_129 = arith.constant 1.250000e-01 : f32
    %mul3A_130 = vector.broadcast %mul3A_129 : f32 to vector<512x32xf32>
    %mul3A_131 = arith.mulf %dot_general3A_128, %mul3A_130 : vector<512x32xf32>
    %slice3A_132 = vector.extract_strided_slice %logistic3A_102 {offsets = [0, 1], sizes = [512, 1], strides = [1, 1]} : vector<512x16xf32> to vector<512x1xf32>
    %mul3A_133 = vector.broadcast %slice3A_132 : vector<512x1xf32> to vector<512x32xf32>
    %mul3A_134 = arith.mulf %mul3A_131, %mul3A_133 : vector<512x32xf32>
    %swap3A_135 = arith.constant 0 : index
    %swap3A_136 = arith.constant 0 : index
    %swap3A_137 = arith.constant 32 : index
    %swap3A_138 = vector.load %arg17[%swap3A_135, %swap3A_136, %swap3A_137] : memref<1x512x512xf32, #tpu.memory_space<vmem>>, vector<1x512x32xf32>
    %swap3A_139 = vector.shape_cast %swap3A_138 : vector<1x512x32xf32> to vector<512x32xf32>
    %swap3A_140 = vector.shape_cast %mul3A_134 : vector<512x32xf32> to vector<1x512x32xf32>
    tpu.vector_store %arg17[%swap3A_135, %swap3A_136, %swap3A_137], %swap3A_140 {strides = array<i32>} : memref<1x512x512xf32, #tpu.memory_space<vmem>>, vector<1x512x32xf32>,
    %slice3A_141 = vector.extract_strided_slice %mul3A_134 {offsets = [0, 31], sizes = [512, 1], strides = [1, 1]} : vector<512x32xf32> to vector<512x1xf32>
    %swap3A_142 = arith.constant 0 : index
    %swap3A_143 = arith.constant 0 : index
    %swap3A_144 = arith.constant 1 : index
    %swap3A_145 = vector.load %arg18[%swap3A_142, %swap3A_143, %swap3A_144] : memref<1x512x16xf32, #tpu.memory_space<vmem>>, vector<1x512x1xf32>
    %swap3A_146 = vector.shape_cast %swap3A_145 : vector<1x512x1xf32> to vector<512x1xf32>
    %swap3A_147 = vector.shape_cast %slice3A_141 : vector<512x1xf32> to vector<1x512x1xf32>
    tpu.vector_store %arg18[%swap3A_142, %swap3A_143, %swap3A_144], %swap3A_147 {strides = array<i32>} : memref<1x512x16xf32, #tpu.memory_space<vmem>>, vector<1x512x1xf32>,
    %slice3A_148 = vector.extract_strided_slice %add3A_17 {offsets = [0, 128], sizes = [512, 64], strides = [1, 1]} : vector<512x1024xf32> to vector<512x64xf32>
    %slice3A_149 = vector.extract_strided_slice %transpose3A {offsets = [128, 0], sizes = [64, 32], strides = [1, 1]} : vector<1024x32xf32> to vector<64x32xf32>
    %dot_general3A_150 = arith.constant dense<0.000000e+00> : vector<512x32xf32>
    %dot_general3A_151 = tpu.matmul %slice3A_148, %slice3A_149, %dot_general3A_150 {dimension_numbers = #tpu.dot_dimension_numbers<[1], [0], [0], [1], [0, 0, 1, 1], [], []>, transpose_lhs_hint = false} : vector<512x64xf32>, vector<64x32xf32>, vector<512x32xf32> -> vector<512x32xf32>
    %mul3A_152 = arith.constant 1.250000e-01 : f32
    %mul3A_153 = vector.broadcast %mul3A_152 : f32 to vector<512x32xf32>
    %mul3A_154 = arith.mulf %dot_general3A_151, %mul3A_153 : vector<512x32xf32>
    %slice3A_155 = vector.extract_strided_slice %logistic3A_102 {offsets = [0, 2], sizes = [512, 1], strides = [1, 1]} : vector<512x16xf32> to vector<512x1xf32>
    %mul3A_156 = vector.broadcast %slice3A_155 : vector<512x1xf32> to vector<512x32xf32>
    %mul3A_157 = arith.mulf %mul3A_154, %mul3A_156 : vector<512x32xf32>
    %swap3A_158 = arith.constant 0 : index
    %swap3A_159 = arith.constant 0 : index
    %swap3A_160 = arith.constant 64 : index
    %swap3A_161 = vector.load %arg17[%swap3A_158, %swap3A_159, %swap3A_160] : memref<1x512x512xf32, #tpu.memory_space<vmem>>, vector<1x512x32xf32>
    %swap3A_162 = vector.shape_cast %swap3A_161 : vector<1x512x32xf32> to vector<512x32xf32>
    %swap3A_163 = vector.shape_cast %mul3A_157 : vector<512x32xf32> to vector<1x512x32xf32>
    tpu.vector_store %arg17[%swap3A_158, %swap3A_159, %swap3A_160], %swap3A_163 {strides = array<i32>} : memref<1x512x512xf32, #tpu.memory_space<vmem>>, vector<1x512x32xf32>,
    %slice3A_164 = vector.extract_strided_slice %mul3A_157 {offsets = [0, 31], sizes = [512, 1], strides = [1, 1]} : vector<512x32xf32> to vector<512x1xf32>
    %swap3A_165 = arith.constant 0 : index
    %swap3A_166 = arith.constant 0 : index
    %swap3A_167 = arith.constant 2 : index
    %swap3A_168 = vector.load %arg18[%swap3A_165, %swap3A_166, %swap3A_167] : memref<1x512x16xf32, #tpu.memory_space<vmem>>, vector<1x512x1xf32>
    %swap3A_169 = vector.shape_cast %swap3A_168 : vector<1x512x1xf32> to vector<512x1xf32>
    %swap3A_170 = vector.shape_cast %slice3A_164 : vector<512x1xf32> to vector<1x512x1xf32>
    tpu.vector_store %arg18[%swap3A_165, %swap3A_166, %swap3A_167], %swap3A_170 {strides = array<i32>} : memref<1x512x16xf32, #tpu.memory_space<vmem>>, vector<1x512x1xf32>,
    %slice3A_171 = vector.extract_strided_slice %add3A_17 {offsets = [0, 192], sizes = [512, 64], strides = [1, 1]} : vector<512x1024xf32> to vector<512x64xf32>
    %slice3A_172 = vector.extract_strided_slice %transpose3A {offsets = [192, 0], sizes = [64, 32], strides = [1, 1]} : vector<1024x32xf32> to vector<64x32xf32>
    %dot_general3A_173 = arith.constant dense<0.000000e+00> : vector<512x32xf32>
    %dot_general3A_174 = tpu.matmul %slice3A_171, %slice3A_172, %dot_general3A_173 {dimension_numbers = #tpu.dot_dimension_numbers<[1], [0], [0], [1], [0, 0, 1, 1], [], []>, transpose_lhs_hint = false} : vector<512x64xf32>, vector<64x32xf32>, vector<512x32xf32> -> vector<512x32xf32>
    %mul3A_175 = arith.constant 1.250000e-01 : f32
    %mul3A_176 = vector.broadcast %mul3A_175 : f32 to vector<512x32xf32>
    %mul3A_177 = arith.mulf %dot_general3A_174, %mul3A_176 : vector<512x32xf32>
    %slice3A_178 = vector.extract_strided_slice %logistic3A_102 {offsets = [0, 3], sizes = [512, 1], strides = [1, 1]} : vector<512x16xf32> to vector<512x1xf32>
    %mul3A_179 = vector.broadcast %slice3A_178 : vector<512x1xf32> to vector<512x32xf32>
    %mul3A_180 = arith.mulf %mul3A_177, %mul3A_179 : vector<512x32xf32>
    %swap3A_181 = arith.constant 0 : index
    %swap3A_182 = arith.constant 0 : index
    %swap3A_183 = arith.constant 96 : index
    %swap3A_184 = vector.load %arg17[%swap3A_181, %swap3A_182, %swap3A_183] : memref<1x512x512xf32, #tpu.memory_space<vmem>>, vector<1x512x32xf32>
    %swap3A_185 = vector.shape_cast %swap3A_184 : vector<1x512x32xf32> to vector<512x32xf32>
    %swap3A_186 = vector.shape_cast %mul3A_180 : vector<512x32xf32> to vector<1x512x32xf32>
    tpu.vector_store %arg17[%swap3A_181, %swap3A_182, %swap3A_183], %swap3A_186 {strides = array<i32>} : memref<1x512x512xf32, #tpu.memory_space<vmem>>, vector<1x512x32xf32>,
    %slice3A_187 = vector.extract_strided_slice %mul3A_180 {offsets = [0, 31], sizes = [512, 1], strides = [1, 1]} : vector<512x32xf32> to vector<512x1xf32>
    %swap3A_188 = arith.constant 0 : index
    %swap3A_189 = arith.constant 0 : index
    %swap3A_190 = arith.constant 3 : index
    %swap3A_191 = vector.load %arg18[%swap3A_188, %swap3A_189, %swap3A_190] : memref<1x512x16xf32, #tpu.memory_space<vmem>>, vector<1x512x1xf32>
    %swap3A_192 = vector.shape_cast %swap3A_191 : vector<1x512x1xf32> to vector<512x1xf32>
    %swap3A_193 = vector.shape_cast %slice3A_187 : vector<512x1xf32> to vector<1x512x1xf32>
    tpu.vector_store %arg18[%swap3A_188, %swap3A_189, %swap3A_190], %swap3A_193 {strides = array<i32>} : memref<1x512x16xf32, #tpu.memory_space<vmem>>, vector<1x512x1xf32>,
    %slice3A_194 = vector.extract_strided_slice %add3A_17 {offsets = [0, 256], sizes = [512, 64], strides = [1, 1]} : vector<512x1024xf32> to vector<512x64xf32>
    %slice3A_195 = vector.extract_strided_slice %transpose3A {offsets = [256, 0], sizes = [64, 32], strides = [1, 1]} : vector<1024x32xf32> to vector<64x32xf32>
    %dot_general3A_196 = arith.constant dense<0.000000e+00> : vector<512x32xf32>
    %dot_general3A_197 = tpu.matmul %slice3A_194, %slice3A_195, %dot_general3A_196 {dimension_numbers = #tpu.dot_dimension_numbers<[1], [0], [0], [1], [0, 0, 1, 1], [], []>, transpose_lhs_hint = false} : vector<512x64xf32>, vector<64x32xf32>, vector<512x32xf32> -> vector<512x32xf32>
    %mul3A_198 = arith.constant 1.250000e-01 : f32
    %mul3A_199 = vector.broadcast %mul3A_198 : f32 to vector<512x32xf32>
    %mul3A_200 = arith.mulf %dot_general3A_197, %mul3A_199 : vector<512x32xf32>
    %slice3A_201 = vector.extract_strided_slice %logistic3A_102 {offsets = [0, 4], sizes = [512, 1], strides = [1, 1]} : vector<512x16xf32> to vector<512x1xf32>
    %mul3A_202 = vector.broadcast %slice3A_201 : vector<512x1xf32> to vector<512x32xf32>
    %mul3A_203 = arith.mulf %mul3A_200, %mul3A_202 : vector<512x32xf32>
    %swap3A_204 = arith.constant 0 : index
    %swap3A_205 = arith.constant 0 : index
    %swap3A_206 = arith.constant 128 : index
    %swap3A_207 = vector.load %arg17[%swap3A_204, %swap3A_205, %swap3A_206] : memref<1x512x512xf32, #tpu.memory_space<vmem>>, vector<1x512x32xf32>
    %swap3A_208 = vector.shape_cast %swap3A_207 : vector<1x512x32xf32> to vector<512x32xf32>
    %swap3A_209 = vector.shape_cast %mul3A_203 : vector<512x32xf32> to vector<1x512x32xf32>
    tpu.vector_store %arg17[%swap3A_204, %swap3A_205, %swap3A_206], %swap3A_209 {strides = array<i32>} : memref<1x512x512xf32, #tpu.memory_space<vmem>>, vector<1x512x32xf32>,
    %slice3A_210 = vector.extract_strided_slice %mul3A_203 {offsets = [0, 31], sizes = [512, 1], strides = [1, 1]} : vector<512x32xf32> to vector<512x1xf32>
    %swap3A_211 = arith.constant 0 : index
    %swap3A_212 = arith.constant 0 : index
    %swap3A_213 = arith.constant 4 : index
    %swap3A_214 = vector.load %arg18[%swap3A_211, %swap3A_212, %swap3A_213] : memref<1x512x16xf32, #tpu.memory_space<vmem>>, vector<1x512x1xf32>
    %swap3A_215 = vector.shape_cast %swap3A_214 : vector<1x512x1xf32> to vector<512x1xf32>
    %swap3A_216 = vector.shape_cast %slice3A_210 : vector<512x1xf32> to vector<1x512x1xf32>
    tpu.vector_store %arg18[%swap3A_211, %swap3A_212, %swap3A_213], %swap3A_216 {strides = array<i32>} : memref<1x512x16xf32, #tpu.memory_space<vmem>>, vector<1x512x1xf32>,
    %slice3A_217 = vector.extract_strided_slice %add3A_17 {offsets = [0, 320], sizes = [512, 64], strides = [1, 1]} : vector<512x1024xf32> to vector<512x64xf32>
    %slice3A_218 = vector.extract_strided_slice %transpose3A {offsets = [320, 0], sizes = [64, 32], strides = [1, 1]} : vector<1024x32xf32> to vector<64x32xf32>
    %dot_general3A_219 = arith.constant dense<0.000000e+00> : vector<512x32xf32>
    %dot_general3A_220 = tpu.matmul %slice3A_217, %slice3A_218, %dot_general3A_219 {dimension_numbers = #tpu.dot_dimension_numbers<[1], [0], [0], [1], [0, 0, 1, 1], [], []>, transpose_lhs_hint = false} : vector<512x64xf32>, vector<64x32xf32>, vector<512x32xf32> -> vector<512x32xf32>
    %mul3A_221 = arith.constant 1.250000e-01 : f32
    %mul3A_222 = vector.broadcast %mul3A_221 : f32 to vector<512x32xf32>
    %mul3A_223 = arith.mulf %dot_general3A_220, %mul3A_222 : vector<512x32xf32>
    %slice3A_224 = vector.extract_strided_slice %logistic3A_102 {offsets = [0, 5], sizes = [512, 1], strides = [1, 1]} : vector<512x16xf32> to vector<512x1xf32>
    %mul3A_225 = vector.broadcast %slice3A_224 : vector<512x1xf32> to vector<512x32xf32>
    %mul3A_226 = arith.mulf %mul3A_223, %mul3A_225 : vector<512x32xf32>
    %swap3A_227 = arith.constant 0 : index
    %swap3A_228 = arith.constant 0 : index
    %swap3A_229 = arith.constant 160 : index
    %swap3A_230 = vector.load %arg17[%swap3A_227, %swap3A_228, %swap3A_229] : memref<1x512x512xf32, #tpu.memory_space<vmem>>, vector<1x512x32xf32>
    %swap3A_231 = vector.shape_cast %swap3A_230 : vector<1x512x32xf32> to vector<512x32xf32>
    %swap3A_232 = vector.shape_cast %mul3A_226 : vector<512x32xf32> to vector<1x512x32xf32>
    tpu.vector_store %arg17[%swap3A_227, %swap3A_228, %swap3A_229], %swap3A_232 {strides = array<i32>} : memref<1x512x512xf32, #tpu.memory_space<vmem>>, vector<1x512x32xf32>,
    %slice3A_233 = vector.extract_strided_slice %mul3A_226 {offsets = [0, 31], sizes = [512, 1], strides = [1, 1]} : vector<512x32xf32> to vector<512x1xf32>
    %swap3A_234 = arith.constant 0 : index
    %swap3A_235 = arith.constant 0 : index
    %swap3A_236 = arith.constant 5 : index
    %swap3A_237 = vector.load %arg18[%swap3A_234, %swap3A_235, %swap3A_236] : memref<1x512x16xf32, #tpu.memory_space<vmem>>, vector<1x512x1xf32>
    %swap3A_238 = vector.shape_cast %swap3A_237 : vector<1x512x1xf32> to vector<512x1xf32>
    %swap3A_239 = vector.shape_cast %slice3A_233 : vector<512x1xf32> to vector<1x512x1xf32>
    tpu.vector_store %arg18[%swap3A_234, %swap3A_235, %swap3A_236], %swap3A_239 {strides = array<i32>} : memref<1x512x16xf32, #tpu.memory_space<vmem>>, vector<1x512x1xf32>,
    %slice3A_240 = vector.extract_strided_slice %add3A_17 {offsets = [0, 384], sizes = [512, 64], strides = [1, 1]} : vector<512x1024xf32> to vector<512x64xf32>
    %slice3A_241 = vector.extract_strided_slice %transpose3A {offsets = [384, 0], sizes = [64, 32], strides = [1, 1]} : vector<1024x32xf32> to vector<64x32xf32>
    %dot_general3A_242 = arith.constant dense<0.000000e+00> : vector<512x32xf32>
    %dot_general3A_243 = tpu.matmul %slice3A_240, %slice3A_241, %dot_general3A_242 {dimension_numbers = #tpu.dot_dimension_numbers<[1], [0], [0], [1], [0, 0, 1, 1], [], []>, transpose_lhs_hint = false} : vector<512x64xf32>, vector<64x32xf32>, vector<512x32xf32> -> vector<512x32xf32>
    %mul3A_244 = arith.constant 1.250000e-01 : f32
    %mul3A_245 = vector.broadcast %mul3A_244 : f32 to vector<512x32xf32>
    %mul3A_246 = arith.mulf %dot_general3A_243, %mul3A_245 : vector<512x32xf32>
    %slice3A_247 = vector.extract_strided_slice %logistic3A_102 {offsets = [0, 6], sizes = [512, 1], strides = [1, 1]} : vector<512x16xf32> to vector<512x1xf32>
    %mul3A_248 = vector.broadcast %slice3A_247 : vector<512x1xf32> to vector<512x32xf32>
    %mul3A_249 = arith.mulf %mul3A_246, %mul3A_248 : vector<512x32xf32>
    %swap3A_250 = arith.constant 0 : index
    %swap3A_251 = arith.constant 0 : index
    %swap3A_252 = arith.constant 192 : index
    %swap3A_253 = vector.load %arg17[%swap3A_250, %swap3A_251, %swap3A_252] : memref<1x512x512xf32, #tpu.memory_space<vmem>>, vector<1x512x32xf32>
    %swap3A_254 = vector.shape_cast %swap3A_253 : vector<1x512x32xf32> to vector<512x32xf32>
    %swap3A_255 = vector.shape_cast %mul3A_249 : vector<512x32xf32> to vector<1x512x32xf32>
    tpu.vector_store %arg17[%swap3A_250, %swap3A_251, %swap3A_252], %swap3A_255 {strides = array<i32>} : memref<1x512x512xf32, #tpu.memory_space<vmem>>, vector<1x512x32xf32>,
    %slice3A_256 = vector.extract_strided_slice %mul3A_249 {offsets = [0, 31], sizes = [512, 1], strides = [1, 1]} : vector<512x32xf32> to vector<512x1xf32>
    %swap3A_257 = arith.constant 0 : index
    %swap3A_258 = arith.constant 0 : index
    %swap3A_259 = arith.constant 6 : index
    %swap3A_260 = vector.load %arg18[%swap3A_257, %swap3A_258, %swap3A_259] : memref<1x512x16xf32, #tpu.memory_space<vmem>>, vector<1x512x1xf32>
    %swap3A_261 = vector.shape_cast %swap3A_260 : vector<1x512x1xf32> to vector<512x1xf32>
    %swap3A_262 = vector.shape_cast %slice3A_256 : vector<512x1xf32> to vector<1x512x1xf32>
    tpu.vector_store %arg18[%swap3A_257, %swap3A_258, %swap3A_259], %swap3A_262 {strides = array<i32>} : memref<1x512x16xf32, #tpu.memory_space<vmem>>, vector<1x512x1xf32>,
    %slice3A_263 = vector.extract_strided_slice %add3A_17 {offsets = [0, 448], sizes = [512, 64], strides = [1, 1]} : vector<512x1024xf32> to vector<512x64xf32>
    %slice3A_264 = vector.extract_strided_slice %transpose3A {offsets = [448, 0], sizes = [64, 32], strides = [1, 1]} : vector<1024x32xf32> to vector<64x32xf32>
    %dot_general3A_265 = arith.constant dense<0.000000e+00> : vector<512x32xf32>
    %dot_general3A_266 = tpu.matmul %slice3A_263, %slice3A_264, %dot_general3A_265 {dimension_numbers = #tpu.dot_dimension_numbers<[1], [0], [0], [1], [0, 0, 1, 1], [], []>, transpose_lhs_hint = false} : vector<512x64xf32>, vector<64x32xf32>, vector<512x32xf32> -> vector<512x32xf32>
    %mul3A_267 = arith.constant 1.250000e-01 : f32
    %mul3A_268 = vector.broadcast %mul3A_267 : f32 to vector<512x32xf32>
    %mul3A_269 = arith.mulf %dot_general3A_266, %mul3A_268 : vector<512x32xf32>
    %slice3A_270 = vector.extract_strided_slice %logistic3A_102 {offsets = [0, 7], sizes = [512, 1], strides = [1, 1]} : vector<512x16xf32> to vector<512x1xf32>
    %mul3A_271 = vector.broadcast %slice3A_270 : vector<512x1xf32> to vector<512x32xf32>
    %mul3A_272 = arith.mulf %mul3A_269, %mul3A_271 : vector<512x32xf32>
    %swap3A_273 = arith.constant 0 : index
    %swap3A_274 = arith.constant 0 : index
    %swap3A_275 = arith.constant 224 : index
    %swap3A_276 = vector.load %arg17[%swap3A_273, %swap3A_274, %swap3A_275] : memref<1x512x512xf32, #tpu.memory_space<vmem>>, vector<1x512x32xf32>
    %swap3A_277 = vector.shape_cast %swap3A_276 : vector<1x512x32xf32> to vector<512x32xf32>
    %swap3A_278 = vector.shape_cast %mul3A_272 : vector<512x32xf32> to vector<1x512x32xf32>
    tpu.vector_store %arg17[%swap3A_273, %swap3A_274, %swap3A_275], %swap3A_278 {strides = array<i32>} : memref<1x512x512xf32, #tpu.memory_space<vmem>>, vector<1x512x32xf32>,
    %slice3A_279 = vector.extract_strided_slice %mul3A_272 {offsets = [0, 31], sizes = [512, 1], strides = [1, 1]} : vector<512x32xf32> to vector<512x1xf32>
    %swap3A_280 = arith.constant 0 : index
    %swap3A_281 = arith.constant 0 : index
    %swap3A_282 = arith.constant 7 : index
    %swap3A_283 = vector.load %arg18[%swap3A_280, %swap3A_281, %swap3A_282] : memref<1x512x16xf32, #tpu.memory_space<vmem>>, vector<1x512x1xf32>
    %swap3A_284 = vector.shape_cast %swap3A_283 : vector<1x512x1xf32> to vector<512x1xf32>
    %swap3A_285 = vector.shape_cast %slice3A_279 : vector<512x1xf32> to vector<1x512x1xf32>
    tpu.vector_store %arg18[%swap3A_280, %swap3A_281, %swap3A_282], %swap3A_285 {strides = array<i32>} : memref<1x512x16xf32, #tpu.memory_space<vmem>>, vector<1x512x1xf32>,
    %slice3A_286 = vector.extract_strided_slice %add3A_17 {offsets = [0, 512], sizes = [512, 64], strides = [1, 1]} : vector<512x1024xf32> to vector<512x64xf32>
    %slice3A_287 = vector.extract_strided_slice %transpose3A {offsets = [512, 0], sizes = [64, 32], strides = [1, 1]} : vector<1024x32xf32> to vector<64x32xf32>
    %dot_general3A_288 = arith.constant dense<0.000000e+00> : vector<512x32xf32>
    %dot_general3A_289 = tpu.matmul %slice3A_286, %slice3A_287, %dot_general3A_288 {dimension_numbers = #tpu.dot_dimension_numbers<[1], [0], [0], [1], [0, 0, 1, 1], [], []>, transpose_lhs_hint = false} : vector<512x64xf32>, vector<64x32xf32>, vector<512x32xf32> -> vector<512x32xf32>
    %mul3A_290 = arith.constant 1.250000e-01 : f32
    %mul3A_291 = vector.broadcast %mul3A_290 : f32 to vector<512x32xf32>
    %mul3A_292 = arith.mulf %dot_general3A_289, %mul3A_291 : vector<512x32xf32>
    %slice3A_293 = vector.extract_strided_slice %logistic3A_102 {offsets = [0, 8], sizes = [512, 1], strides = [1, 1]} : vector<512x16xf32> to vector<512x1xf32>
    %mul3A_294 = vector.broadcast %slice3A_293 : vector<512x1xf32> to vector<512x32xf32>
    %mul3A_295 = arith.mulf %mul3A_292, %mul3A_294 : vector<512x32xf32>
    %swap3A_296 = arith.constant 0 : index
    %swap3A_297 = arith.constant 0 : index
    %swap3A_298 = arith.constant 256 : index
    %swap3A_299 = vector.load %arg17[%swap3A_296, %swap3A_297, %swap3A_298] : memref<1x512x512xf32, #tpu.memory_space<vmem>>, vector<1x512x32xf32>
    %swap3A_300 = vector.shape_cast %swap3A_299 : vector<1x512x32xf32> to vector<512x32xf32>
    %swap3A_301 = vector.shape_cast %mul3A_295 : vector<512x32xf32> to vector<1x512x32xf32>
    tpu.vector_store %arg17[%swap3A_296, %swap3A_297, %swap3A_298], %swap3A_301 {strides = array<i32>} : memref<1x512x512xf32, #tpu.memory_space<vmem>>, vector<1x512x32xf32>,
    %slice3A_302 = vector.extract_strided_slice %mul3A_295 {offsets = [0, 31], sizes = [512, 1], strides = [1, 1]} : vector<512x32xf32> to vector<512x1xf32>
    %swap3A_303 = arith.constant 0 : index
    %swap3A_304 = arith.constant 0 : index
    %swap3A_305 = arith.constant 8 : index
    %swap3A_306 = vector.load %arg18[%swap3A_303, %swap3A_304, %swap3A_305] : memref<1x512x16xf32, #tpu.memory_space<vmem>>, vector<1x512x1xf32>
    %swap3A_307 = vector.shape_cast %swap3A_306 : vector<1x512x1xf32> to vector<512x1xf32>
    %swap3A_308 = vector.shape_cast %slice3A_302 : vector<512x1xf32> to vector<1x512x1xf32>
    tpu.vector_store %arg18[%swap3A_303, %swap3A_304, %swap3A_305], %swap3A_308 {strides = array<i32>} : memref<1x512x16xf32, #tpu.memory_space<vmem>>, vector<1x512x1xf32>,
    %slice3A_309 = vector.extract_strided_slice %add3A_17 {offsets = [0, 576], sizes = [512, 64], strides = [1, 1]} : vector<512x1024xf32> to vector<512x64xf32>
    %slice3A_310 = vector.extract_strided_slice %transpose3A {offsets = [576, 0], sizes = [64, 32], strides = [1, 1]} : vector<1024x32xf32> to vector<64x32xf32>
    %dot_general3A_311 = arith.constant dense<0.000000e+00> : vector<512x32xf32>
    %dot_general3A_312 = tpu.matmul %slice3A_309, %slice3A_310, %dot_general3A_311 {dimension_numbers = #tpu.dot_dimension_numbers<[1], [0], [0], [1], [0, 0, 1, 1], [], []>, transpose_lhs_hint = false} : vector<512x64xf32>, vector<64x32xf32>, vector<512x32xf32> -> vector<512x32xf32>
    %mul3A_313 = arith.constant 1.250000e-01 : f32
    %mul3A_314 = vector.broadcast %mul3A_313 : f32 to vector<512x32xf32>
    %mul3A_315 = arith.mulf %dot_general3A_312, %mul3A_314 : vector<512x32xf32>
    %slice3A_316 = vector.extract_strided_slice %logistic3A_102 {offsets = [0, 9], sizes = [512, 1], strides = [1, 1]} : vector<512x16xf32> to vector<512x1xf32>
    %mul3A_317 = vector.broadcast %slice3A_316 : vector<512x1xf32> to vector<512x32xf32>
    %mul3A_318 = arith.mulf %mul3A_315, %mul3A_317 : vector<512x32xf32>
    %swap3A_319 = arith.constant 0 : index
    %swap3A_320 = arith.constant 0 : index
    %swap3A_321 = arith.constant 288 : index
    %swap3A_322 = vector.load %arg17[%swap3A_319, %swap3A_320, %swap3A_321] : memref<1x512x512xf32, #tpu.memory_space<vmem>>, vector<1x512x32xf32>
    %swap3A_323 = vector.shape_cast %swap3A_322 : vector<1x512x32xf32> to vector<512x32xf32>
    %swap3A_324 = vector.shape_cast %mul3A_318 : vector<512x32xf32> to vector<1x512x32xf32>
    tpu.vector_store %arg17[%swap3A_319, %swap3A_320, %swap3A_321], %swap3A_324 {strides = array<i32>} : memref<1x512x512xf32, #tpu.memory_space<vmem>>, vector<1x512x32xf32>,
    %slice3A_325 = vector.extract_strided_slice %mul3A_318 {offsets = [0, 31], sizes = [512, 1], strides = [1, 1]} : vector<512x32xf32> to vector<512x1xf32>
    %swap3A_326 = arith.constant 0 : index
    %swap3A_327 = arith.constant 0 : index
    %swap3A_328 = arith.constant 9 : index
    %swap3A_329 = vector.load %arg18[%swap3A_326, %swap3A_327, %swap3A_328] : memref<1x512x16xf32, #tpu.memory_space<vmem>>, vector<1x512x1xf32>
    %swap3A_330 = vector.shape_cast %swap3A_329 : vector<1x512x1xf32> to vector<512x1xf32>
    %swap3A_331 = vector.shape_cast %slice3A_325 : vector<512x1xf32> to vector<1x512x1xf32>
    tpu.vector_store %arg18[%swap3A_326, %swap3A_327, %swap3A_328], %swap3A_331 {strides = array<i32>} : memref<1x512x16xf32, #tpu.memory_space<vmem>>, vector<1x512x1xf32>,
    %slice3A_332 = vector.extract_strided_slice %add3A_17 {offsets = [0, 640], sizes = [512, 64], strides = [1, 1]} : vector<512x1024xf32> to vector<512x64xf32>
    %slice3A_333 = vector.extract_strided_slice %transpose3A {offsets = [640, 0], sizes = [64, 32], strides = [1, 1]} : vector<1024x32xf32> to vector<64x32xf32>
    %dot_general3A_334 = arith.constant dense<0.000000e+00> : vector<512x32xf32>
    %dot_general3A_335 = tpu.matmul %slice3A_332, %slice3A_333, %dot_general3A_334 {dimension_numbers = #tpu.dot_dimension_numbers<[1], [0], [0], [1], [0, 0, 1, 1], [], []>, transpose_lhs_hint = false} : vector<512x64xf32>, vector<64x32xf32>, vector<512x32xf32> -> vector<512x32xf32>
    %mul3A_336 = arith.constant 1.250000e-01 : f32
    %mul3A_337 = vector.broadcast %mul3A_336 : f32 to vector<512x32xf32>
    %mul3A_338 = arith.mulf %dot_general3A_335, %mul3A_337 : vector<512x32xf32>
    %slice3A_339 = vector.extract_strided_slice %logistic3A_102 {offsets = [0, 10], sizes = [512, 1], strides = [1, 1]} : vector<512x16xf32> to vector<512x1xf32>
    %mul3A_340 = vector.broadcast %slice3A_339 : vector<512x1xf32> to vector<512x32xf32>
    %mul3A_341 = arith.mulf %mul3A_338, %mul3A_340 : vector<512x32xf32>
    %swap3A_342 = arith.constant 0 : index
    %swap3A_343 = arith.constant 0 : index
    %swap3A_344 = arith.constant 320 : index
    %swap3A_345 = vector.load %arg17[%swap3A_342, %swap3A_343, %swap3A_344] : memref<1x512x512xf32, #tpu.memory_space<vmem>>, vector<1x512x32xf32>
    %swap3A_346 = vector.shape_cast %swap3A_345 : vector<1x512x32xf32> to vector<512x32xf32>
    %swap3A_347 = vector.shape_cast %mul3A_341 : vector<512x32xf32> to vector<1x512x32xf32>
    tpu.vector_store %arg17[%swap3A_342, %swap3A_343, %swap3A_344], %swap3A_347 {strides = array<i32>} : memref<1x512x512xf32, #tpu.memory_space<vmem>>, vector<1x512x32xf32>,
    %slice3A_348 = vector.extract_strided_slice %mul3A_341 {offsets = [0, 31], sizes = [512, 1], strides = [1, 1]} : vector<512x32xf32> to vector<512x1xf32>
    %swap3A_349 = arith.constant 0 : index
    %swap3A_350 = arith.constant 0 : index
    %swap3A_351 = arith.constant 10 : index
    %swap3A_352 = vector.load %arg18[%swap3A_349, %swap3A_350, %swap3A_351] : memref<1x512x16xf32, #tpu.memory_space<vmem>>, vector<1x512x1xf32>
    %swap3A_353 = vector.shape_cast %swap3A_352 : vector<1x512x1xf32> to vector<512x1xf32>
    %swap3A_354 = vector.shape_cast %slice3A_348 : vector<512x1xf32> to vector<1x512x1xf32>
    tpu.vector_store %arg18[%swap3A_349, %swap3A_350, %swap3A_351], %swap3A_354 {strides = array<i32>} : memref<1x512x16xf32, #tpu.memory_space<vmem>>, vector<1x512x1xf32>,
    %slice3A_355 = vector.extract_strided_slice %add3A_17 {offsets = [0, 704], sizes = [512, 64], strides = [1, 1]} : vector<512x1024xf32> to vector<512x64xf32>
    %slice3A_356 = vector.extract_strided_slice %transpose3A {offsets = [704, 0], sizes = [64, 32], strides = [1, 1]} : vector<1024x32xf32> to vector<64x32xf32>
    %dot_general3A_357 = arith.constant dense<0.000000e+00> : vector<512x32xf32>
    %dot_general3A_358 = tpu.matmul %slice3A_355, %slice3A_356, %dot_general3A_357 {dimension_numbers = #tpu.dot_dimension_numbers<[1], [0], [0], [1], [0, 0, 1, 1], [], []>, transpose_lhs_hint = false} : vector<512x64xf32>, vector<64x32xf32>, vector<512x32xf32> -> vector<512x32xf32>
    %mul3A_359 = arith.constant 1.250000e-01 : f32
    %mul3A_360 = vector.broadcast %mul3A_359 : f32 to vector<512x32xf32>
    %mul3A_361 = arith.mulf %dot_general3A_358, %mul3A_360 : vector<512x32xf32>
    %slice3A_362 = vector.extract_strided_slice %logistic3A_102 {offsets = [0, 11], sizes = [512, 1], strides = [1, 1]} : vector<512x16xf32> to vector<512x1xf32>
    %mul3A_363 = vector.broadcast %slice3A_362 : vector<512x1xf32> to vector<512x32xf32>
    %mul3A_364 = arith.mulf %mul3A_361, %mul3A_363 : vector<512x32xf32>
    %swap3A_365 = arith.constant 0 : index
    %swap3A_366 = arith.constant 0 : index
    %swap3A_367 = arith.constant 352 : index
    %swap3A_368 = vector.load %arg17[%swap3A_365, %swap3A_366, %swap3A_367] : memref<1x512x512xf32, #tpu.memory_space<vmem>>, vector<1x512x32xf32>
    %swap3A_369 = vector.shape_cast %swap3A_368 : vector<1x512x32xf32> to vector<512x32xf32>
    %swap3A_370 = vector.shape_cast %mul3A_364 : vector<512x32xf32> to vector<1x512x32xf32>
    tpu.vector_store %arg17[%swap3A_365, %swap3A_366, %swap3A_367], %swap3A_370 {strides = array<i32>} : memref<1x512x512xf32, #tpu.memory_space<vmem>>, vector<1x512x32xf32>,
    %slice3A_371 = vector.extract_strided_slice %mul3A_364 {offsets = [0, 31], sizes = [512, 1], strides = [1, 1]} : vector<512x32xf32> to vector<512x1xf32>
    %swap3A_372 = arith.constant 0 : index
    %swap3A_373 = arith.constant 0 : index
    %swap3A_374 = arith.constant 11 : index
    %swap3A_375 = vector.load %arg18[%swap3A_372, %swap3A_373, %swap3A_374] : memref<1x512x16xf32, #tpu.memory_space<vmem>>, vector<1x512x1xf32>
    %swap3A_376 = vector.shape_cast %swap3A_375 : vector<1x512x1xf32> to vector<512x1xf32>
    %swap3A_377 = vector.shape_cast %slice3A_371 : vector<512x1xf32> to vector<1x512x1xf32>
    tpu.vector_store %arg18[%swap3A_372, %swap3A_373, %swap3A_374], %swap3A_377 {strides = array<i32>} : memref<1x512x16xf32, #tpu.memory_space<vmem>>, vector<1x512x1xf32>,
    %slice3A_378 = vector.extract_strided_slice %add3A_17 {offsets = [0, 768], sizes = [512, 64], strides = [1, 1]} : vector<512x1024xf32> to vector<512x64xf32>
    %slice3A_379 = vector.extract_strided_slice %transpose3A {offsets = [768, 0], sizes = [64, 32], strides = [1, 1]} : vector<1024x32xf32> to vector<64x32xf32>
    %dot_general3A_380 = arith.constant dense<0.000000e+00> : vector<512x32xf32>
    %dot_general3A_381 = tpu.matmul %slice3A_378, %slice3A_379, %dot_general3A_380 {dimension_numbers = #tpu.dot_dimension_numbers<[1], [0], [0], [1], [0, 0, 1, 1], [], []>, transpose_lhs_hint = false} : vector<512x64xf32>, vector<64x32xf32>, vector<512x32xf32> -> vector<512x32xf32>
    %mul3A_382 = arith.constant 1.250000e-01 : f32
    %mul3A_383 = vector.broadcast %mul3A_382 : f32 to vector<512x32xf32>
    %mul3A_384 = arith.mulf %dot_general3A_381, %mul3A_383 : vector<512x32xf32>
    %slice3A_385 = vector.extract_strided_slice %logistic3A_102 {offsets = [0, 12], sizes = [512, 1], strides = [1, 1]} : vector<512x16xf32> to vector<512x1xf32>
    %mul3A_386 = vector.broadcast %slice3A_385 : vector<512x1xf32> to vector<512x32xf32>
    %mul3A_387 = arith.mulf %mul3A_384, %mul3A_386 : vector<512x32xf32>
    %swap3A_388 = arith.constant 0 : index
    %swap3A_389 = arith.constant 0 : index
    %swap3A_390 = arith.constant 384 : index
    %swap3A_391 = vector.load %arg17[%swap3A_388, %swap3A_389, %swap3A_390] : memref<1x512x512xf32, #tpu.memory_space<vmem>>, vector<1x512x32xf32>
    %swap3A_392 = vector.shape_cast %swap3A_391 : vector<1x512x32xf32> to vector<512x32xf32>
    %swap3A_393 = vector.shape_cast %mul3A_387 : vector<512x32xf32> to vector<1x512x32xf32>
    tpu.vector_store %arg17[%swap3A_388, %swap3A_389, %swap3A_390], %swap3A_393 {strides = array<i32>} : memref<1x512x512xf32, #tpu.memory_space<vmem>>, vector<1x512x32xf32>,
    %slice3A_394 = vector.extract_strided_slice %mul3A_387 {offsets = [0, 31], sizes = [512, 1], strides = [1, 1]} : vector<512x32xf32> to vector<512x1xf32>
    %swap3A_395 = arith.constant 0 : index
    %swap3A_396 = arith.constant 0 : index
    %swap3A_397 = arith.constant 12 : index
    %swap3A_398 = vector.load %arg18[%swap3A_395, %swap3A_396, %swap3A_397] : memref<1x512x16xf32, #tpu.memory_space<vmem>>, vector<1x512x1xf32>
    %swap3A_399 = vector.shape_cast %swap3A_398 : vector<1x512x1xf32> to vector<512x1xf32>
    %swap3A_400 = vector.shape_cast %slice3A_394 : vector<512x1xf32> to vector<1x512x1xf32>
    tpu.vector_store %arg18[%swap3A_395, %swap3A_396, %swap3A_397], %swap3A_400 {strides = array<i32>} : memref<1x512x16xf32, #tpu.memory_space<vmem>>, vector<1x512x1xf32>,
    %slice3A_401 = vector.extract_strided_slice %add3A_17 {offsets = [0, 832], sizes = [512, 64], strides = [1, 1]} : vector<512x1024xf32> to vector<512x64xf32>
    %slice3A_402 = vector.extract_strided_slice %transpose3A {offsets = [832, 0], sizes = [64, 32], strides = [1, 1]} : vector<1024x32xf32> to vector<64x32xf32>
    %dot_general3A_403 = arith.constant dense<0.000000e+00> : vector<512x32xf32>
    %dot_general3A_404 = tpu.matmul %slice3A_401, %slice3A_402, %dot_general3A_403 {dimension_numbers = #tpu.dot_dimension_numbers<[1], [0], [0], [1], [0, 0, 1, 1], [], []>, transpose_lhs_hint = false} : vector<512x64xf32>, vector<64x32xf32>, vector<512x32xf32> -> vector<512x32xf32>
    %mul3A_405 = arith.constant 1.250000e-01 : f32
    %mul3A_406 = vector.broadcast %mul3A_405 : f32 to vector<512x32xf32>
    %mul3A_407 = arith.mulf %dot_general3A_404, %mul3A_406 : vector<512x32xf32>
    %slice3A_408 = vector.extract_strided_slice %logistic3A_102 {offsets = [0, 13], sizes = [512, 1], strides = [1, 1]} : vector<512x16xf32> to vector<512x1xf32>
    %mul3A_409 = vector.broadcast %slice3A_408 : vector<512x1xf32> to vector<512x32xf32>
    %mul3A_410 = arith.mulf %mul3A_407, %mul3A_409 : vector<512x32xf32>
    %swap3A_411 = arith.constant 0 : index
    %swap3A_412 = arith.constant 0 : index
    %swap3A_413 = arith.constant 416 : index
    %swap3A_414 = vector.load %arg17[%swap3A_411, %swap3A_412, %swap3A_413] : memref<1x512x512xf32, #tpu.memory_space<vmem>>, vector<1x512x32xf32>
    %swap3A_415 = vector.shape_cast %swap3A_414 : vector<1x512x32xf32> to vector<512x32xf32>
    %swap3A_416 = vector.shape_cast %mul3A_410 : vector<512x32xf32> to vector<1x512x32xf32>
    tpu.vector_store %arg17[%swap3A_411, %swap3A_412, %swap3A_413], %swap3A_416 {strides = array<i32>} : memref<1x512x512xf32, #tpu.memory_space<vmem>>, vector<1x512x32xf32>,
    %slice3A_417 = vector.extract_strided_slice %mul3A_410 {offsets = [0, 31], sizes = [512, 1], strides = [1, 1]} : vector<512x32xf32> to vector<512x1xf32>
    %swap3A_418 = arith.constant 0 : index
    %swap3A_419 = arith.constant 0 : index
    %swap3A_420 = arith.constant 13 : index
    %swap3A_421 = vector.load %arg18[%swap3A_418, %swap3A_419, %swap3A_420] : memref<1x512x16xf32, #tpu.memory_space<vmem>>, vector<1x512x1xf32>
    %swap3A_422 = vector.shape_cast %swap3A_421 : vector<1x512x1xf32> to vector<512x1xf32>
    %swap3A_423 = vector.shape_cast %slice3A_417 : vector<512x1xf32> to vector<1x512x1xf32>
    tpu.vector_store %arg18[%swap3A_418, %swap3A_419, %swap3A_420], %swap3A_423 {strides = array<i32>} : memref<1x512x16xf32, #tpu.memory_space<vmem>>, vector<1x512x1xf32>,
    %slice3A_424 = vector.extract_strided_slice %add3A_17 {offsets = [0, 896], sizes = [512, 64], strides = [1, 1]} : vector<512x1024xf32> to vector<512x64xf32>
    %slice3A_425 = vector.extract_strided_slice %transpose3A {offsets = [896, 0], sizes = [64, 32], strides = [1, 1]} : vector<1024x32xf32> to vector<64x32xf32>
    %dot_general3A_426 = arith.constant dense<0.000000e+00> : vector<512x32xf32>
    %dot_general3A_427 = tpu.matmul %slice3A_424, %slice3A_425, %dot_general3A_426 {dimension_numbers = #tpu.dot_dimension_numbers<[1], [0], [0], [1], [0, 0, 1, 1], [], []>, transpose_lhs_hint = false} : vector<512x64xf32>, vector<64x32xf32>, vector<512x32xf32> -> vector<512x32xf32>
    %mul3A_428 = arith.constant 1.250000e-01 : f32
    %mul3A_429 = vector.broadcast %mul3A_428 : f32 to vector<512x32xf32>
    %mul3A_430 = arith.mulf %dot_general3A_427, %mul3A_429 : vector<512x32xf32>
    %slice3A_431 = vector.extract_strided_slice %logistic3A_102 {offsets = [0, 14], sizes = [512, 1], strides = [1, 1]} : vector<512x16xf32> to vector<512x1xf32>
    %mul3A_432 = vector.broadcast %slice3A_431 : vector<512x1xf32> to vector<512x32xf32>
    %mul3A_433 = arith.mulf %mul3A_430, %mul3A_432 : vector<512x32xf32>
    %swap3A_434 = arith.constant 0 : index
    %swap3A_435 = arith.constant 0 : index
    %swap3A_436 = arith.constant 448 : index
    %swap3A_437 = vector.load %arg17[%swap3A_434, %swap3A_435, %swap3A_436] : memref<1x512x512xf32, #tpu.memory_space<vmem>>, vector<1x512x32xf32>
    %swap3A_438 = vector.shape_cast %swap3A_437 : vector<1x512x32xf32> to vector<512x32xf32>
    %swap3A_439 = vector.shape_cast %mul3A_433 : vector<512x32xf32> to vector<1x512x32xf32>
    tpu.vector_store %arg17[%swap3A_434, %swap3A_435, %swap3A_436], %swap3A_439 {strides = array<i32>} : memref<1x512x512xf32, #tpu.memory_space<vmem>>, vector<1x512x32xf32>,
    %slice3A_440 = vector.extract_strided_slice %mul3A_433 {offsets = [0, 31], sizes = [512, 1], strides = [1, 1]} : vector<512x32xf32> to vector<512x1xf32>
    %swap3A_441 = arith.constant 0 : index
    %swap3A_442 = arith.constant 0 : index
    %swap3A_443 = arith.constant 14 : index
    %swap3A_444 = vector.load %arg18[%swap3A_441, %swap3A_442, %swap3A_443] : memref<1x512x16xf32, #tpu.memory_space<vmem>>, vector<1x512x1xf32>
    %swap3A_445 = vector.shape_cast %swap3A_444 : vector<1x512x1xf32> to vector<512x1xf32>
    %swap3A_446 = vector.shape_cast %slice3A_440 : vector<512x1xf32> to vector<1x512x1xf32>
    tpu.vector_store %arg18[%swap3A_441, %swap3A_442, %swap3A_443], %swap3A_446 {strides = array<i32>} : memref<1x512x16xf32, #tpu.memory_space<vmem>>, vector<1x512x1xf32>,
    %slice3A_447 = vector.extract_strided_slice %add3A_17 {offsets = [0, 960], sizes = [512, 64], strides = [1, 1]} : vector<512x1024xf32> to vector<512x64xf32>
    %slice3A_448 = vector.extract_strided_slice %transpose3A {offsets = [960, 0], sizes = [64, 32], strides = [1, 1]} : vector<1024x32xf32> to vector<64x32xf32>
    %dot_general3A_449 = arith.constant dense<0.000000e+00> : vector<512x32xf32>
    %dot_general3A_450 = tpu.matmul %slice3A_447, %slice3A_448, %dot_general3A_449 {dimension_numbers = #tpu.dot_dimension_numbers<[1], [0], [0], [1], [0, 0, 1, 1], [], []>, transpose_lhs_hint = false} : vector<512x64xf32>, vector<64x32xf32>, vector<512x32xf32> -> vector<512x32xf32>
    %mul3A_451 = arith.constant 1.250000e-01 : f32
    %mul3A_452 = vector.broadcast %mul3A_451 : f32 to vector<512x32xf32>
    %mul3A_453 = arith.mulf %dot_general3A_450, %mul3A_452 : vector<512x32xf32>
    %slice3A_454 = vector.extract_strided_slice %logistic3A_102 {offsets = [0, 15], sizes = [512, 1], strides = [1, 1]} : vector<512x16xf32> to vector<512x1xf32>
    %mul3A_455 = vector.broadcast %slice3A_454 : vector<512x1xf32> to vector<512x32xf32>
    %mul3A_456 = arith.mulf %mul3A_453, %mul3A_455 : vector<512x32xf32>
    %swap3A_457 = arith.constant 0 : index
    %swap3A_458 = arith.constant 0 : index
    %swap3A_459 = arith.constant 480 : index
    %swap3A_460 = vector.load %arg17[%swap3A_457, %swap3A_458, %swap3A_459] : memref<1x512x512xf32, #tpu.memory_space<vmem>>, vector<1x512x32xf32>
    %swap3A_461 = vector.shape_cast %swap3A_460 : vector<1x512x32xf32> to vector<512x32xf32>
    %swap3A_462 = vector.shape_cast %mul3A_456 : vector<512x32xf32> to vector<1x512x32xf32>
    tpu.vector_store %arg17[%swap3A_457, %swap3A_458, %swap3A_459], %swap3A_462 {strides = array<i32>} : memref<1x512x512xf32, #tpu.memory_space<vmem>>, vector<1x512x32xf32>,
    %slice3A_463 = vector.extract_strided_slice %mul3A_456 {offsets = [0, 31], sizes = [512, 1], strides = [1, 1]} : vector<512x32xf32> to vector<512x1xf32>
    %swap3A_464 = arith.constant 0 : index
    %swap3A_465 = arith.constant 0 : index
    %swap3A_466 = arith.constant 15 : index
    %swap3A_467 = vector.load %arg18[%swap3A_464, %swap3A_465, %swap3A_466] : memref<1x512x16xf32, #tpu.memory_space<vmem>>, vector<1x512x1xf32>
    %swap3A_468 = vector.shape_cast %swap3A_467 : vector<1x512x1xf32> to vector<512x1xf32>
    %swap3A_469 = vector.shape_cast %slice3A_463 : vector<512x1xf32> to vector<1x512x1xf32>
    tpu.vector_store %arg18[%swap3A_464, %swap3A_465, %swap3A_466], %swap3A_469 {strides = array<i32>} : memref<1x512x16xf32, #tpu.memory_space<vmem>>, vector<1x512x1xf32>,
    return
  }
  func.func @transform_0(%arg0: i32) -> (i32, i32, i32) {
    %c0_i32 = arith.constant 0 : i32
    %c0_i32_0 = arith.constant 0 : i32
    %c0_i32_1 = arith.constant 0 : i32
    return %arg0, %c0_i32, %c0_i32_0 : i32, i32, i32
  }
  func.func @transform_1(%arg0: i32) -> (i32, i32, i32) {
    %c0_i32 = arith.constant 0 : i32
    %c0_i32_0 = arith.constant 0 : i32
    %c0_i32_1 = arith.constant 0 : i32
    return %arg0, %c0_i32, %c0_i32_0 : i32, i32, i32
  }
  func.func @transform_2(%arg0: i32) -> (i32, i32, i32) {
    %c0_i32 = arith.constant 0 : i32
    %c0_i32_0 = arith.constant 0 : i32
    %c0_i32_1 = arith.constant 0 : i32
    return %arg0, %c0_i32, %c0_i32_0 : i32, i32, i32
  }
  func.func @transform_3(%arg0: i32) -> (i32, i32, i32) {
    %c0_i32 = arith.constant 0 : i32
    %c0_i32_0 = arith.constant 0 : i32
    %c0_i32_1 = arith.constant 0 : i32
    return %arg0, %c0_i32, %c0_i32_0 : i32, i32, i32
  }
  func.func @transform_4(%arg0: i32) -> (i32, i32) {
    %c0_i32 = arith.constant 0 : i32
    %c0_i32_0 = arith.constant 0 : i32
    %c0_i32_1 = arith.constant 0 : i32
    return %c0_i32, %c0_i32_0 : i32, i32
  }
  func.func @transform_5(%arg0: i32) -> (i32, i32) {
    %c0_i32 = arith.constant 0 : i32
    %c0_i32_0 = arith.constant 0 : i32
    %c0_i32_1 = arith.constant 0 : i32
    return %c0_i32, %c0_i32_0 : i32, i32
  }
  func.func @transform_6(%arg0: i32) -> (i32, i32) {
    %c0_i32 = arith.constant 0 : i32
    %c0_i32_0 = arith.constant 0 : i32
    %c0_i32_1 = arith.constant 0 : i32
    return %c0_i32, %c0_i32_0 : i32, i32
  }
  func.func @transform_7(%arg0: i32) -> (i32, i32) {
    %c0_i32 = arith.constant 0 : i32
    %c0_i32_0 = arith.constant 0 : i32
    %c0_i32_1 = arith.constant 0 : i32
    return %c0_i32, %c0_i32_0 : i32, i32
  }
  func.func @transform_8(%arg0: i32) -> (i32, i32) {
    %c0_i32 = arith.constant 0 : i32
    %c0_i32_0 = arith.constant 0 : i32
    %c0_i32_1 = arith.constant 0 : i32
    return %c0_i32, %c0_i32_0 : i32, i32
  }
  func.func @transform_9(%arg0: i32) -> (i32, i32) {
    %c0_i32 = arith.constant 0 : i32
    %c0_i32_0 = arith.constant 0 : i32
    %c0_i32_1 = arith.constant 0 : i32
    return %c0_i32, %c0_i32_0 : i32, i32
  }
  func.func @transform_10(%arg0: i32) -> (i32, i32) {
    %c0_i32 = arith.constant 0 : i32
    %c0_i32_0 = arith.constant 0 : i32
    %c0_i32_1 = arith.constant 0 : i32
    return %c0_i32, %c0_i32_0 : i32, i32
  }
  func.func @transform_11(%arg0: i32) -> (i32, i32) {
    %c0_i32 = arith.constant 0 : i32
    %c0_i32_0 = arith.constant 0 : i32
    %c0_i32_1 = arith.constant 0 : i32
    return %c0_i32, %c0_i32_0 : i32, i32
  }
  func.func @transform_12(%arg0: i32) -> (i32, i32) {
    %c0_i32 = arith.constant 0 : i32
    %c0_i32_0 = arith.constant 0 : i32
    %c0_i32_1 = arith.constant 0 : i32
    return %c0_i32, %c0_i32_0 : i32, i32
  }
  func.func @transform_13(%arg0: i32) -> (i32, i32) {
    %c0_i32 = arith.constant 0 : i32
    %c0_i32_0 = arith.constant 0 : i32
    %c0_i32_1 = arith.constant 0 : i32
    return %c0_i32, %c0_i32_0 : i32, i32
  }
  func.func @transform_14(%arg0: i32) -> (i32, i32) {
    %c0_i32 = arith.constant 0 : i32
    %c0_i32_0 = arith.constant 0 : i32
    %c0_i32_1 = arith.constant 0 : i32
    return %c0_i32, %c0_i32_0 : i32, i32
  }
  func.func @transform_15(%arg0: i32) -> (i32, i32, i32) {
    %c0_i32 = arith.constant 0 : i32
    %c0_i32_0 = arith.constant 0 : i32
    %c0_i32_1 = arith.constant 0 : i32
    return %arg0, %c0_i32, %c0_i32_0 : i32, i32, i32
  }
  func.func @transform_16(%arg0: i32) -> (i32, i32, i32) {
    %c0_i32 = arith.constant 0 : i32
    %c0_i32_0 = arith.constant 0 : i32
    %c0_i32_1 = arith.constant 0 : i32
    return %arg0, %c0_i32, %c0_i32_0 : i32, i32, i32
  }
  func.func @transform_17(%arg0: i32) -> (i32, i32, i32) {
    %c0_i32 = arith.constant 0 : i32
    %c0_i32_0 = arith.constant 0 : i32
    %c0_i32_1 = arith.constant 0 : i32
    return %arg0, %c0_i32, %c0_i32_0 : i32, i32, i32
  }
}

module attributes {stable_mosaic.version = 14 : i64} {
  func.func @_attended_body(%arg0: memref<8x512x16xf32, #tpu.memory_space<vmem>>, %arg1: memref<128x128xi32, #tpu.memory_space<vmem>>, %arg2: memref<512x128xf32, #tpu.memory_space<vmem>>, %arg3: memref<128x128xi32, #tpu.memory_space<vmem>>) attributes {dimension_semantics = [], scalar_prefetch = 0 : i64, scratch_operands = 2 : i64, tpu.core_type = #tpu.core_type<tc>} {
    %get3A = arith.constant 0 : index
    %get3A_0 = arith.constant 0 : index
    %get3A_1 = arith.constant 0 : index
    %get3A_2 = vector.load %arg0[%get3A, %get3A_0, %get3A_1] : memref<8x512x16xf32, #tpu.memory_space<vmem>>, vector<1x512x16xf32>
    %get3A_3 = vector.shape_cast %get3A_2 : vector<1x512x16xf32> to vector<512x16xf32>
    %swap3A = arith.constant 0 : index
    %swap3A_4 = arith.constant 0 : index
    %swap3A_5 = vector.load %arg2[%swap3A, %swap3A_4] : memref<512x128xf32, #tpu.memory_space<vmem>>, vector<512x16xf32>
    tpu.vector_store %arg2[%swap3A, %swap3A_4], %get3A_3 {strides = array<i32>} : memref<512x128xf32, #tpu.memory_space<vmem>>, vector<512x16xf32>,
    %get3A_6 = arith.constant 1 : index
    %get3A_7 = arith.constant 0 : index
    %get3A_8 = arith.constant 0 : index
    %get3A_9 = vector.load %arg0[%get3A_6, %get3A_7, %get3A_8] : memref<8x512x16xf32, #tpu.memory_space<vmem>>, vector<1x512x16xf32>
    %get3A_10 = vector.shape_cast %get3A_9 : vector<1x512x16xf32> to vector<512x16xf32>
    %swap3A_11 = arith.constant 0 : index
    %swap3A_12 = arith.constant 16 : index
    %swap3A_13 = vector.load %arg2[%swap3A_11, %swap3A_12] : memref<512x128xf32, #tpu.memory_space<vmem>>, vector<512x16xf32>
    tpu.vector_store %arg2[%swap3A_11, %swap3A_12], %get3A_10 {strides = array<i32>} : memref<512x128xf32, #tpu.memory_space<vmem>>, vector<512x16xf32>,
    %get3A_14 = arith.constant 2 : index
    %get3A_15 = arith.constant 0 : index
    %get3A_16 = arith.constant 0 : index
    %get3A_17 = vector.load %arg0[%get3A_14, %get3A_15, %get3A_16] : memref<8x512x16xf32, #tpu.memory_space<vmem>>, vector<1x512x16xf32>
    %get3A_18 = vector.shape_cast %get3A_17 : vector<1x512x16xf32> to vector<512x16xf32>
    %swap3A_19 = arith.constant 0 : index
    %swap3A_20 = arith.constant 32 : index
    %swap3A_21 = vector.load %arg2[%swap3A_19, %swap3A_20] : memref<512x128xf32, #tpu.memory_space<vmem>>, vector<512x16xf32>
    tpu.vector_store %arg2[%swap3A_19, %swap3A_20], %get3A_18 {strides = array<i32>} : memref<512x128xf32, #tpu.memory_space<vmem>>, vector<512x16xf32>,
    %get3A_22 = arith.constant 3 : index
    %get3A_23 = arith.constant 0 : index
    %get3A_24 = arith.constant 0 : index
    %get3A_25 = vector.load %arg0[%get3A_22, %get3A_23, %get3A_24] : memref<8x512x16xf32, #tpu.memory_space<vmem>>, vector<1x512x16xf32>
    %get3A_26 = vector.shape_cast %get3A_25 : vector<1x512x16xf32> to vector<512x16xf32>
    %swap3A_27 = arith.constant 0 : index
    %swap3A_28 = arith.constant 48 : index
    %swap3A_29 = vector.load %arg2[%swap3A_27, %swap3A_28] : memref<512x128xf32, #tpu.memory_space<vmem>>, vector<512x16xf32>
    tpu.vector_store %arg2[%swap3A_27, %swap3A_28], %get3A_26 {strides = array<i32>} : memref<512x128xf32, #tpu.memory_space<vmem>>, vector<512x16xf32>,
    %get3A_30 = arith.constant 4 : index
    %get3A_31 = arith.constant 0 : index
    %get3A_32 = arith.constant 0 : index
    %get3A_33 = vector.load %arg0[%get3A_30, %get3A_31, %get3A_32] : memref<8x512x16xf32, #tpu.memory_space<vmem>>, vector<1x512x16xf32>
    %get3A_34 = vector.shape_cast %get3A_33 : vector<1x512x16xf32> to vector<512x16xf32>
    %swap3A_35 = arith.constant 0 : index
    %swap3A_36 = arith.constant 64 : index
    %swap3A_37 = vector.load %arg2[%swap3A_35, %swap3A_36] : memref<512x128xf32, #tpu.memory_space<vmem>>, vector<512x16xf32>
    tpu.vector_store %arg2[%swap3A_35, %swap3A_36], %get3A_34 {strides = array<i32>} : memref<512x128xf32, #tpu.memory_space<vmem>>, vector<512x16xf32>,
    %get3A_38 = arith.constant 5 : index
    %get3A_39 = arith.constant 0 : index
    %get3A_40 = arith.constant 0 : index
    %get3A_41 = vector.load %arg0[%get3A_38, %get3A_39, %get3A_40] : memref<8x512x16xf32, #tpu.memory_space<vmem>>, vector<1x512x16xf32>
    %get3A_42 = vector.shape_cast %get3A_41 : vector<1x512x16xf32> to vector<512x16xf32>
    %swap3A_43 = arith.constant 0 : index
    %swap3A_44 = arith.constant 80 : index
    %swap3A_45 = vector.load %arg2[%swap3A_43, %swap3A_44] : memref<512x128xf32, #tpu.memory_space<vmem>>, vector<512x16xf32>
    tpu.vector_store %arg2[%swap3A_43, %swap3A_44], %get3A_42 {strides = array<i32>} : memref<512x128xf32, #tpu.memory_space<vmem>>, vector<512x16xf32>,
    %get3A_46 = arith.constant 6 : index
    %get3A_47 = arith.constant 0 : index
    %get3A_48 = arith.constant 0 : index
    %get3A_49 = vector.load %arg0[%get3A_46, %get3A_47, %get3A_48] : memref<8x512x16xf32, #tpu.memory_space<vmem>>, vector<1x512x16xf32>
    %get3A_50 = vector.shape_cast %get3A_49 : vector<1x512x16xf32> to vector<512x16xf32>
    %swap3A_51 = arith.constant 0 : index
    %swap3A_52 = arith.constant 96 : index
    %swap3A_53 = vector.load %arg2[%swap3A_51, %swap3A_52] : memref<512x128xf32, #tpu.memory_space<vmem>>, vector<512x16xf32>
    tpu.vector_store %arg2[%swap3A_51, %swap3A_52], %get3A_50 {strides = array<i32>} : memref<512x128xf32, #tpu.memory_space<vmem>>, vector<512x16xf32>,
    %get3A_54 = arith.constant 7 : index
    %get3A_55 = arith.constant 0 : index
    %get3A_56 = arith.constant 0 : index
    %get3A_57 = vector.load %arg0[%get3A_54, %get3A_55, %get3A_56] : memref<8x512x16xf32, #tpu.memory_space<vmem>>, vector<1x512x16xf32>
    %get3A_58 = vector.shape_cast %get3A_57 : vector<1x512x16xf32> to vector<512x16xf32>
    %swap3A_59 = arith.constant 0 : index
    %swap3A_60 = arith.constant 112 : index
    %swap3A_61 = vector.load %arg2[%swap3A_59, %swap3A_60] : memref<512x128xf32, #tpu.memory_space<vmem>>, vector<512x16xf32>
    tpu.vector_store %arg2[%swap3A_59, %swap3A_60], %get3A_58 {strides = array<i32>} : memref<512x128xf32, #tpu.memory_space<vmem>>, vector<512x16xf32>,
    %get3A_62 = arith.constant 0 : index
    %get3A_63 = arith.constant 0 : index
    %get3A_64 = vector.load %arg2[%get3A_62, %get3A_63] : memref<512x128xf32, #tpu.memory_space<vmem>>, vector<512x128xf32>
    %iota3A = tpu.iota {dimensions = array<i32: 0>} : vector<512x128xi32>
    %broadcast_in_dim3A = arith.constant 0x7F800000 : f32
    %broadcast_in_dim3A_65 = vector.broadcast %broadcast_in_dim3A : f32 to vector<1x128xf32>
    %broadcast_in_dim3A_66 = arith.constant -1 : i32
    %broadcast_in_dim3A_67 = vector.broadcast %broadcast_in_dim3A_66 : i32 to vector<1x128xi32>
    %scan3A = arith.constant 0 : i32
    %scan3A_68 = arith.constant 128 : i32
    %scan3A_69 = arith.addi %scan3A, %scan3A_68 : i32
    %scan3A_70 = arith.constant 1 : i32
    %scan3A_71:2 = scf.for %scan3A_79 = %scan3A to %scan3A_69 step %scan3A_70 iter_args(%scan3A_80 = %broadcast_in_dim3A_65, %scan3A_81 = %broadcast_in_dim3A_67) -> (vector<1x128xf32>, vector<1x128xi32>)  : i32 {
      %lt3A = vector.broadcast %scan3A_80 : vector<1x128xf32> to vector<512x128xf32>
      %lt3A_82 = arith.cmpf olt, %get3A_64, %lt3A : vector<512x128xf32>
      %eq3A = vector.broadcast %scan3A_80 : vector<1x128xf32> to vector<512x128xf32>
      %eq3A_83 = arith.cmpf oeq, %get3A_64, %eq3A : vector<512x128xf32>
      %gt3A = vector.broadcast %scan3A_81 : vector<1x128xi32> to vector<512x128xi32>
      %gt3A_84 = arith.cmpi sgt, %iota3A, %gt3A : vector<512x128xi32>
      %and3A = arith.andi %eq3A_83, %gt3A_84 : vector<512x128xi1>
      %or3A = arith.ori %lt3A_82, %and3A : vector<512x128xi1>
      %jit3A = arith.constant 0xFF800000 : f32
      %broadcast_in_dim3A_85 = vector.broadcast %jit3A : f32 to vector<512x128xf32>
      %select_n3A = arith.select %or3A, %get3A_64, %broadcast_in_dim3A_85 : vector<512x128xi1>, vector<512x128xf32>
      %reduce_max3A = arith.constant dense<0xFF800000> : vector<128xf32>
      %reduce_max3A_86 = vector.multi_reduction <maximumf>, %select_n3A, %reduce_max3A [0] : vector<512x128xf32> to vector<128xf32>
      %broadcast_in_dim3A_87 = vector.shape_cast %reduce_max3A_86 : vector<128xf32> to vector<1x128xf32>
      %eq3A_88 = vector.broadcast %broadcast_in_dim3A_87 : vector<1x128xf32> to vector<512x128xf32>
      %eq3A_89 = arith.cmpf oeq, %get3A_64, %eq3A_88 : vector<512x128xf32>
      %and3A_90 = arith.andi %or3A, %eq3A_89 : vector<512x128xi1>
      %jit3A_91 = arith.constant 1073741824 : i32
      %broadcast_in_dim3A_92 = vector.broadcast %jit3A_91 : i32 to vector<512x128xi32>
      %select_n3A_93 = arith.select %and3A_90, %iota3A, %broadcast_in_dim3A_92 : vector<512x128xi1>, vector<512x128xi32>
      %reduce_min3A = arith.constant dense<2147483647> : vector<128xi32>
      %reduce_min3A_94 = vector.multi_reduction <minsi>, %select_n3A_93, %reduce_min3A [0] : vector<512x128xi32> to vector<128xi32>
      %broadcast_in_dim3A_95 = vector.shape_cast %reduce_min3A_94 : vector<128xi32> to vector<1x128xi32>
      %swap3A_96 = arith.index_cast %scan3A_79 : i32 to index
      %swap3A_97 = arith.constant 0 : index
      %swap3A_98 = vector.load %arg3[%swap3A_96, %swap3A_97] : memref<128x128xi32, #tpu.memory_space<vmem>>, vector<1x128xi32>
      tpu.vector_store %arg3[%swap3A_96, %swap3A_97], %broadcast_in_dim3A_95 {strides = array<i32>} : memref<128x128xi32, #tpu.memory_space<vmem>>, vector<1x128xi32>,
      scf.yield %broadcast_in_dim3A_87, %broadcast_in_dim3A_95 : vector<1x128xf32>, vector<1x128xi32>
    }
    %scan3A_72 = arith.constant 128 : i32
    %get3A_73 = arith.constant 0 : index
    %get3A_74 = arith.constant 0 : index
    %get3A_75 = vector.load %arg3[%get3A_73, %get3A_74] : memref<128x128xi32, #tpu.memory_space<vmem>>, vector<128x128xi32>
    %transpose3A = tpu.transpose %get3A_75, [1, 0] : vector<128x128xi32> -> vector<128x128xi32>
    %swap3A_76 = arith.constant 0 : index
    %swap3A_77 = arith.constant 0 : index
    %swap3A_78 = vector.load %arg1[%swap3A_76, %swap3A_77] : memref<128x128xi32, #tpu.memory_space<vmem>>, vector<128x128xi32>
    tpu.vector_store %arg1[%swap3A_76, %swap3A_77], %transpose3A {strides = array<i32>} : memref<128x128xi32, #tpu.memory_space<vmem>>, vector<128x128xi32>,
    return
  }
}

module attributes {stable_mosaic.version = 14 : i64} {
  func.func @_attend_body(%arg0: i32, %arg1: memref<1x512x512xf32, #tpu.memory_space<vmem>>, %arg2: memref<1x512x1024xf32, #tpu.memory_space<vmem>>, %arg3: memref<1x32x1024xf32, #tpu.memory_space<vmem>>, %arg4: memref<1024x1024xf32, #tpu.memory_space<vmem>>, %arg5: memref<1x1024xf32, #tpu.memory_space<vmem>>, %arg6: memref<1x1024xf32, #tpu.memory_space<vmem>>, %arg7: memref<1x1024xf32, #tpu.memory_space<vmem>>, %arg8: memref<1x32x1024xf32, #tpu.memory_space<vmem>>, %arg9: memref<1x512x128xf32, #tpu.memory_space<vmem>>, %arg10: memref<32x1024xf32, #tpu.memory_space<vmem>>) attributes {dimension_semantics = [#tpu.dimension_semantics<arbitrary>], iteration_bounds = array<i64: 8>, scalar_prefetch = 0 : i64, scratch_operands = 1 : i64, tpu.core_type = #tpu.core_type<tc>, window_params = [{transform_indices = @transform_0, window_bounds = array<i64: 1, 512, 512>}, {transform_indices = @transform_1, window_bounds = array<i64: 1, 512, 1024>}, {transform_indices = @transform_2, window_bounds = array<i64: 1, 32, 1024>}, {pipeline_mode = #tpu.pipeline_mode<synchronous>, transform_indices = @transform_3, window_bounds = array<i64: 1024, 1024>}, {pipeline_mode = #tpu.pipeline_mode<synchronous>, transform_indices = @transform_4, window_bounds = array<i64: 1, 1024>}, {pipeline_mode = #tpu.pipeline_mode<synchronous>, transform_indices = @transform_5, window_bounds = array<i64: 1, 1024>}, {pipeline_mode = #tpu.pipeline_mode<synchronous>, transform_indices = @transform_6, window_bounds = array<i64: 1, 1024>}, {transform_indices = @transform_7, window_bounds = array<i64: 1, 32, 1024>}, {transform_indices = @transform_8, window_bounds = array<i64: 1, 512, 128>}]} {
    %get3A = arith.constant 0 : index
    %get3A_0 = arith.constant 0 : index
    %get3A_1 = arith.constant 0 : index
    %get3A_2 = vector.load %arg1[%get3A, %get3A_0, %get3A_1] : memref<1x512x512xf32, #tpu.memory_space<vmem>>, vector<1x512x512xf32>
    %get3A_3 = vector.shape_cast %get3A_2 : vector<1x512x512xf32> to vector<512x512xf32>
    %iota3A = tpu.iota {dimensions = array<i32: 0>} : vector<512x1xi32>
    %and3A = arith.constant 127 : i32
    %and3A_4 = vector.broadcast %and3A : i32 to vector<512x1xi32>
    %and3A_5 = arith.andi %iota3A, %and3A_4 : vector<512x1xi32>
    %and3A_6 = arith.constant 128 : i32
    %and3A_7 = vector.broadcast %and3A_6 : i32 to vector<512x1xi32>
    %and3A_8 = arith.andi %iota3A, %and3A_7 : vector<512x1xi32>
    %eq3A = arith.constant 0 : i32
    %eq3A_9 = vector.broadcast %eq3A : i32 to vector<512x1xi32>
    %eq3A_10 = arith.cmpi eq, %and3A_8, %eq3A_9 : vector<512x1xi32>
    %and3A_11 = arith.constant 2 : i32
    %and3A_12 = vector.broadcast %and3A_11 : i32 to vector<512x1xi32>
    %and3A_13 = arith.andi %and3A_5, %and3A_12 : vector<512x1xi32>
    %eq3A_14 = arith.constant 0 : i32
    %eq3A_15 = vector.broadcast %eq3A_14 : i32 to vector<512x1xi32>
    %eq3A_16 = arith.cmpi eq, %and3A_13, %eq3A_15 : vector<512x1xi32>
    %eq3A_17 = arith.xori %eq3A_16, %eq3A_10 : vector<512x1xi1>
    %eq3A_18 = arith.constant dense<true> : vector<512x1xi1>
    %eq3A_19 = arith.xori %eq3A_17, %eq3A_18 : vector<512x1xi1>
    %and3A_20 = arith.constant 1 : i32
    %and3A_21 = vector.broadcast %and3A_20 : i32 to vector<512x1xi32>
    %and3A_22 = arith.andi %iota3A, %and3A_21 : vector<512x1xi32>
    %eq3A_23 = arith.constant 0 : i32
    %eq3A_24 = vector.broadcast %eq3A_23 : i32 to vector<512x1xi32>
    %eq3A_25 = arith.cmpi eq, %and3A_22, %eq3A_24 : vector<512x1xi32>
    %eq3A_26 = arith.xori %eq3A_19, %eq3A_25 : vector<512x1xi1>
    %eq3A_27 = arith.constant dense<true> : vector<512x1xi1>
    %eq3A_28 = arith.xori %eq3A_26, %eq3A_27 : vector<512x1xi1>
    %broadcast_in_dim3A = arith.constant 0.000000e+00 : f32
    %broadcast_in_dim3A_29 = vector.broadcast %broadcast_in_dim3A : f32 to vector<1x512xf32>
    %slice3A = vector.extract_strided_slice %get3A_3 {offsets = [1, 0], sizes = [511, 512], strides = [1, 1]} : vector<512x512xf32> to vector<511x512xf32>
    %concatenate3A = tpu.concatenate %slice3A, %broadcast_in_dim3A_29 in 0 : vector<511x512xf32>, vector<1x512xf32> -> vector<512x512xf32>
    %slice3A_30 = vector.extract_strided_slice %get3A_3 {offsets = [0, 0], sizes = [511, 512], strides = [1, 1]} : vector<512x512xf32> to vector<511x512xf32>
    %concatenate3A_31 = tpu.concatenate %broadcast_in_dim3A_29, %slice3A_30 in 0 : vector<1x512xf32>, vector<511x512xf32> -> vector<512x512xf32>
    %iota3A_32 = tpu.iota {dimensions = array<i32: 0>} : vector<512x1xi32>
    %and3A_33 = arith.constant 1 : i32
    %and3A_34 = vector.broadcast %and3A_33 : i32 to vector<512x1xi32>
    %and3A_35 = arith.andi %iota3A_32, %and3A_34 : vector<512x1xi32>
    %eq3A_36 = arith.constant 0 : i32
    %eq3A_37 = vector.broadcast %eq3A_36 : i32 to vector<512x1xi32>
    %eq3A_38 = arith.cmpi eq, %and3A_35, %eq3A_37 : vector<512x1xi32>
    %broadcast_in_dim3A_39 = vector.shape_cast %eq3A_38 : vector<512x1xi1> to vector<512x1xi1>
    %broadcast_in_dim3A_40 = vector.broadcast %broadcast_in_dim3A_39 : vector<512x1xi1> to vector<512x512xi1>
    %select_n3A = arith.select %broadcast_in_dim3A_40, %concatenate3A, %concatenate3A_31 : vector<512x512xi1>, vector<512x512xf32>
    %ge3A = arith.cmpf oge, %get3A_3, %select_n3A : vector<512x512xf32>
    %eq3A_41 = vector.broadcast %eq3A_28 : vector<512x1xi1> to vector<512x512xi1>
    %eq3A_42 = vector.broadcast %eq3A_41 : vector<512x512xi1> to vector<512x512xi1>
    %eq3A_43 = arith.xori %ge3A, %eq3A_42 : vector<512x512xi1>
    %eq3A_44 = arith.constant dense<true> : vector<512x512xi1>
    %eq3A_45 = arith.xori %eq3A_43, %eq3A_44 : vector<512x512xi1>
    %select_n3A_46 = arith.select %eq3A_45, %get3A_3, %select_n3A : vector<512x512xi1>, vector<512x512xf32>
    %and3A_47 = arith.constant 4 : i32
    %and3A_48 = vector.broadcast %and3A_47 : i32 to vector<512x1xi32>
    %and3A_49 = arith.andi %and3A_5, %and3A_48 : vector<512x1xi32>
    %eq3A_50 = arith.constant 0 : i32
    %eq3A_51 = vector.broadcast %eq3A_50 : i32 to vector<512x1xi32>
    %eq3A_52 = arith.cmpi eq, %and3A_49, %eq3A_51 : vector<512x1xi32>
    %eq3A_53 = arith.xori %eq3A_52, %eq3A_10 : vector<512x1xi1>
    %eq3A_54 = arith.constant dense<true> : vector<512x1xi1>
    %eq3A_55 = arith.xori %eq3A_53, %eq3A_54 : vector<512x1xi1>
    %and3A_56 = arith.constant 2 : i32
    %and3A_57 = vector.broadcast %and3A_56 : i32 to vector<512x1xi32>
    %and3A_58 = arith.andi %iota3A, %and3A_57 : vector<512x1xi32>
    %eq3A_59 = arith.constant 0 : i32
    %eq3A_60 = vector.broadcast %eq3A_59 : i32 to vector<512x1xi32>
    %eq3A_61 = arith.cmpi eq, %and3A_58, %eq3A_60 : vector<512x1xi32>
    %eq3A_62 = arith.xori %eq3A_55, %eq3A_61 : vector<512x1xi1>
    %eq3A_63 = arith.constant dense<true> : vector<512x1xi1>
    %eq3A_64 = arith.xori %eq3A_62, %eq3A_63 : vector<512x1xi1>
    %broadcast_in_dim3A_65 = arith.constant 0.000000e+00 : f32
    %broadcast_in_dim3A_66 = vector.broadcast %broadcast_in_dim3A_65 : f32 to vector<2x512xf32>
    %slice3A_67 = vector.extract_strided_slice %select_n3A_46 {offsets = [2, 0], sizes = [510, 512], strides = [1, 1]} : vector<512x512xf32> to vector<510x512xf32>
    %concatenate3A_68 = tpu.concatenate %slice3A_67, %broadcast_in_dim3A_66 in 0 : vector<510x512xf32>, vector<2x512xf32> -> vector<512x512xf32>
    %slice3A_69 = vector.extract_strided_slice %select_n3A_46 {offsets = [0, 0], sizes = [510, 512], strides = [1, 1]} : vector<512x512xf32> to vector<510x512xf32>
    %concatenate3A_70 = tpu.concatenate %broadcast_in_dim3A_66, %slice3A_69 in 0 : vector<2x512xf32>, vector<510x512xf32> -> vector<512x512xf32>
    %iota3A_71 = tpu.iota {dimensions = array<i32: 0>} : vector<512x1xi32>
    %and3A_72 = arith.constant 2 : i32
    %and3A_73 = vector.broadcast %and3A_72 : i32 to vector<512x1xi32>
    %and3A_74 = arith.andi %iota3A_71, %and3A_73 : vector<512x1xi32>
    %eq3A_75 = arith.constant 0 : i32
    %eq3A_76 = vector.broadcast %eq3A_75 : i32 to vector<512x1xi32>
    %eq3A_77 = arith.cmpi eq, %and3A_74, %eq3A_76 : vector<512x1xi32>
    %broadcast_in_dim3A_78 = vector.shape_cast %eq3A_77 : vector<512x1xi1> to vector<512x1xi1>
    %broadcast_in_dim3A_79 = vector.broadcast %broadcast_in_dim3A_78 : vector<512x1xi1> to vector<512x512xi1>
    %select_n3A_80 = arith.select %broadcast_in_dim3A_79, %concatenate3A_68, %concatenate3A_70 : vector<512x512xi1>, vector<512x512xf32>
    %ge3A_81 = arith.cmpf oge, %select_n3A_46, %select_n3A_80 : vector<512x512xf32>
    %eq3A_82 = vector.broadcast %eq3A_64 : vector<512x1xi1> to vector<512x512xi1>
    %eq3A_83 = vector.broadcast %eq3A_82 : vector<512x512xi1> to vector<512x512xi1>
    %eq3A_84 = arith.xori %ge3A_81, %eq3A_83 : vector<512x512xi1>
    %eq3A_85 = arith.constant dense<true> : vector<512x512xi1>
    %eq3A_86 = arith.xori %eq3A_84, %eq3A_85 : vector<512x512xi1>
    %select_n3A_87 = arith.select %eq3A_86, %select_n3A_46, %select_n3A_80 : vector<512x512xi1>, vector<512x512xf32>
    %and3A_88 = arith.constant 1 : i32
    %and3A_89 = vector.broadcast %and3A_88 : i32 to vector<512x1xi32>
    %and3A_90 = arith.andi %iota3A, %and3A_89 : vector<512x1xi32>
    %eq3A_91 = arith.constant 0 : i32
    %eq3A_92 = vector.broadcast %eq3A_91 : i32 to vector<512x1xi32>
    %eq3A_93 = arith.cmpi eq, %and3A_90, %eq3A_92 : vector<512x1xi32>
    %eq3A_94 = arith.xori %eq3A_55, %eq3A_93 : vector<512x1xi1>
    %eq3A_95 = arith.constant dense<true> : vector<512x1xi1>
    %eq3A_96 = arith.xori %eq3A_94, %eq3A_95 : vector<512x1xi1>
    %broadcast_in_dim3A_97 = arith.constant 0.000000e+00 : f32
    %broadcast_in_dim3A_98 = vector.broadcast %broadcast_in_dim3A_97 : f32 to vector<1x512xf32>
    %slice3A_99 = vector.extract_strided_slice %select_n3A_87 {offsets = [1, 0], sizes = [511, 512], strides = [1, 1]} : vector<512x512xf32> to vector<511x512xf32>
    %concatenate3A_100 = tpu.concatenate %slice3A_99, %broadcast_in_dim3A_98 in 0 : vector<511x512xf32>, vector<1x512xf32> -> vector<512x512xf32>
    %slice3A_101 = vector.extract_strided_slice %select_n3A_87 {offsets = [0, 0], sizes = [511, 512], strides = [1, 1]} : vector<512x512xf32> to vector<511x512xf32>
    %concatenate3A_102 = tpu.concatenate %broadcast_in_dim3A_98, %slice3A_101 in 0 : vector<1x512xf32>, vector<511x512xf32> -> vector<512x512xf32>
    %iota3A_103 = tpu.iota {dimensions = array<i32: 0>} : vector<512x1xi32>
    %and3A_104 = arith.constant 1 : i32
    %and3A_105 = vector.broadcast %and3A_104 : i32 to vector<512x1xi32>
    %and3A_106 = arith.andi %iota3A_103, %and3A_105 : vector<512x1xi32>
    %eq3A_107 = arith.constant 0 : i32
    %eq3A_108 = vector.broadcast %eq3A_107 : i32 to vector<512x1xi32>
    %eq3A_109 = arith.cmpi eq, %and3A_106, %eq3A_108 : vector<512x1xi32>
    %broadcast_in_dim3A_110 = vector.shape_cast %eq3A_109 : vector<512x1xi1> to vector<512x1xi1>
    %broadcast_in_dim3A_111 = vector.broadcast %broadcast_in_dim3A_110 : vector<512x1xi1> to vector<512x512xi1>
    %select_n3A_112 = arith.select %broadcast_in_dim3A_111, %concatenate3A_100, %concatenate3A_102 : vector<512x512xi1>, vector<512x512xf32>
    %ge3A_113 = arith.cmpf oge, %select_n3A_87, %select_n3A_112 : vector<512x512xf32>
    %eq3A_114 = vector.broadcast %eq3A_96 : vector<512x1xi1> to vector<512x512xi1>
    %eq3A_115 = vector.broadcast %eq3A_114 : vector<512x512xi1> to vector<512x512xi1>
    %eq3A_116 = arith.xori %ge3A_113, %eq3A_115 : vector<512x512xi1>
    %eq3A_117 = arith.constant dense<true> : vector<512x512xi1>
    %eq3A_118 = arith.xori %eq3A_116, %eq3A_117 : vector<512x512xi1>
    %select_n3A_119 = arith.select %eq3A_118, %select_n3A_87, %select_n3A_112 : vector<512x512xi1>, vector<512x512xf32>
    %and3A_120 = arith.constant 8 : i32
    %and3A_121 = vector.broadcast %and3A_120 : i32 to vector<512x1xi32>
    %and3A_122 = arith.andi %and3A_5, %and3A_121 : vector<512x1xi32>
    %eq3A_123 = arith.constant 0 : i32
    %eq3A_124 = vector.broadcast %eq3A_123 : i32 to vector<512x1xi32>
    %eq3A_125 = arith.cmpi eq, %and3A_122, %eq3A_124 : vector<512x1xi32>
    %eq3A_126 = arith.xori %eq3A_125, %eq3A_10 : vector<512x1xi1>
    %eq3A_127 = arith.constant dense<true> : vector<512x1xi1>
    %eq3A_128 = arith.xori %eq3A_126, %eq3A_127 : vector<512x1xi1>
    %and3A_129 = arith.constant 4 : i32
    %and3A_130 = vector.broadcast %and3A_129 : i32 to vector<512x1xi32>
    %and3A_131 = arith.andi %iota3A, %and3A_130 : vector<512x1xi32>
    %eq3A_132 = arith.constant 0 : i32
    %eq3A_133 = vector.broadcast %eq3A_132 : i32 to vector<512x1xi32>
    %eq3A_134 = arith.cmpi eq, %and3A_131, %eq3A_133 : vector<512x1xi32>
    %eq3A_135 = arith.xori %eq3A_128, %eq3A_134 : vector<512x1xi1>
    %eq3A_136 = arith.constant dense<true> : vector<512x1xi1>
    %eq3A_137 = arith.xori %eq3A_135, %eq3A_136 : vector<512x1xi1>
    %broadcast_in_dim3A_138 = arith.constant 0.000000e+00 : f32
    %broadcast_in_dim3A_139 = vector.broadcast %broadcast_in_dim3A_138 : f32 to vector<4x512xf32>
    %slice3A_140 = vector.extract_strided_slice %select_n3A_119 {offsets = [4, 0], sizes = [508, 512], strides = [1, 1]} : vector<512x512xf32> to vector<508x512xf32>
    %concatenate3A_141 = tpu.concatenate %slice3A_140, %broadcast_in_dim3A_139 in 0 : vector<508x512xf32>, vector<4x512xf32> -> vector<512x512xf32>
    %slice3A_142 = vector.extract_strided_slice %select_n3A_119 {offsets = [0, 0], sizes = [508, 512], strides = [1, 1]} : vector<512x512xf32> to vector<508x512xf32>
    %concatenate3A_143 = tpu.concatenate %broadcast_in_dim3A_139, %slice3A_142 in 0 : vector<4x512xf32>, vector<508x512xf32> -> vector<512x512xf32>
    %iota3A_144 = tpu.iota {dimensions = array<i32: 0>} : vector<512x1xi32>
    %and3A_145 = arith.constant 4 : i32
    %and3A_146 = vector.broadcast %and3A_145 : i32 to vector<512x1xi32>
    %and3A_147 = arith.andi %iota3A_144, %and3A_146 : vector<512x1xi32>
    %eq3A_148 = arith.constant 0 : i32
    %eq3A_149 = vector.broadcast %eq3A_148 : i32 to vector<512x1xi32>
    %eq3A_150 = arith.cmpi eq, %and3A_147, %eq3A_149 : vector<512x1xi32>
    %broadcast_in_dim3A_151 = vector.shape_cast %eq3A_150 : vector<512x1xi1> to vector<512x1xi1>
    %broadcast_in_dim3A_152 = vector.broadcast %broadcast_in_dim3A_151 : vector<512x1xi1> to vector<512x512xi1>
    %select_n3A_153 = arith.select %broadcast_in_dim3A_152, %concatenate3A_141, %concatenate3A_143 : vector<512x512xi1>, vector<512x512xf32>
    %ge3A_154 = arith.cmpf oge, %select_n3A_119, %select_n3A_153 : vector<512x512xf32>
    %eq3A_155 = vector.broadcast %eq3A_137 : vector<512x1xi1> to vector<512x512xi1>
    %eq3A_156 = vector.broadcast %eq3A_155 : vector<512x512xi1> to vector<512x512xi1>
    %eq3A_157 = arith.xori %ge3A_154, %eq3A_156 : vector<512x512xi1>
    %eq3A_158 = arith.constant dense<true> : vector<512x512xi1>
    %eq3A_159 = arith.xori %eq3A_157, %eq3A_158 : vector<512x512xi1>
    %select_n3A_160 = arith.select %eq3A_159, %select_n3A_119, %select_n3A_153 : vector<512x512xi1>, vector<512x512xf32>
    %and3A_161 = arith.constant 2 : i32
    %and3A_162 = vector.broadcast %and3A_161 : i32 to vector<512x1xi32>
    %and3A_163 = arith.andi %iota3A, %and3A_162 : vector<512x1xi32>
    %eq3A_164 = arith.constant 0 : i32
    %eq3A_165 = vector.broadcast %eq3A_164 : i32 to vector<512x1xi32>
    %eq3A_166 = arith.cmpi eq, %and3A_163, %eq3A_165 : vector<512x1xi32>
    %eq3A_167 = arith.xori %eq3A_128, %eq3A_166 : vector<512x1xi1>
    %eq3A_168 = arith.constant dense<true> : vector<512x1xi1>
    %eq3A_169 = arith.xori %eq3A_167, %eq3A_168 : vector<512x1xi1>
    %broadcast_in_dim3A_170 = arith.constant 0.000000e+00 : f32
    %broadcast_in_dim3A_171 = vector.broadcast %broadcast_in_dim3A_170 : f32 to vector<2x512xf32>
    %slice3A_172 = vector.extract_strided_slice %select_n3A_160 {offsets = [2, 0], sizes = [510, 512], strides = [1, 1]} : vector<512x512xf32> to vector<510x512xf32>
    %concatenate3A_173 = tpu.concatenate %slice3A_172, %broadcast_in_dim3A_171 in 0 : vector<510x512xf32>, vector<2x512xf32> -> vector<512x512xf32>
    %slice3A_174 = vector.extract_strided_slice %select_n3A_160 {offsets = [0, 0], sizes = [510, 512], strides = [1, 1]} : vector<512x512xf32> to vector<510x512xf32>
    %concatenate3A_175 = tpu.concatenate %broadcast_in_dim3A_171, %slice3A_174 in 0 : vector<2x512xf32>, vector<510x512xf32> -> vector<512x512xf32>
    %iota3A_176 = tpu.iota {dimensions = array<i32: 0>} : vector<512x1xi32>
    %and3A_177 = arith.constant 2 : i32
    %and3A_178 = vector.broadcast %and3A_177 : i32 to vector<512x1xi32>
    %and3A_179 = arith.andi %iota3A_176, %and3A_178 : vector<512x1xi32>
    %eq3A_180 = arith.constant 0 : i32
    %eq3A_181 = vector.broadcast %eq3A_180 : i32 to vector<512x1xi32>
    %eq3A_182 = arith.cmpi eq, %and3A_179, %eq3A_181 : vector<512x1xi32>
    %broadcast_in_dim3A_183 = vector.shape_cast %eq3A_182 : vector<512x1xi1> to vector<512x1xi1>
    %broadcast_in_dim3A_184 = vector.broadcast %broadcast_in_dim3A_183 : vector<512x1xi1> to vector<512x512xi1>
    %select_n3A_185 = arith.select %broadcast_in_dim3A_184, %concatenate3A_173, %concatenate3A_175 : vector<512x512xi1>, vector<512x512xf32>
    %ge3A_186 = arith.cmpf oge, %select_n3A_160, %select_n3A_185 : vector<512x512xf32>
    %eq3A_187 = vector.broadcast %eq3A_169 : vector<512x1xi1> to vector<512x512xi1>
    %eq3A_188 = vector.broadcast %eq3A_187 : vector<512x512xi1> to vector<512x512xi1>
    %eq3A_189 = arith.xori %ge3A_186, %eq3A_188 : vector<512x512xi1>
    %eq3A_190 = arith.constant dense<true> : vector<512x512xi1>
    %eq3A_191 = arith.xori %eq3A_189, %eq3A_190 : vector<512x512xi1>
    %select_n3A_192 = arith.select %eq3A_191, %select_n3A_160, %select_n3A_185 : vector<512x512xi1>, vector<512x512xf32>
    %and3A_193 = arith.constant 1 : i32
    %and3A_194 = vector.broadcast %and3A_193 : i32 to vector<512x1xi32>
    %and3A_195 = arith.andi %iota3A, %and3A_194 : vector<512x1xi32>
    %eq3A_196 = arith.constant 0 : i32
    %eq3A_197 = vector.broadcast %eq3A_196 : i32 to vector<512x1xi32>
    %eq3A_198 = arith.cmpi eq, %and3A_195, %eq3A_197 : vector<512x1xi32>
    %eq3A_199 = arith.xori %eq3A_128, %eq3A_198 : vector<512x1xi1>
    %eq3A_200 = arith.constant dense<true> : vector<512x1xi1>
    %eq3A_201 = arith.xori %eq3A_199, %eq3A_200 : vector<512x1xi1>
    %broadcast_in_dim3A_202 = arith.constant 0.000000e+00 : f32
    %broadcast_in_dim3A_203 = vector.broadcast %broadcast_in_dim3A_202 : f32 to vector<1x512xf32>
    %slice3A_204 = vector.extract_strided_slice %select_n3A_192 {offsets = [1, 0], sizes = [511, 512], strides = [1, 1]} : vector<512x512xf32> to vector<511x512xf32>
    %concatenate3A_205 = tpu.concatenate %slice3A_204, %broadcast_in_dim3A_203 in 0 : vector<511x512xf32>, vector<1x512xf32> -> vector<512x512xf32>
    %slice3A_206 = vector.extract_strided_slice %select_n3A_192 {offsets = [0, 0], sizes = [511, 512], strides = [1, 1]} : vector<512x512xf32> to vector<511x512xf32>
    %concatenate3A_207 = tpu.concatenate %broadcast_in_dim3A_203, %slice3A_206 in 0 : vector<1x512xf32>, vector<511x512xf32> -> vector<512x512xf32>
    %iota3A_208 = tpu.iota {dimensions = array<i32: 0>} : vector<512x1xi32>
    %and3A_209 = arith.constant 1 : i32
    %and3A_210 = vector.broadcast %and3A_209 : i32 to vector<512x1xi32>
    %and3A_211 = arith.andi %iota3A_208, %and3A_210 : vector<512x1xi32>
    %eq3A_212 = arith.constant 0 : i32
    %eq3A_213 = vector.broadcast %eq3A_212 : i32 to vector<512x1xi32>
    %eq3A_214 = arith.cmpi eq, %and3A_211, %eq3A_213 : vector<512x1xi32>
    %broadcast_in_dim3A_215 = vector.shape_cast %eq3A_214 : vector<512x1xi1> to vector<512x1xi1>
    %broadcast_in_dim3A_216 = vector.broadcast %broadcast_in_dim3A_215 : vector<512x1xi1> to vector<512x512xi1>
    %select_n3A_217 = arith.select %broadcast_in_dim3A_216, %concatenate3A_205, %concatenate3A_207 : vector<512x512xi1>, vector<512x512xf32>
    %ge3A_218 = arith.cmpf oge, %select_n3A_192, %select_n3A_217 : vector<512x512xf32>
    %eq3A_219 = vector.broadcast %eq3A_201 : vector<512x1xi1> to vector<512x512xi1>
    %eq3A_220 = vector.broadcast %eq3A_219 : vector<512x512xi1> to vector<512x512xi1>
    %eq3A_221 = arith.xori %ge3A_218, %eq3A_220 : vector<512x512xi1>
    %eq3A_222 = arith.constant dense<true> : vector<512x512xi1>
    %eq3A_223 = arith.xori %eq3A_221, %eq3A_222 : vector<512x512xi1>
    %select_n3A_224 = arith.select %eq3A_223, %select_n3A_192, %select_n3A_217 : vector<512x512xi1>, vector<512x512xf32>
    %and3A_225 = arith.constant 16 : i32
    %and3A_226 = vector.broadcast %and3A_225 : i32 to vector<512x1xi32>
    %and3A_227 = arith.andi %and3A_5, %and3A_226 : vector<512x1xi32>
    %eq3A_228 = arith.constant 0 : i32
    %eq3A_229 = vector.broadcast %eq3A_228 : i32 to vector<512x1xi32>
    %eq3A_230 = arith.cmpi eq, %and3A_227, %eq3A_229 : vector<512x1xi32>
    %eq3A_231 = arith.xori %eq3A_230, %eq3A_10 : vector<512x1xi1>
    %eq3A_232 = arith.constant dense<true> : vector<512x1xi1>
    %eq3A_233 = arith.xori %eq3A_231, %eq3A_232 : vector<512x1xi1>
    %and3A_234 = arith.constant 8 : i32
    %and3A_235 = vector.broadcast %and3A_234 : i32 to vector<512x1xi32>
    %and3A_236 = arith.andi %iota3A, %and3A_235 : vector<512x1xi32>
    %eq3A_237 = arith.constant 0 : i32
    %eq3A_238 = vector.broadcast %eq3A_237 : i32 to vector<512x1xi32>
    %eq3A_239 = arith.cmpi eq, %and3A_236, %eq3A_238 : vector<512x1xi32>
    %eq3A_240 = arith.xori %eq3A_233, %eq3A_239 : vector<512x1xi1>
    %eq3A_241 = arith.constant dense<true> : vector<512x1xi1>
    %eq3A_242 = arith.xori %eq3A_240, %eq3A_241 : vector<512x1xi1>
    %broadcast_in_dim3A_243 = arith.constant 0.000000e+00 : f32
    %broadcast_in_dim3A_244 = vector.broadcast %broadcast_in_dim3A_243 : f32 to vector<8x512xf32>
    %slice3A_245 = vector.extract_strided_slice %select_n3A_224 {offsets = [8, 0], sizes = [504, 512], strides = [1, 1]} : vector<512x512xf32> to vector<504x512xf32>
    %concatenate3A_246 = tpu.concatenate %slice3A_245, %broadcast_in_dim3A_244 in 0 : vector<504x512xf32>, vector<8x512xf32> -> vector<512x512xf32>
    %slice3A_247 = vector.extract_strided_slice %select_n3A_224 {offsets = [0, 0], sizes = [504, 512], strides = [1, 1]} : vector<512x512xf32> to vector<504x512xf32>
    %concatenate3A_248 = tpu.concatenate %broadcast_in_dim3A_244, %slice3A_247 in 0 : vector<8x512xf32>, vector<504x512xf32> -> vector<512x512xf32>
    %iota3A_249 = tpu.iota {dimensions = array<i32: 0>} : vector<512x1xi32>
    %and3A_250 = arith.constant 8 : i32
    %and3A_251 = vector.broadcast %and3A_250 : i32 to vector<512x1xi32>
    %and3A_252 = arith.andi %iota3A_249, %and3A_251 : vector<512x1xi32>
    %eq3A_253 = arith.constant 0 : i32
    %eq3A_254 = vector.broadcast %eq3A_253 : i32 to vector<512x1xi32>
    %eq3A_255 = arith.cmpi eq, %and3A_252, %eq3A_254 : vector<512x1xi32>
    %broadcast_in_dim3A_256 = vector.shape_cast %eq3A_255 : vector<512x1xi1> to vector<512x1xi1>
    %broadcast_in_dim3A_257 = vector.broadcast %broadcast_in_dim3A_256 : vector<512x1xi1> to vector<512x512xi1>
    %select_n3A_258 = arith.select %broadcast_in_dim3A_257, %concatenate3A_246, %concatenate3A_248 : vector<512x512xi1>, vector<512x512xf32>
    %ge3A_259 = arith.cmpf oge, %select_n3A_224, %select_n3A_258 : vector<512x512xf32>
    %eq3A_260 = vector.broadcast %eq3A_242 : vector<512x1xi1> to vector<512x512xi1>
    %eq3A_261 = vector.broadcast %eq3A_260 : vector<512x512xi1> to vector<512x512xi1>
    %eq3A_262 = arith.xori %ge3A_259, %eq3A_261 : vector<512x512xi1>
    %eq3A_263 = arith.constant dense<true> : vector<512x512xi1>
    %eq3A_264 = arith.xori %eq3A_262, %eq3A_263 : vector<512x512xi1>
    %select_n3A_265 = arith.select %eq3A_264, %select_n3A_224, %select_n3A_258 : vector<512x512xi1>, vector<512x512xf32>
    %and3A_266 = arith.constant 4 : i32
    %and3A_267 = vector.broadcast %and3A_266 : i32 to vector<512x1xi32>
    %and3A_268 = arith.andi %iota3A, %and3A_267 : vector<512x1xi32>
    %eq3A_269 = arith.constant 0 : i32
    %eq3A_270 = vector.broadcast %eq3A_269 : i32 to vector<512x1xi32>
    %eq3A_271 = arith.cmpi eq, %and3A_268, %eq3A_270 : vector<512x1xi32>
    %eq3A_272 = arith.xori %eq3A_233, %eq3A_271 : vector<512x1xi1>
    %eq3A_273 = arith.constant dense<true> : vector<512x1xi1>
    %eq3A_274 = arith.xori %eq3A_272, %eq3A_273 : vector<512x1xi1>
    %broadcast_in_dim3A_275 = arith.constant 0.000000e+00 : f32
    %broadcast_in_dim3A_276 = vector.broadcast %broadcast_in_dim3A_275 : f32 to vector<4x512xf32>
    %slice3A_277 = vector.extract_strided_slice %select_n3A_265 {offsets = [4, 0], sizes = [508, 512], strides = [1, 1]} : vector<512x512xf32> to vector<508x512xf32>
    %concatenate3A_278 = tpu.concatenate %slice3A_277, %broadcast_in_dim3A_276 in 0 : vector<508x512xf32>, vector<4x512xf32> -> vector<512x512xf32>
    %slice3A_279 = vector.extract_strided_slice %select_n3A_265 {offsets = [0, 0], sizes = [508, 512], strides = [1, 1]} : vector<512x512xf32> to vector<508x512xf32>
    %concatenate3A_280 = tpu.concatenate %broadcast_in_dim3A_276, %slice3A_279 in 0 : vector<4x512xf32>, vector<508x512xf32> -> vector<512x512xf32>
    %iota3A_281 = tpu.iota {dimensions = array<i32: 0>} : vector<512x1xi32>
    %and3A_282 = arith.constant 4 : i32
    %and3A_283 = vector.broadcast %and3A_282 : i32 to vector<512x1xi32>
    %and3A_284 = arith.andi %iota3A_281, %and3A_283 : vector<512x1xi32>
    %eq3A_285 = arith.constant 0 : i32
    %eq3A_286 = vector.broadcast %eq3A_285 : i32 to vector<512x1xi32>
    %eq3A_287 = arith.cmpi eq, %and3A_284, %eq3A_286 : vector<512x1xi32>
    %broadcast_in_dim3A_288 = vector.shape_cast %eq3A_287 : vector<512x1xi1> to vector<512x1xi1>
    %broadcast_in_dim3A_289 = vector.broadcast %broadcast_in_dim3A_288 : vector<512x1xi1> to vector<512x512xi1>
    %select_n3A_290 = arith.select %broadcast_in_dim3A_289, %concatenate3A_278, %concatenate3A_280 : vector<512x512xi1>, vector<512x512xf32>
    %ge3A_291 = arith.cmpf oge, %select_n3A_265, %select_n3A_290 : vector<512x512xf32>
    %eq3A_292 = vector.broadcast %eq3A_274 : vector<512x1xi1> to vector<512x512xi1>
    %eq3A_293 = vector.broadcast %eq3A_292 : vector<512x512xi1> to vector<512x512xi1>
    %eq3A_294 = arith.xori %ge3A_291, %eq3A_293 : vector<512x512xi1>
    %eq3A_295 = arith.constant dense<true> : vector<512x512xi1>
    %eq3A_296 = arith.xori %eq3A_294, %eq3A_295 : vector<512x512xi1>
    %select_n3A_297 = arith.select %eq3A_296, %select_n3A_265, %select_n3A_290 : vector<512x512xi1>, vector<512x512xf32>
    %and3A_298 = arith.constant 2 : i32
    %and3A_299 = vector.broadcast %and3A_298 : i32 to vector<512x1xi32>
    %and3A_300 = arith.andi %iota3A, %and3A_299 : vector<512x1xi32>
    %eq3A_301 = arith.constant 0 : i32
    %eq3A_302 = vector.broadcast %eq3A_301 : i32 to vector<512x1xi32>
    %eq3A_303 = arith.cmpi eq, %and3A_300, %eq3A_302 : vector<512x1xi32>
    %eq3A_304 = arith.xori %eq3A_233, %eq3A_303 : vector<512x1xi1>
    %eq3A_305 = arith.constant dense<true> : vector<512x1xi1>
    %eq3A_306 = arith.xori %eq3A_304, %eq3A_305 : vector<512x1xi1>
    %broadcast_in_dim3A_307 = arith.constant 0.000000e+00 : f32
    %broadcast_in_dim3A_308 = vector.broadcast %broadcast_in_dim3A_307 : f32 to vector<2x512xf32>
    %slice3A_309 = vector.extract_strided_slice %select_n3A_297 {offsets = [2, 0], sizes = [510, 512], strides = [1, 1]} : vector<512x512xf32> to vector<510x512xf32>
    %concatenate3A_310 = tpu.concatenate %slice3A_309, %broadcast_in_dim3A_308 in 0 : vector<510x512xf32>, vector<2x512xf32> -> vector<512x512xf32>
    %slice3A_311 = vector.extract_strided_slice %select_n3A_297 {offsets = [0, 0], sizes = [510, 512], strides = [1, 1]} : vector<512x512xf32> to vector<510x512xf32>
    %concatenate3A_312 = tpu.concatenate %broadcast_in_dim3A_308, %slice3A_311 in 0 : vector<2x512xf32>, vector<510x512xf32> -> vector<512x512xf32>
    %iota3A_313 = tpu.iota {dimensions = array<i32: 0>} : vector<512x1xi32>
    %and3A_314 = arith.constant 2 : i32
    %and3A_315 = vector.broadcast %and3A_314 : i32 to vector<512x1xi32>
    %and3A_316 = arith.andi %iota3A_313, %and3A_315 : vector<512x1xi32>
    %eq3A_317 = arith.constant 0 : i32
    %eq3A_318 = vector.broadcast %eq3A_317 : i32 to vector<512x1xi32>
    %eq3A_319 = arith.cmpi eq, %and3A_316, %eq3A_318 : vector<512x1xi32>
    %broadcast_in_dim3A_320 = vector.shape_cast %eq3A_319 : vector<512x1xi1> to vector<512x1xi1>
    %broadcast_in_dim3A_321 = vector.broadcast %broadcast_in_dim3A_320 : vector<512x1xi1> to vector<512x512xi1>
    %select_n3A_322 = arith.select %broadcast_in_dim3A_321, %concatenate3A_310, %concatenate3A_312 : vector<512x512xi1>, vector<512x512xf32>
    %ge3A_323 = arith.cmpf oge, %select_n3A_297, %select_n3A_322 : vector<512x512xf32>
    %eq3A_324 = vector.broadcast %eq3A_306 : vector<512x1xi1> to vector<512x512xi1>
    %eq3A_325 = vector.broadcast %eq3A_324 : vector<512x512xi1> to vector<512x512xi1>
    %eq3A_326 = arith.xori %ge3A_323, %eq3A_325 : vector<512x512xi1>
    %eq3A_327 = arith.constant dense<true> : vector<512x512xi1>
    %eq3A_328 = arith.xori %eq3A_326, %eq3A_327 : vector<512x512xi1>
    %select_n3A_329 = arith.select %eq3A_328, %select_n3A_297, %select_n3A_322 : vector<512x512xi1>, vector<512x512xf32>
    %and3A_330 = arith.constant 1 : i32
    %and3A_331 = vector.broadcast %and3A_330 : i32 to vector<512x1xi32>
    %and3A_332 = arith.andi %iota3A, %and3A_331 : vector<512x1xi32>
    %eq3A_333 = arith.constant 0 : i32
    %eq3A_334 = vector.broadcast %eq3A_333 : i32 to vector<512x1xi32>
    %eq3A_335 = arith.cmpi eq, %and3A_332, %eq3A_334 : vector<512x1xi32>
    %eq3A_336 = arith.xori %eq3A_233, %eq3A_335 : vector<512x1xi1>
    %eq3A_337 = arith.constant dense<true> : vector<512x1xi1>
    %eq3A_338 = arith.xori %eq3A_336, %eq3A_337 : vector<512x1xi1>
    %broadcast_in_dim3A_339 = arith.constant 0.000000e+00 : f32
    %broadcast_in_dim3A_340 = vector.broadcast %broadcast_in_dim3A_339 : f32 to vector<1x512xf32>
    %slice3A_341 = vector.extract_strided_slice %select_n3A_329 {offsets = [1, 0], sizes = [511, 512], strides = [1, 1]} : vector<512x512xf32> to vector<511x512xf32>
    %concatenate3A_342 = tpu.concatenate %slice3A_341, %broadcast_in_dim3A_340 in 0 : vector<511x512xf32>, vector<1x512xf32> -> vector<512x512xf32>
    %slice3A_343 = vector.extract_strided_slice %select_n3A_329 {offsets = [0, 0], sizes = [511, 512], strides = [1, 1]} : vector<512x512xf32> to vector<511x512xf32>
    %concatenate3A_344 = tpu.concatenate %broadcast_in_dim3A_340, %slice3A_343 in 0 : vector<1x512xf32>, vector<511x512xf32> -> vector<512x512xf32>
    %iota3A_345 = tpu.iota {dimensions = array<i32: 0>} : vector<512x1xi32>
    %and3A_346 = arith.constant 1 : i32
    %and3A_347 = vector.broadcast %and3A_346 : i32 to vector<512x1xi32>
    %and3A_348 = arith.andi %iota3A_345, %and3A_347 : vector<512x1xi32>
    %eq3A_349 = arith.constant 0 : i32
    %eq3A_350 = vector.broadcast %eq3A_349 : i32 to vector<512x1xi32>
    %eq3A_351 = arith.cmpi eq, %and3A_348, %eq3A_350 : vector<512x1xi32>
    %broadcast_in_dim3A_352 = vector.shape_cast %eq3A_351 : vector<512x1xi1> to vector<512x1xi1>
    %broadcast_in_dim3A_353 = vector.broadcast %broadcast_in_dim3A_352 : vector<512x1xi1> to vector<512x512xi1>
    %select_n3A_354 = arith.select %broadcast_in_dim3A_353, %concatenate3A_342, %concatenate3A_344 : vector<512x512xi1>, vector<512x512xf32>
    %ge3A_355 = arith.cmpf oge, %select_n3A_329, %select_n3A_354 : vector<512x512xf32>
    %eq3A_356 = vector.broadcast %eq3A_338 : vector<512x1xi1> to vector<512x512xi1>
    %eq3A_357 = vector.broadcast %eq3A_356 : vector<512x512xi1> to vector<512x512xi1>
    %eq3A_358 = arith.xori %ge3A_355, %eq3A_357 : vector<512x512xi1>
    %eq3A_359 = arith.constant dense<true> : vector<512x512xi1>
    %eq3A_360 = arith.xori %eq3A_358, %eq3A_359 : vector<512x512xi1>
    %select_n3A_361 = arith.select %eq3A_360, %select_n3A_329, %select_n3A_354 : vector<512x512xi1>, vector<512x512xf32>
    %and3A_362 = arith.constant 32 : i32
    %and3A_363 = vector.broadcast %and3A_362 : i32 to vector<512x1xi32>
    %and3A_364 = arith.andi %and3A_5, %and3A_363 : vector<512x1xi32>
    %eq3A_365 = arith.constant 0 : i32
    %eq3A_366 = vector.broadcast %eq3A_365 : i32 to vector<512x1xi32>
    %eq3A_367 = arith.cmpi eq, %and3A_364, %eq3A_366 : vector<512x1xi32>
    %eq3A_368 = arith.xori %eq3A_367, %eq3A_10 : vector<512x1xi1>
    %eq3A_369 = arith.constant dense<true> : vector<512x1xi1>
    %eq3A_370 = arith.xori %eq3A_368, %eq3A_369 : vector<512x1xi1>
    %and3A_371 = arith.constant 16 : i32
    %and3A_372 = vector.broadcast %and3A_371 : i32 to vector<512x1xi32>
    %and3A_373 = arith.andi %iota3A, %and3A_372 : vector<512x1xi32>
    %eq3A_374 = arith.constant 0 : i32
    %eq3A_375 = vector.broadcast %eq3A_374 : i32 to vector<512x1xi32>
    %eq3A_376 = arith.cmpi eq, %and3A_373, %eq3A_375 : vector<512x1xi32>
    %eq3A_377 = arith.xori %eq3A_370, %eq3A_376 : vector<512x1xi1>
    %eq3A_378 = arith.constant dense<true> : vector<512x1xi1>
    %eq3A_379 = arith.xori %eq3A_377, %eq3A_378 : vector<512x1xi1>
    %broadcast_in_dim3A_380 = arith.constant 0.000000e+00 : f32
    %broadcast_in_dim3A_381 = vector.broadcast %broadcast_in_dim3A_380 : f32 to vector<16x512xf32>
    %slice3A_382 = vector.extract_strided_slice %select_n3A_361 {offsets = [16, 0], sizes = [496, 512], strides = [1, 1]} : vector<512x512xf32> to vector<496x512xf32>
    %concatenate3A_383 = tpu.concatenate %slice3A_382, %broadcast_in_dim3A_381 in 0 : vector<496x512xf32>, vector<16x512xf32> -> vector<512x512xf32>
    %slice3A_384 = vector.extract_strided_slice %select_n3A_361 {offsets = [0, 0], sizes = [496, 512], strides = [1, 1]} : vector<512x512xf32> to vector<496x512xf32>
    %concatenate3A_385 = tpu.concatenate %broadcast_in_dim3A_381, %slice3A_384 in 0 : vector<16x512xf32>, vector<496x512xf32> -> vector<512x512xf32>
    %iota3A_386 = tpu.iota {dimensions = array<i32: 0>} : vector<512x1xi32>
    %and3A_387 = arith.constant 16 : i32
    %and3A_388 = vector.broadcast %and3A_387 : i32 to vector<512x1xi32>
    %and3A_389 = arith.andi %iota3A_386, %and3A_388 : vector<512x1xi32>
    %eq3A_390 = arith.constant 0 : i32
    %eq3A_391 = vector.broadcast %eq3A_390 : i32 to vector<512x1xi32>
    %eq3A_392 = arith.cmpi eq, %and3A_389, %eq3A_391 : vector<512x1xi32>
    %broadcast_in_dim3A_393 = vector.shape_cast %eq3A_392 : vector<512x1xi1> to vector<512x1xi1>
    %broadcast_in_dim3A_394 = vector.broadcast %broadcast_in_dim3A_393 : vector<512x1xi1> to vector<512x512xi1>
    %select_n3A_395 = arith.select %broadcast_in_dim3A_394, %concatenate3A_383, %concatenate3A_385 : vector<512x512xi1>, vector<512x512xf32>
    %ge3A_396 = arith.cmpf oge, %select_n3A_361, %select_n3A_395 : vector<512x512xf32>
    %eq3A_397 = vector.broadcast %eq3A_379 : vector<512x1xi1> to vector<512x512xi1>
    %eq3A_398 = vector.broadcast %eq3A_397 : vector<512x512xi1> to vector<512x512xi1>
    %eq3A_399 = arith.xori %ge3A_396, %eq3A_398 : vector<512x512xi1>
    %eq3A_400 = arith.constant dense<true> : vector<512x512xi1>
    %eq3A_401 = arith.xori %eq3A_399, %eq3A_400 : vector<512x512xi1>
    %select_n3A_402 = arith.select %eq3A_401, %select_n3A_361, %select_n3A_395 : vector<512x512xi1>, vector<512x512xf32>
    %and3A_403 = arith.constant 8 : i32
    %and3A_404 = vector.broadcast %and3A_403 : i32 to vector<512x1xi32>
    %and3A_405 = arith.andi %iota3A, %and3A_404 : vector<512x1xi32>
    %eq3A_406 = arith.constant 0 : i32
    %eq3A_407 = vector.broadcast %eq3A_406 : i32 to vector<512x1xi32>
    %eq3A_408 = arith.cmpi eq, %and3A_405, %eq3A_407 : vector<512x1xi32>
    %eq3A_409 = arith.xori %eq3A_370, %eq3A_408 : vector<512x1xi1>
    %eq3A_410 = arith.constant dense<true> : vector<512x1xi1>
    %eq3A_411 = arith.xori %eq3A_409, %eq3A_410 : vector<512x1xi1>
    %broadcast_in_dim3A_412 = arith.constant 0.000000e+00 : f32
    %broadcast_in_dim3A_413 = vector.broadcast %broadcast_in_dim3A_412 : f32 to vector<8x512xf32>
    %slice3A_414 = vector.extract_strided_slice %select_n3A_402 {offsets = [8, 0], sizes = [504, 512], strides = [1, 1]} : vector<512x512xf32> to vector<504x512xf32>
    %concatenate3A_415 = tpu.concatenate %slice3A_414, %broadcast_in_dim3A_413 in 0 : vector<504x512xf32>, vector<8x512xf32> -> vector<512x512xf32>
    %slice3A_416 = vector.extract_strided_slice %select_n3A_402 {offsets = [0, 0], sizes = [504, 512], strides = [1, 1]} : vector<512x512xf32> to vector<504x512xf32>
    %concatenate3A_417 = tpu.concatenate %broadcast_in_dim3A_413, %slice3A_416 in 0 : vector<8x512xf32>, vector<504x512xf32> -> vector<512x512xf32>
    %iota3A_418 = tpu.iota {dimensions = array<i32: 0>} : vector<512x1xi32>
    %and3A_419 = arith.constant 8 : i32
    %and3A_420 = vector.broadcast %and3A_419 : i32 to vector<512x1xi32>
    %and3A_421 = arith.andi %iota3A_418, %and3A_420 : vector<512x1xi32>
    %eq3A_422 = arith.constant 0 : i32
    %eq3A_423 = vector.broadcast %eq3A_422 : i32 to vector<512x1xi32>
    %eq3A_424 = arith.cmpi eq, %and3A_421, %eq3A_423 : vector<512x1xi32>
    %broadcast_in_dim3A_425 = vector.shape_cast %eq3A_424 : vector<512x1xi1> to vector<512x1xi1>
    %broadcast_in_dim3A_426 = vector.broadcast %broadcast_in_dim3A_425 : vector<512x1xi1> to vector<512x512xi1>
    %select_n3A_427 = arith.select %broadcast_in_dim3A_426, %concatenate3A_415, %concatenate3A_417 : vector<512x512xi1>, vector<512x512xf32>
    %ge3A_428 = arith.cmpf oge, %select_n3A_402, %select_n3A_427 : vector<512x512xf32>
    %eq3A_429 = vector.broadcast %eq3A_411 : vector<512x1xi1> to vector<512x512xi1>
    %eq3A_430 = vector.broadcast %eq3A_429 : vector<512x512xi1> to vector<512x512xi1>
    %eq3A_431 = arith.xori %ge3A_428, %eq3A_430 : vector<512x512xi1>
    %eq3A_432 = arith.constant dense<true> : vector<512x512xi1>
    %eq3A_433 = arith.xori %eq3A_431, %eq3A_432 : vector<512x512xi1>
    %select_n3A_434 = arith.select %eq3A_433, %select_n3A_402, %select_n3A_427 : vector<512x512xi1>, vector<512x512xf32>
    %and3A_435 = arith.constant 4 : i32
    %and3A_436 = vector.broadcast %and3A_435 : i32 to vector<512x1xi32>
    %and3A_437 = arith.andi %iota3A, %and3A_436 : vector<512x1xi32>
    %eq3A_438 = arith.constant 0 : i32
    %eq3A_439 = vector.broadcast %eq3A_438 : i32 to vector<512x1xi32>
    %eq3A_440 = arith.cmpi eq, %and3A_437, %eq3A_439 : vector<512x1xi32>
    %eq3A_441 = arith.xori %eq3A_370, %eq3A_440 : vector<512x1xi1>
    %eq3A_442 = arith.constant dense<true> : vector<512x1xi1>
    %eq3A_443 = arith.xori %eq3A_441, %eq3A_442 : vector<512x1xi1>
    %broadcast_in_dim3A_444 = arith.constant 0.000000e+00 : f32
    %broadcast_in_dim3A_445 = vector.broadcast %broadcast_in_dim3A_444 : f32 to vector<4x512xf32>
    %slice3A_446 = vector.extract_strided_slice %select_n3A_434 {offsets = [4, 0], sizes = [508, 512], strides = [1, 1]} : vector<512x512xf32> to vector<508x512xf32>
    %concatenate3A_447 = tpu.concatenate %slice3A_446, %broadcast_in_dim3A_445 in 0 : vector<508x512xf32>, vector<4x512xf32> -> vector<512x512xf32>
    %slice3A_448 = vector.extract_strided_slice %select_n3A_434 {offsets = [0, 0], sizes = [508, 512], strides = [1, 1]} : vector<512x512xf32> to vector<508x512xf32>
    %concatenate3A_449 = tpu.concatenate %broadcast_in_dim3A_445, %slice3A_448 in 0 : vector<4x512xf32>, vector<508x512xf32> -> vector<512x512xf32>
    %iota3A_450 = tpu.iota {dimensions = array<i32: 0>} : vector<512x1xi32>
    %and3A_451 = arith.constant 4 : i32
    %and3A_452 = vector.broadcast %and3A_451 : i32 to vector<512x1xi32>
    %and3A_453 = arith.andi %iota3A_450, %and3A_452 : vector<512x1xi32>
    %eq3A_454 = arith.constant 0 : i32
    %eq3A_455 = vector.broadcast %eq3A_454 : i32 to vector<512x1xi32>
    %eq3A_456 = arith.cmpi eq, %and3A_453, %eq3A_455 : vector<512x1xi32>
    %broadcast_in_dim3A_457 = vector.shape_cast %eq3A_456 : vector<512x1xi1> to vector<512x1xi1>
    %broadcast_in_dim3A_458 = vector.broadcast %broadcast_in_dim3A_457 : vector<512x1xi1> to vector<512x512xi1>
    %select_n3A_459 = arith.select %broadcast_in_dim3A_458, %concatenate3A_447, %concatenate3A_449 : vector<512x512xi1>, vector<512x512xf32>
    %ge3A_460 = arith.cmpf oge, %select_n3A_434, %select_n3A_459 : vector<512x512xf32>
    %eq3A_461 = vector.broadcast %eq3A_443 : vector<512x1xi1> to vector<512x512xi1>
    %eq3A_462 = vector.broadcast %eq3A_461 : vector<512x512xi1> to vector<512x512xi1>
    %eq3A_463 = arith.xori %ge3A_460, %eq3A_462 : vector<512x512xi1>
    %eq3A_464 = arith.constant dense<true> : vector<512x512xi1>
    %eq3A_465 = arith.xori %eq3A_463, %eq3A_464 : vector<512x512xi1>
    %select_n3A_466 = arith.select %eq3A_465, %select_n3A_434, %select_n3A_459 : vector<512x512xi1>, vector<512x512xf32>
    %and3A_467 = arith.constant 2 : i32
    %and3A_468 = vector.broadcast %and3A_467 : i32 to vector<512x1xi32>
    %and3A_469 = arith.andi %iota3A, %and3A_468 : vector<512x1xi32>
    %eq3A_470 = arith.constant 0 : i32
    %eq3A_471 = vector.broadcast %eq3A_470 : i32 to vector<512x1xi32>
    %eq3A_472 = arith.cmpi eq, %and3A_469, %eq3A_471 : vector<512x1xi32>
    %eq3A_473 = arith.xori %eq3A_370, %eq3A_472 : vector<512x1xi1>
    %eq3A_474 = arith.constant dense<true> : vector<512x1xi1>
    %eq3A_475 = arith.xori %eq3A_473, %eq3A_474 : vector<512x1xi1>
    %broadcast_in_dim3A_476 = arith.constant 0.000000e+00 : f32
    %broadcast_in_dim3A_477 = vector.broadcast %broadcast_in_dim3A_476 : f32 to vector<2x512xf32>
    %slice3A_478 = vector.extract_strided_slice %select_n3A_466 {offsets = [2, 0], sizes = [510, 512], strides = [1, 1]} : vector<512x512xf32> to vector<510x512xf32>
    %concatenate3A_479 = tpu.concatenate %slice3A_478, %broadcast_in_dim3A_477 in 0 : vector<510x512xf32>, vector<2x512xf32> -> vector<512x512xf32>
    %slice3A_480 = vector.extract_strided_slice %select_n3A_466 {offsets = [0, 0], sizes = [510, 512], strides = [1, 1]} : vector<512x512xf32> to vector<510x512xf32>
    %concatenate3A_481 = tpu.concatenate %broadcast_in_dim3A_477, %slice3A_480 in 0 : vector<2x512xf32>, vector<510x512xf32> -> vector<512x512xf32>
    %iota3A_482 = tpu.iota {dimensions = array<i32: 0>} : vector<512x1xi32>
    %and3A_483 = arith.constant 2 : i32
    %and3A_484 = vector.broadcast %and3A_483 : i32 to vector<512x1xi32>
    %and3A_485 = arith.andi %iota3A_482, %and3A_484 : vector<512x1xi32>
    %eq3A_486 = arith.constant 0 : i32
    %eq3A_487 = vector.broadcast %eq3A_486 : i32 to vector<512x1xi32>
    %eq3A_488 = arith.cmpi eq, %and3A_485, %eq3A_487 : vector<512x1xi32>
    %broadcast_in_dim3A_489 = vector.shape_cast %eq3A_488 : vector<512x1xi1> to vector<512x1xi1>
    %broadcast_in_dim3A_490 = vector.broadcast %broadcast_in_dim3A_489 : vector<512x1xi1> to vector<512x512xi1>
    %select_n3A_491 = arith.select %broadcast_in_dim3A_490, %concatenate3A_479, %concatenate3A_481 : vector<512x512xi1>, vector<512x512xf32>
    %ge3A_492 = arith.cmpf oge, %select_n3A_466, %select_n3A_491 : vector<512x512xf32>
    %eq3A_493 = vector.broadcast %eq3A_475 : vector<512x1xi1> to vector<512x512xi1>
    %eq3A_494 = vector.broadcast %eq3A_493 : vector<512x512xi1> to vector<512x512xi1>
    %eq3A_495 = arith.xori %ge3A_492, %eq3A_494 : vector<512x512xi1>
    %eq3A_496 = arith.constant dense<true> : vector<512x512xi1>
    %eq3A_497 = arith.xori %eq3A_495, %eq3A_496 : vector<512x512xi1>
    %select_n3A_498 = arith.select %eq3A_497, %select_n3A_466, %select_n3A_491 : vector<512x512xi1>, vector<512x512xf32>
    %and3A_499 = arith.constant 1 : i32
    %and3A_500 = vector.broadcast %and3A_499 : i32 to vector<512x1xi32>
    %and3A_501 = arith.andi %iota3A, %and3A_500 : vector<512x1xi32>
    %eq3A_502 = arith.constant 0 : i32
    %eq3A_503 = vector.broadcast %eq3A_502 : i32 to vector<512x1xi32>
    %eq3A_504 = arith.cmpi eq, %and3A_501, %eq3A_503 : vector<512x1xi32>
    %eq3A_505 = arith.xori %eq3A_370, %eq3A_504 : vector<512x1xi1>
    %eq3A_506 = arith.constant dense<true> : vector<512x1xi1>
    %eq3A_507 = arith.xori %eq3A_505, %eq3A_506 : vector<512x1xi1>
    %broadcast_in_dim3A_508 = arith.constant 0.000000e+00 : f32
    %broadcast_in_dim3A_509 = vector.broadcast %broadcast_in_dim3A_508 : f32 to vector<1x512xf32>
    %slice3A_510 = vector.extract_strided_slice %select_n3A_498 {offsets = [1, 0], sizes = [511, 512], strides = [1, 1]} : vector<512x512xf32> to vector<511x512xf32>
    %concatenate3A_511 = tpu.concatenate %slice3A_510, %broadcast_in_dim3A_509 in 0 : vector<511x512xf32>, vector<1x512xf32> -> vector<512x512xf32>
    %slice3A_512 = vector.extract_strided_slice %select_n3A_498 {offsets = [0, 0], sizes = [511, 512], strides = [1, 1]} : vector<512x512xf32> to vector<511x512xf32>
    %concatenate3A_513 = tpu.concatenate %broadcast_in_dim3A_509, %slice3A_512 in 0 : vector<1x512xf32>, vector<511x512xf32> -> vector<512x512xf32>
    %iota3A_514 = tpu.iota {dimensions = array<i32: 0>} : vector<512x1xi32>
    %and3A_515 = arith.constant 1 : i32
    %and3A_516 = vector.broadcast %and3A_515 : i32 to vector<512x1xi32>
    %and3A_517 = arith.andi %iota3A_514, %and3A_516 : vector<512x1xi32>
    %eq3A_518 = arith.constant 0 : i32
    %eq3A_519 = vector.broadcast %eq3A_518 : i32 to vector<512x1xi32>
    %eq3A_520 = arith.cmpi eq, %and3A_517, %eq3A_519 : vector<512x1xi32>
    %broadcast_in_dim3A_521 = vector.shape_cast %eq3A_520 : vector<512x1xi1> to vector<512x1xi1>
    %broadcast_in_dim3A_522 = vector.broadcast %broadcast_in_dim3A_521 : vector<512x1xi1> to vector<512x512xi1>
    %select_n3A_523 = arith.select %broadcast_in_dim3A_522, %concatenate3A_511, %concatenate3A_513 : vector<512x512xi1>, vector<512x512xf32>
    %ge3A_524 = arith.cmpf oge, %select_n3A_498, %select_n3A_523 : vector<512x512xf32>
    %eq3A_525 = vector.broadcast %eq3A_507 : vector<512x1xi1> to vector<512x512xi1>
    %eq3A_526 = vector.broadcast %eq3A_525 : vector<512x512xi1> to vector<512x512xi1>
    %eq3A_527 = arith.xori %ge3A_524, %eq3A_526 : vector<512x512xi1>
    %eq3A_528 = arith.constant dense<true> : vector<512x512xi1>
    %eq3A_529 = arith.xori %eq3A_527, %eq3A_528 : vector<512x512xi1>
    %select_n3A_530 = arith.select %eq3A_529, %select_n3A_498, %select_n3A_523 : vector<512x512xi1>, vector<512x512xf32>
    %and3A_531 = arith.constant 64 : i32
    %and3A_532 = vector.broadcast %and3A_531 : i32 to vector<512x1xi32>
    %and3A_533 = arith.andi %and3A_5, %and3A_532 : vector<512x1xi32>
    %eq3A_534 = arith.constant 0 : i32
    %eq3A_535 = vector.broadcast %eq3A_534 : i32 to vector<512x1xi32>
    %eq3A_536 = arith.cmpi eq, %and3A_533, %eq3A_535 : vector<512x1xi32>
    %eq3A_537 = arith.xori %eq3A_536, %eq3A_10 : vector<512x1xi1>
    %eq3A_538 = arith.constant dense<true> : vector<512x1xi1>
    %eq3A_539 = arith.xori %eq3A_537, %eq3A_538 : vector<512x1xi1>
    %and3A_540 = arith.constant 32 : i32
    %and3A_541 = vector.broadcast %and3A_540 : i32 to vector<512x1xi32>
    %and3A_542 = arith.andi %iota3A, %and3A_541 : vector<512x1xi32>
    %eq3A_543 = arith.constant 0 : i32
    %eq3A_544 = vector.broadcast %eq3A_543 : i32 to vector<512x1xi32>
    %eq3A_545 = arith.cmpi eq, %and3A_542, %eq3A_544 : vector<512x1xi32>
    %eq3A_546 = arith.xori %eq3A_539, %eq3A_545 : vector<512x1xi1>
    %eq3A_547 = arith.constant dense<true> : vector<512x1xi1>
    %eq3A_548 = arith.xori %eq3A_546, %eq3A_547 : vector<512x1xi1>
    %broadcast_in_dim3A_549 = arith.constant 0.000000e+00 : f32
    %broadcast_in_dim3A_550 = vector.broadcast %broadcast_in_dim3A_549 : f32 to vector<32x512xf32>
    %slice3A_551 = vector.extract_strided_slice %select_n3A_530 {offsets = [32, 0], sizes = [480, 512], strides = [1, 1]} : vector<512x512xf32> to vector<480x512xf32>
    %concatenate3A_552 = tpu.concatenate %slice3A_551, %broadcast_in_dim3A_550 in 0 : vector<480x512xf32>, vector<32x512xf32> -> vector<512x512xf32>
    %slice3A_553 = vector.extract_strided_slice %select_n3A_530 {offsets = [0, 0], sizes = [480, 512], strides = [1, 1]} : vector<512x512xf32> to vector<480x512xf32>
    %concatenate3A_554 = tpu.concatenate %broadcast_in_dim3A_550, %slice3A_553 in 0 : vector<32x512xf32>, vector<480x512xf32> -> vector<512x512xf32>
    %iota3A_555 = tpu.iota {dimensions = array<i32: 0>} : vector<512x1xi32>
    %and3A_556 = arith.constant 32 : i32
    %and3A_557 = vector.broadcast %and3A_556 : i32 to vector<512x1xi32>
    %and3A_558 = arith.andi %iota3A_555, %and3A_557 : vector<512x1xi32>
    %eq3A_559 = arith.constant 0 : i32
    %eq3A_560 = vector.broadcast %eq3A_559 : i32 to vector<512x1xi32>
    %eq3A_561 = arith.cmpi eq, %and3A_558, %eq3A_560 : vector<512x1xi32>
    %broadcast_in_dim3A_562 = vector.shape_cast %eq3A_561 : vector<512x1xi1> to vector<512x1xi1>
    %broadcast_in_dim3A_563 = vector.broadcast %broadcast_in_dim3A_562 : vector<512x1xi1> to vector<512x512xi1>
    %select_n3A_564 = arith.select %broadcast_in_dim3A_563, %concatenate3A_552, %concatenate3A_554 : vector<512x512xi1>, vector<512x512xf32>
    %ge3A_565 = arith.cmpf oge, %select_n3A_530, %select_n3A_564 : vector<512x512xf32>
    %eq3A_566 = vector.broadcast %eq3A_548 : vector<512x1xi1> to vector<512x512xi1>
    %eq3A_567 = vector.broadcast %eq3A_566 : vector<512x512xi1> to vector<512x512xi1>
    %eq3A_568 = arith.xori %ge3A_565, %eq3A_567 : vector<512x512xi1>
    %eq3A_569 = arith.constant dense<true> : vector<512x512xi1>
    %eq3A_570 = arith.xori %eq3A_568, %eq3A_569 : vector<512x512xi1>
    %select_n3A_571 = arith.select %eq3A_570, %select_n3A_530, %select_n3A_564 : vector<512x512xi1>, vector<512x512xf32>
    %and3A_572 = arith.constant 16 : i32
    %and3A_573 = vector.broadcast %and3A_572 : i32 to vector<512x1xi32>
    %and3A_574 = arith.andi %iota3A, %and3A_573 : vector<512x1xi32>
    %eq3A_575 = arith.constant 0 : i32
    %eq3A_576 = vector.broadcast %eq3A_575 : i32 to vector<512x1xi32>
    %eq3A_577 = arith.cmpi eq, %and3A_574, %eq3A_576 : vector<512x1xi32>
    %eq3A_578 = arith.xori %eq3A_539, %eq3A_577 : vector<512x1xi1>
    %eq3A_579 = arith.constant dense<true> : vector<512x1xi1>
    %eq3A_580 = arith.xori %eq3A_578, %eq3A_579 : vector<512x1xi1>
    %broadcast_in_dim3A_581 = arith.constant 0.000000e+00 : f32
    %broadcast_in_dim3A_582 = vector.broadcast %broadcast_in_dim3A_581 : f32 to vector<16x512xf32>
    %slice3A_583 = vector.extract_strided_slice %select_n3A_571 {offsets = [16, 0], sizes = [496, 512], strides = [1, 1]} : vector<512x512xf32> to vector<496x512xf32>
    %concatenate3A_584 = tpu.concatenate %slice3A_583, %broadcast_in_dim3A_582 in 0 : vector<496x512xf32>, vector<16x512xf32> -> vector<512x512xf32>
    %slice3A_585 = vector.extract_strided_slice %select_n3A_571 {offsets = [0, 0], sizes = [496, 512], strides = [1, 1]} : vector<512x512xf32> to vector<496x512xf32>
    %concatenate3A_586 = tpu.concatenate %broadcast_in_dim3A_582, %slice3A_585 in 0 : vector<16x512xf32>, vector<496x512xf32> -> vector<512x512xf32>
    %iota3A_587 = tpu.iota {dimensions = array<i32: 0>} : vector<512x1xi32>
    %and3A_588 = arith.constant 16 : i32
    %and3A_589 = vector.broadcast %and3A_588 : i32 to vector<512x1xi32>
    %and3A_590 = arith.andi %iota3A_587, %and3A_589 : vector<512x1xi32>
    %eq3A_591 = arith.constant 0 : i32
    %eq3A_592 = vector.broadcast %eq3A_591 : i32 to vector<512x1xi32>
    %eq3A_593 = arith.cmpi eq, %and3A_590, %eq3A_592 : vector<512x1xi32>
    %broadcast_in_dim3A_594 = vector.shape_cast %eq3A_593 : vector<512x1xi1> to vector<512x1xi1>
    %broadcast_in_dim3A_595 = vector.broadcast %broadcast_in_dim3A_594 : vector<512x1xi1> to vector<512x512xi1>
    %select_n3A_596 = arith.select %broadcast_in_dim3A_595, %concatenate3A_584, %concatenate3A_586 : vector<512x512xi1>, vector<512x512xf32>
    %ge3A_597 = arith.cmpf oge, %select_n3A_571, %select_n3A_596 : vector<512x512xf32>
    %eq3A_598 = vector.broadcast %eq3A_580 : vector<512x1xi1> to vector<512x512xi1>
    %eq3A_599 = vector.broadcast %eq3A_598 : vector<512x512xi1> to vector<512x512xi1>
    %eq3A_600 = arith.xori %ge3A_597, %eq3A_599 : vector<512x512xi1>
    %eq3A_601 = arith.constant dense<true> : vector<512x512xi1>
    %eq3A_602 = arith.xori %eq3A_600, %eq3A_601 : vector<512x512xi1>
    %select_n3A_603 = arith.select %eq3A_602, %select_n3A_571, %select_n3A_596 : vector<512x512xi1>, vector<512x512xf32>
    %and3A_604 = arith.constant 8 : i32
    %and3A_605 = vector.broadcast %and3A_604 : i32 to vector<512x1xi32>
    %and3A_606 = arith.andi %iota3A, %and3A_605 : vector<512x1xi32>
    %eq3A_607 = arith.constant 0 : i32
    %eq3A_608 = vector.broadcast %eq3A_607 : i32 to vector<512x1xi32>
    %eq3A_609 = arith.cmpi eq, %and3A_606, %eq3A_608 : vector<512x1xi32>
    %eq3A_610 = arith.xori %eq3A_539, %eq3A_609 : vector<512x1xi1>
    %eq3A_611 = arith.constant dense<true> : vector<512x1xi1>
    %eq3A_612 = arith.xori %eq3A_610, %eq3A_611 : vector<512x1xi1>
    %broadcast_in_dim3A_613 = arith.constant 0.000000e+00 : f32
    %broadcast_in_dim3A_614 = vector.broadcast %broadcast_in_dim3A_613 : f32 to vector<8x512xf32>
    %slice3A_615 = vector.extract_strided_slice %select_n3A_603 {offsets = [8, 0], sizes = [504, 512], strides = [1, 1]} : vector<512x512xf32> to vector<504x512xf32>
    %concatenate3A_616 = tpu.concatenate %slice3A_615, %broadcast_in_dim3A_614 in 0 : vector<504x512xf32>, vector<8x512xf32> -> vector<512x512xf32>
    %slice3A_617 = vector.extract_strided_slice %select_n3A_603 {offsets = [0, 0], sizes = [504, 512], strides = [1, 1]} : vector<512x512xf32> to vector<504x512xf32>
    %concatenate3A_618 = tpu.concatenate %broadcast_in_dim3A_614, %slice3A_617 in 0 : vector<8x512xf32>, vector<504x512xf32> -> vector<512x512xf32>
    %iota3A_619 = tpu.iota {dimensions = array<i32: 0>} : vector<512x1xi32>
    %and3A_620 = arith.constant 8 : i32
    %and3A_621 = vector.broadcast %and3A_620 : i32 to vector<512x1xi32>
    %and3A_622 = arith.andi %iota3A_619, %and3A_621 : vector<512x1xi32>
    %eq3A_623 = arith.constant 0 : i32
    %eq3A_624 = vector.broadcast %eq3A_623 : i32 to vector<512x1xi32>
    %eq3A_625 = arith.cmpi eq, %and3A_622, %eq3A_624 : vector<512x1xi32>
    %broadcast_in_dim3A_626 = vector.shape_cast %eq3A_625 : vector<512x1xi1> to vector<512x1xi1>
    %broadcast_in_dim3A_627 = vector.broadcast %broadcast_in_dim3A_626 : vector<512x1xi1> to vector<512x512xi1>
    %select_n3A_628 = arith.select %broadcast_in_dim3A_627, %concatenate3A_616, %concatenate3A_618 : vector<512x512xi1>, vector<512x512xf32>
    %ge3A_629 = arith.cmpf oge, %select_n3A_603, %select_n3A_628 : vector<512x512xf32>
    %eq3A_630 = vector.broadcast %eq3A_612 : vector<512x1xi1> to vector<512x512xi1>
    %eq3A_631 = vector.broadcast %eq3A_630 : vector<512x512xi1> to vector<512x512xi1>
    %eq3A_632 = arith.xori %ge3A_629, %eq3A_631 : vector<512x512xi1>
    %eq3A_633 = arith.constant dense<true> : vector<512x512xi1>
    %eq3A_634 = arith.xori %eq3A_632, %eq3A_633 : vector<512x512xi1>
    %select_n3A_635 = arith.select %eq3A_634, %select_n3A_603, %select_n3A_628 : vector<512x512xi1>, vector<512x512xf32>
    %and3A_636 = arith.constant 4 : i32
    %and3A_637 = vector.broadcast %and3A_636 : i32 to vector<512x1xi32>
    %and3A_638 = arith.andi %iota3A, %and3A_637 : vector<512x1xi32>
    %eq3A_639 = arith.constant 0 : i32
    %eq3A_640 = vector.broadcast %eq3A_639 : i32 to vector<512x1xi32>
    %eq3A_641 = arith.cmpi eq, %and3A_638, %eq3A_640 : vector<512x1xi32>
    %eq3A_642 = arith.xori %eq3A_539, %eq3A_641 : vector<512x1xi1>
    %eq3A_643 = arith.constant dense<true> : vector<512x1xi1>
    %eq3A_644 = arith.xori %eq3A_642, %eq3A_643 : vector<512x1xi1>
    %broadcast_in_dim3A_645 = arith.constant 0.000000e+00 : f32
    %broadcast_in_dim3A_646 = vector.broadcast %broadcast_in_dim3A_645 : f32 to vector<4x512xf32>
    %slice3A_647 = vector.extract_strided_slice %select_n3A_635 {offsets = [4, 0], sizes = [508, 512], strides = [1, 1]} : vector<512x512xf32> to vector<508x512xf32>
    %concatenate3A_648 = tpu.concatenate %slice3A_647, %broadcast_in_dim3A_646 in 0 : vector<508x512xf32>, vector<4x512xf32> -> vector<512x512xf32>
    %slice3A_649 = vector.extract_strided_slice %select_n3A_635 {offsets = [0, 0], sizes = [508, 512], strides = [1, 1]} : vector<512x512xf32> to vector<508x512xf32>
    %concatenate3A_650 = tpu.concatenate %broadcast_in_dim3A_646, %slice3A_649 in 0 : vector<4x512xf32>, vector<508x512xf32> -> vector<512x512xf32>
    %iota3A_651 = tpu.iota {dimensions = array<i32: 0>} : vector<512x1xi32>
    %and3A_652 = arith.constant 4 : i32
    %and3A_653 = vector.broadcast %and3A_652 : i32 to vector<512x1xi32>
    %and3A_654 = arith.andi %iota3A_651, %and3A_653 : vector<512x1xi32>
    %eq3A_655 = arith.constant 0 : i32
    %eq3A_656 = vector.broadcast %eq3A_655 : i32 to vector<512x1xi32>
    %eq3A_657 = arith.cmpi eq, %and3A_654, %eq3A_656 : vector<512x1xi32>
    %broadcast_in_dim3A_658 = vector.shape_cast %eq3A_657 : vector<512x1xi1> to vector<512x1xi1>
    %broadcast_in_dim3A_659 = vector.broadcast %broadcast_in_dim3A_658 : vector<512x1xi1> to vector<512x512xi1>
    %select_n3A_660 = arith.select %broadcast_in_dim3A_659, %concatenate3A_648, %concatenate3A_650 : vector<512x512xi1>, vector<512x512xf32>
    %ge3A_661 = arith.cmpf oge, %select_n3A_635, %select_n3A_660 : vector<512x512xf32>
    %eq3A_662 = vector.broadcast %eq3A_644 : vector<512x1xi1> to vector<512x512xi1>
    %eq3A_663 = vector.broadcast %eq3A_662 : vector<512x512xi1> to vector<512x512xi1>
    %eq3A_664 = arith.xori %ge3A_661, %eq3A_663 : vector<512x512xi1>
    %eq3A_665 = arith.constant dense<true> : vector<512x512xi1>
    %eq3A_666 = arith.xori %eq3A_664, %eq3A_665 : vector<512x512xi1>
    %select_n3A_667 = arith.select %eq3A_666, %select_n3A_635, %select_n3A_660 : vector<512x512xi1>, vector<512x512xf32>
    %and3A_668 = arith.constant 2 : i32
    %and3A_669 = vector.broadcast %and3A_668 : i32 to vector<512x1xi32>
    %and3A_670 = arith.andi %iota3A, %and3A_669 : vector<512x1xi32>
    %eq3A_671 = arith.constant 0 : i32
    %eq3A_672 = vector.broadcast %eq3A_671 : i32 to vector<512x1xi32>
    %eq3A_673 = arith.cmpi eq, %and3A_670, %eq3A_672 : vector<512x1xi32>
    %eq3A_674 = arith.xori %eq3A_539, %eq3A_673 : vector<512x1xi1>
    %eq3A_675 = arith.constant dense<true> : vector<512x1xi1>
    %eq3A_676 = arith.xori %eq3A_674, %eq3A_675 : vector<512x1xi1>
    %broadcast_in_dim3A_677 = arith.constant 0.000000e+00 : f32
    %broadcast_in_dim3A_678 = vector.broadcast %broadcast_in_dim3A_677 : f32 to vector<2x512xf32>
    %slice3A_679 = vector.extract_strided_slice %select_n3A_667 {offsets = [2, 0], sizes = [510, 512], strides = [1, 1]} : vector<512x512xf32> to vector<510x512xf32>
    %concatenate3A_680 = tpu.concatenate %slice3A_679, %broadcast_in_dim3A_678 in 0 : vector<510x512xf32>, vector<2x512xf32> -> vector<512x512xf32>
    %slice3A_681 = vector.extract_strided_slice %select_n3A_667 {offsets = [0, 0], sizes = [510, 512], strides = [1, 1]} : vector<512x512xf32> to vector<510x512xf32>
    %concatenate3A_682 = tpu.concatenate %broadcast_in_dim3A_678, %slice3A_681 in 0 : vector<2x512xf32>, vector<510x512xf32> -> vector<512x512xf32>
    %iota3A_683 = tpu.iota {dimensions = array<i32: 0>} : vector<512x1xi32>
    %and3A_684 = arith.constant 2 : i32
    %and3A_685 = vector.broadcast %and3A_684 : i32 to vector<512x1xi32>
    %and3A_686 = arith.andi %iota3A_683, %and3A_685 : vector<512x1xi32>
    %eq3A_687 = arith.constant 0 : i32
    %eq3A_688 = vector.broadcast %eq3A_687 : i32 to vector<512x1xi32>
    %eq3A_689 = arith.cmpi eq, %and3A_686, %eq3A_688 : vector<512x1xi32>
    %broadcast_in_dim3A_690 = vector.shape_cast %eq3A_689 : vector<512x1xi1> to vector<512x1xi1>
    %broadcast_in_dim3A_691 = vector.broadcast %broadcast_in_dim3A_690 : vector<512x1xi1> to vector<512x512xi1>
    %select_n3A_692 = arith.select %broadcast_in_dim3A_691, %concatenate3A_680, %concatenate3A_682 : vector<512x512xi1>, vector<512x512xf32>
    %ge3A_693 = arith.cmpf oge, %select_n3A_667, %select_n3A_692 : vector<512x512xf32>
    %eq3A_694 = vector.broadcast %eq3A_676 : vector<512x1xi1> to vector<512x512xi1>
    %eq3A_695 = vector.broadcast %eq3A_694 : vector<512x512xi1> to vector<512x512xi1>
    %eq3A_696 = arith.xori %ge3A_693, %eq3A_695 : vector<512x512xi1>
    %eq3A_697 = arith.constant dense<true> : vector<512x512xi1>
    %eq3A_698 = arith.xori %eq3A_696, %eq3A_697 : vector<512x512xi1>
    %select_n3A_699 = arith.select %eq3A_698, %select_n3A_667, %select_n3A_692 : vector<512x512xi1>, vector<512x512xf32>
    %and3A_700 = arith.constant 1 : i32
    %and3A_701 = vector.broadcast %and3A_700 : i32 to vector<512x1xi32>
    %and3A_702 = arith.andi %iota3A, %and3A_701 : vector<512x1xi32>
    %eq3A_703 = arith.constant 0 : i32
    %eq3A_704 = vector.broadcast %eq3A_703 : i32 to vector<512x1xi32>
    %eq3A_705 = arith.cmpi eq, %and3A_702, %eq3A_704 : vector<512x1xi32>
    %eq3A_706 = arith.xori %eq3A_539, %eq3A_705 : vector<512x1xi1>
    %eq3A_707 = arith.constant dense<true> : vector<512x1xi1>
    %eq3A_708 = arith.xori %eq3A_706, %eq3A_707 : vector<512x1xi1>
    %broadcast_in_dim3A_709 = arith.constant 0.000000e+00 : f32
    %broadcast_in_dim3A_710 = vector.broadcast %broadcast_in_dim3A_709 : f32 to vector<1x512xf32>
    %slice3A_711 = vector.extract_strided_slice %select_n3A_699 {offsets = [1, 0], sizes = [511, 512], strides = [1, 1]} : vector<512x512xf32> to vector<511x512xf32>
    %concatenate3A_712 = tpu.concatenate %slice3A_711, %broadcast_in_dim3A_710 in 0 : vector<511x512xf32>, vector<1x512xf32> -> vector<512x512xf32>
    %slice3A_713 = vector.extract_strided_slice %select_n3A_699 {offsets = [0, 0], sizes = [511, 512], strides = [1, 1]} : vector<512x512xf32> to vector<511x512xf32>
    %concatenate3A_714 = tpu.concatenate %broadcast_in_dim3A_710, %slice3A_713 in 0 : vector<1x512xf32>, vector<511x512xf32> -> vector<512x512xf32>
    %iota3A_715 = tpu.iota {dimensions = array<i32: 0>} : vector<512x1xi32>
    %and3A_716 = arith.constant 1 : i32
    %and3A_717 = vector.broadcast %and3A_716 : i32 to vector<512x1xi32>
    %and3A_718 = arith.andi %iota3A_715, %and3A_717 : vector<512x1xi32>
    %eq3A_719 = arith.constant 0 : i32
    %eq3A_720 = vector.broadcast %eq3A_719 : i32 to vector<512x1xi32>
    %eq3A_721 = arith.cmpi eq, %and3A_718, %eq3A_720 : vector<512x1xi32>
    %broadcast_in_dim3A_722 = vector.shape_cast %eq3A_721 : vector<512x1xi1> to vector<512x1xi1>
    %broadcast_in_dim3A_723 = vector.broadcast %broadcast_in_dim3A_722 : vector<512x1xi1> to vector<512x512xi1>
    %select_n3A_724 = arith.select %broadcast_in_dim3A_723, %concatenate3A_712, %concatenate3A_714 : vector<512x512xi1>, vector<512x512xf32>
    %ge3A_725 = arith.cmpf oge, %select_n3A_699, %select_n3A_724 : vector<512x512xf32>
    %eq3A_726 = vector.broadcast %eq3A_708 : vector<512x1xi1> to vector<512x512xi1>
    %eq3A_727 = vector.broadcast %eq3A_726 : vector<512x512xi1> to vector<512x512xi1>
    %eq3A_728 = arith.xori %ge3A_725, %eq3A_727 : vector<512x512xi1>
    %eq3A_729 = arith.constant dense<true> : vector<512x512xi1>
    %eq3A_730 = arith.xori %eq3A_728, %eq3A_729 : vector<512x512xi1>
    %select_n3A_731 = arith.select %eq3A_730, %select_n3A_699, %select_n3A_724 : vector<512x512xi1>, vector<512x512xf32>
    %and3A_732 = arith.constant 128 : i32
    %and3A_733 = vector.broadcast %and3A_732 : i32 to vector<512x1xi32>
    %and3A_734 = arith.andi %and3A_5, %and3A_733 : vector<512x1xi32>
    %eq3A_735 = arith.constant 0 : i32
    %eq3A_736 = vector.broadcast %eq3A_735 : i32 to vector<512x1xi32>
    %eq3A_737 = arith.cmpi eq, %and3A_734, %eq3A_736 : vector<512x1xi32>
    %eq3A_738 = arith.xori %eq3A_737, %eq3A_10 : vector<512x1xi1>
    %eq3A_739 = arith.constant dense<true> : vector<512x1xi1>
    %eq3A_740 = arith.xori %eq3A_738, %eq3A_739 : vector<512x1xi1>
    %and3A_741 = arith.constant 64 : i32
    %and3A_742 = vector.broadcast %and3A_741 : i32 to vector<512x1xi32>
    %and3A_743 = arith.andi %iota3A, %and3A_742 : vector<512x1xi32>
    %eq3A_744 = arith.constant 0 : i32
    %eq3A_745 = vector.broadcast %eq3A_744 : i32 to vector<512x1xi32>
    %eq3A_746 = arith.cmpi eq, %and3A_743, %eq3A_745 : vector<512x1xi32>
    %eq3A_747 = arith.xori %eq3A_740, %eq3A_746 : vector<512x1xi1>
    %eq3A_748 = arith.constant dense<true> : vector<512x1xi1>
    %eq3A_749 = arith.xori %eq3A_747, %eq3A_748 : vector<512x1xi1>
    %broadcast_in_dim3A_750 = arith.constant 0.000000e+00 : f32
    %broadcast_in_dim3A_751 = vector.broadcast %broadcast_in_dim3A_750 : f32 to vector<64x512xf32>
    %slice3A_752 = vector.extract_strided_slice %select_n3A_731 {offsets = [64, 0], sizes = [448, 512], strides = [1, 1]} : vector<512x512xf32> to vector<448x512xf32>
    %concatenate3A_753 = tpu.concatenate %slice3A_752, %broadcast_in_dim3A_751 in 0 : vector<448x512xf32>, vector<64x512xf32> -> vector<512x512xf32>
    %slice3A_754 = vector.extract_strided_slice %select_n3A_731 {offsets = [0, 0], sizes = [448, 512], strides = [1, 1]} : vector<512x512xf32> to vector<448x512xf32>
    %concatenate3A_755 = tpu.concatenate %broadcast_in_dim3A_751, %slice3A_754 in 0 : vector<64x512xf32>, vector<448x512xf32> -> vector<512x512xf32>
    %iota3A_756 = tpu.iota {dimensions = array<i32: 0>} : vector<512x1xi32>
    %and3A_757 = arith.constant 64 : i32
    %and3A_758 = vector.broadcast %and3A_757 : i32 to vector<512x1xi32>
    %and3A_759 = arith.andi %iota3A_756, %and3A_758 : vector<512x1xi32>
    %eq3A_760 = arith.constant 0 : i32
    %eq3A_761 = vector.broadcast %eq3A_760 : i32 to vector<512x1xi32>
    %eq3A_762 = arith.cmpi eq, %and3A_759, %eq3A_761 : vector<512x1xi32>
    %broadcast_in_dim3A_763 = vector.shape_cast %eq3A_762 : vector<512x1xi1> to vector<512x1xi1>
    %broadcast_in_dim3A_764 = vector.broadcast %broadcast_in_dim3A_763 : vector<512x1xi1> to vector<512x512xi1>
    %select_n3A_765 = arith.select %broadcast_in_dim3A_764, %concatenate3A_753, %concatenate3A_755 : vector<512x512xi1>, vector<512x512xf32>
    %ge3A_766 = arith.cmpf oge, %select_n3A_731, %select_n3A_765 : vector<512x512xf32>
    %eq3A_767 = vector.broadcast %eq3A_749 : vector<512x1xi1> to vector<512x512xi1>
    %eq3A_768 = vector.broadcast %eq3A_767 : vector<512x512xi1> to vector<512x512xi1>
    %eq3A_769 = arith.xori %ge3A_766, %eq3A_768 : vector<512x512xi1>
    %eq3A_770 = arith.constant dense<true> : vector<512x512xi1>
    %eq3A_771 = arith.xori %eq3A_769, %eq3A_770 : vector<512x512xi1>
    %select_n3A_772 = arith.select %eq3A_771, %select_n3A_731, %select_n3A_765 : vector<512x512xi1>, vector<512x512xf32>
    %and3A_773 = arith.constant 32 : i32
    %and3A_774 = vector.broadcast %and3A_773 : i32 to vector<512x1xi32>
    %and3A_775 = arith.andi %iota3A, %and3A_774 : vector<512x1xi32>
    %eq3A_776 = arith.constant 0 : i32
    %eq3A_777 = vector.broadcast %eq3A_776 : i32 to vector<512x1xi32>
    %eq3A_778 = arith.cmpi eq, %and3A_775, %eq3A_777 : vector<512x1xi32>
    %eq3A_779 = arith.xori %eq3A_740, %eq3A_778 : vector<512x1xi1>
    %eq3A_780 = arith.constant dense<true> : vector<512x1xi1>
    %eq3A_781 = arith.xori %eq3A_779, %eq3A_780 : vector<512x1xi1>
    %broadcast_in_dim3A_782 = arith.constant 0.000000e+00 : f32
    %broadcast_in_dim3A_783 = vector.broadcast %broadcast_in_dim3A_782 : f32 to vector<32x512xf32>
    %slice3A_784 = vector.extract_strided_slice %select_n3A_772 {offsets = [32, 0], sizes = [480, 512], strides = [1, 1]} : vector<512x512xf32> to vector<480x512xf32>
    %concatenate3A_785 = tpu.concatenate %slice3A_784, %broadcast_in_dim3A_783 in 0 : vector<480x512xf32>, vector<32x512xf32> -> vector<512x512xf32>
    %slice3A_786 = vector.extract_strided_slice %select_n3A_772 {offsets = [0, 0], sizes = [480, 512], strides = [1, 1]} : vector<512x512xf32> to vector<480x512xf32>
    %concatenate3A_787 = tpu.concatenate %broadcast_in_dim3A_783, %slice3A_786 in 0 : vector<32x512xf32>, vector<480x512xf32> -> vector<512x512xf32>
    %iota3A_788 = tpu.iota {dimensions = array<i32: 0>} : vector<512x1xi32>
    %and3A_789 = arith.constant 32 : i32
    %and3A_790 = vector.broadcast %and3A_789 : i32 to vector<512x1xi32>
    %and3A_791 = arith.andi %iota3A_788, %and3A_790 : vector<512x1xi32>
    %eq3A_792 = arith.constant 0 : i32
    %eq3A_793 = vector.broadcast %eq3A_792 : i32 to vector<512x1xi32>
    %eq3A_794 = arith.cmpi eq, %and3A_791, %eq3A_793 : vector<512x1xi32>
    %broadcast_in_dim3A_795 = vector.shape_cast %eq3A_794 : vector<512x1xi1> to vector<512x1xi1>
    %broadcast_in_dim3A_796 = vector.broadcast %broadcast_in_dim3A_795 : vector<512x1xi1> to vector<512x512xi1>
    %select_n3A_797 = arith.select %broadcast_in_dim3A_796, %concatenate3A_785, %concatenate3A_787 : vector<512x512xi1>, vector<512x512xf32>
    %ge3A_798 = arith.cmpf oge, %select_n3A_772, %select_n3A_797 : vector<512x512xf32>
    %eq3A_799 = vector.broadcast %eq3A_781 : vector<512x1xi1> to vector<512x512xi1>
    %eq3A_800 = vector.broadcast %eq3A_799 : vector<512x512xi1> to vector<512x512xi1>
    %eq3A_801 = arith.xori %ge3A_798, %eq3A_800 : vector<512x512xi1>
    %eq3A_802 = arith.constant dense<true> : vector<512x512xi1>
    %eq3A_803 = arith.xori %eq3A_801, %eq3A_802 : vector<512x512xi1>
    %select_n3A_804 = arith.select %eq3A_803, %select_n3A_772, %select_n3A_797 : vector<512x512xi1>, vector<512x512xf32>
    %and3A_805 = arith.constant 16 : i32
    %and3A_806 = vector.broadcast %and3A_805 : i32 to vector<512x1xi32>
    %and3A_807 = arith.andi %iota3A, %and3A_806 : vector<512x1xi32>
    %eq3A_808 = arith.constant 0 : i32
    %eq3A_809 = vector.broadcast %eq3A_808 : i32 to vector<512x1xi32>
    %eq3A_810 = arith.cmpi eq, %and3A_807, %eq3A_809 : vector<512x1xi32>
    %eq3A_811 = arith.xori %eq3A_740, %eq3A_810 : vector<512x1xi1>
    %eq3A_812 = arith.constant dense<true> : vector<512x1xi1>
    %eq3A_813 = arith.xori %eq3A_811, %eq3A_812 : vector<512x1xi1>
    %broadcast_in_dim3A_814 = arith.constant 0.000000e+00 : f32
    %broadcast_in_dim3A_815 = vector.broadcast %broadcast_in_dim3A_814 : f32 to vector<16x512xf32>
    %slice3A_816 = vector.extract_strided_slice %select_n3A_804 {offsets = [16, 0], sizes = [496, 512], strides = [1, 1]} : vector<512x512xf32> to vector<496x512xf32>
    %concatenate3A_817 = tpu.concatenate %slice3A_816, %broadcast_in_dim3A_815 in 0 : vector<496x512xf32>, vector<16x512xf32> -> vector<512x512xf32>
    %slice3A_818 = vector.extract_strided_slice %select_n3A_804 {offsets = [0, 0], sizes = [496, 512], strides = [1, 1]} : vector<512x512xf32> to vector<496x512xf32>
    %concatenate3A_819 = tpu.concatenate %broadcast_in_dim3A_815, %slice3A_818 in 0 : vector<16x512xf32>, vector<496x512xf32> -> vector<512x512xf32>
    %iota3A_820 = tpu.iota {dimensions = array<i32: 0>} : vector<512x1xi32>
    %and3A_821 = arith.constant 16 : i32
    %and3A_822 = vector.broadcast %and3A_821 : i32 to vector<512x1xi32>
    %and3A_823 = arith.andi %iota3A_820, %and3A_822 : vector<512x1xi32>
    %eq3A_824 = arith.constant 0 : i32
    %eq3A_825 = vector.broadcast %eq3A_824 : i32 to vector<512x1xi32>
    %eq3A_826 = arith.cmpi eq, %and3A_823, %eq3A_825 : vector<512x1xi32>
    %broadcast_in_dim3A_827 = vector.shape_cast %eq3A_826 : vector<512x1xi1> to vector<512x1xi1>
    %broadcast_in_dim3A_828 = vector.broadcast %broadcast_in_dim3A_827 : vector<512x1xi1> to vector<512x512xi1>
    %select_n3A_829 = arith.select %broadcast_in_dim3A_828, %concatenate3A_817, %concatenate3A_819 : vector<512x512xi1>, vector<512x512xf32>
    %ge3A_830 = arith.cmpf oge, %select_n3A_804, %select_n3A_829 : vector<512x512xf32>
    %eq3A_831 = vector.broadcast %eq3A_813 : vector<512x1xi1> to vector<512x512xi1>
    %eq3A_832 = vector.broadcast %eq3A_831 : vector<512x512xi1> to vector<512x512xi1>
    %eq3A_833 = arith.xori %ge3A_830, %eq3A_832 : vector<512x512xi1>
    %eq3A_834 = arith.constant dense<true> : vector<512x512xi1>
    %eq3A_835 = arith.xori %eq3A_833, %eq3A_834 : vector<512x512xi1>
    %select_n3A_836 = arith.select %eq3A_835, %select_n3A_804, %select_n3A_829 : vector<512x512xi1>, vector<512x512xf32>
    %and3A_837 = arith.constant 8 : i32
    %and3A_838 = vector.broadcast %and3A_837 : i32 to vector<512x1xi32>
    %and3A_839 = arith.andi %iota3A, %and3A_838 : vector<512x1xi32>
    %eq3A_840 = arith.constant 0 : i32
    %eq3A_841 = vector.broadcast %eq3A_840 : i32 to vector<512x1xi32>
    %eq3A_842 = arith.cmpi eq, %and3A_839, %eq3A_841 : vector<512x1xi32>
    %eq3A_843 = arith.xori %eq3A_740, %eq3A_842 : vector<512x1xi1>
    %eq3A_844 = arith.constant dense<true> : vector<512x1xi1>
    %eq3A_845 = arith.xori %eq3A_843, %eq3A_844 : vector<512x1xi1>
    %broadcast_in_dim3A_846 = arith.constant 0.000000e+00 : f32
    %broadcast_in_dim3A_847 = vector.broadcast %broadcast_in_dim3A_846 : f32 to vector<8x512xf32>
    %slice3A_848 = vector.extract_strided_slice %select_n3A_836 {offsets = [8, 0], sizes = [504, 512], strides = [1, 1]} : vector<512x512xf32> to vector<504x512xf32>
    %concatenate3A_849 = tpu.concatenate %slice3A_848, %broadcast_in_dim3A_847 in 0 : vector<504x512xf32>, vector<8x512xf32> -> vector<512x512xf32>
    %slice3A_850 = vector.extract_strided_slice %select_n3A_836 {offsets = [0, 0], sizes = [504, 512], strides = [1, 1]} : vector<512x512xf32> to vector<504x512xf32>
    %concatenate3A_851 = tpu.concatenate %broadcast_in_dim3A_847, %slice3A_850 in 0 : vector<8x512xf32>, vector<504x512xf32> -> vector<512x512xf32>
    %iota3A_852 = tpu.iota {dimensions = array<i32: 0>} : vector<512x1xi32>
    %and3A_853 = arith.constant 8 : i32
    %and3A_854 = vector.broadcast %and3A_853 : i32 to vector<512x1xi32>
    %and3A_855 = arith.andi %iota3A_852, %and3A_854 : vector<512x1xi32>
    %eq3A_856 = arith.constant 0 : i32
    %eq3A_857 = vector.broadcast %eq3A_856 : i32 to vector<512x1xi32>
    %eq3A_858 = arith.cmpi eq, %and3A_855, %eq3A_857 : vector<512x1xi32>
    %broadcast_in_dim3A_859 = vector.shape_cast %eq3A_858 : vector<512x1xi1> to vector<512x1xi1>
    %broadcast_in_dim3A_860 = vector.broadcast %broadcast_in_dim3A_859 : vector<512x1xi1> to vector<512x512xi1>
    %select_n3A_861 = arith.select %broadcast_in_dim3A_860, %concatenate3A_849, %concatenate3A_851 : vector<512x512xi1>, vector<512x512xf32>
    %ge3A_862 = arith.cmpf oge, %select_n3A_836, %select_n3A_861 : vector<512x512xf32>
    %eq3A_863 = vector.broadcast %eq3A_845 : vector<512x1xi1> to vector<512x512xi1>
    %eq3A_864 = vector.broadcast %eq3A_863 : vector<512x512xi1> to vector<512x512xi1>
    %eq3A_865 = arith.xori %ge3A_862, %eq3A_864 : vector<512x512xi1>
    %eq3A_866 = arith.constant dense<true> : vector<512x512xi1>
    %eq3A_867 = arith.xori %eq3A_865, %eq3A_866 : vector<512x512xi1>
    %select_n3A_868 = arith.select %eq3A_867, %select_n3A_836, %select_n3A_861 : vector<512x512xi1>, vector<512x512xf32>
    %and3A_869 = arith.constant 4 : i32
    %and3A_870 = vector.broadcast %and3A_869 : i32 to vector<512x1xi32>
    %and3A_871 = arith.andi %iota3A, %and3A_870 : vector<512x1xi32>
    %eq3A_872 = arith.constant 0 : i32
    %eq3A_873 = vector.broadcast %eq3A_872 : i32 to vector<512x1xi32>
    %eq3A_874 = arith.cmpi eq, %and3A_871, %eq3A_873 : vector<512x1xi32>
    %eq3A_875 = arith.xori %eq3A_740, %eq3A_874 : vector<512x1xi1>
    %eq3A_876 = arith.constant dense<true> : vector<512x1xi1>
    %eq3A_877 = arith.xori %eq3A_875, %eq3A_876 : vector<512x1xi1>
    %broadcast_in_dim3A_878 = arith.constant 0.000000e+00 : f32
    %broadcast_in_dim3A_879 = vector.broadcast %broadcast_in_dim3A_878 : f32 to vector<4x512xf32>
    %slice3A_880 = vector.extract_strided_slice %select_n3A_868 {offsets = [4, 0], sizes = [508, 512], strides = [1, 1]} : vector<512x512xf32> to vector<508x512xf32>
    %concatenate3A_881 = tpu.concatenate %slice3A_880, %broadcast_in_dim3A_879 in 0 : vector<508x512xf32>, vector<4x512xf32> -> vector<512x512xf32>
    %slice3A_882 = vector.extract_strided_slice %select_n3A_868 {offsets = [0, 0], sizes = [508, 512], strides = [1, 1]} : vector<512x512xf32> to vector<508x512xf32>
    %concatenate3A_883 = tpu.concatenate %broadcast_in_dim3A_879, %slice3A_882 in 0 : vector<4x512xf32>, vector<508x512xf32> -> vector<512x512xf32>
    %iota3A_884 = tpu.iota {dimensions = array<i32: 0>} : vector<512x1xi32>
    %and3A_885 = arith.constant 4 : i32
    %and3A_886 = vector.broadcast %and3A_885 : i32 to vector<512x1xi32>
    %and3A_887 = arith.andi %iota3A_884, %and3A_886 : vector<512x1xi32>
    %eq3A_888 = arith.constant 0 : i32
    %eq3A_889 = vector.broadcast %eq3A_888 : i32 to vector<512x1xi32>
    %eq3A_890 = arith.cmpi eq, %and3A_887, %eq3A_889 : vector<512x1xi32>
    %broadcast_in_dim3A_891 = vector.shape_cast %eq3A_890 : vector<512x1xi1> to vector<512x1xi1>
    %broadcast_in_dim3A_892 = vector.broadcast %broadcast_in_dim3A_891 : vector<512x1xi1> to vector<512x512xi1>
    %select_n3A_893 = arith.select %broadcast_in_dim3A_892, %concatenate3A_881, %concatenate3A_883 : vector<512x512xi1>, vector<512x512xf32>
    %ge3A_894 = arith.cmpf oge, %select_n3A_868, %select_n3A_893 : vector<512x512xf32>
    %eq3A_895 = vector.broadcast %eq3A_877 : vector<512x1xi1> to vector<512x512xi1>
    %eq3A_896 = vector.broadcast %eq3A_895 : vector<512x512xi1> to vector<512x512xi1>
    %eq3A_897 = arith.xori %ge3A_894, %eq3A_896 : vector<512x512xi1>
    %eq3A_898 = arith.constant dense<true> : vector<512x512xi1>
    %eq3A_899 = arith.xori %eq3A_897, %eq3A_898 : vector<512x512xi1>
    %select_n3A_900 = arith.select %eq3A_899, %select_n3A_868, %select_n3A_893 : vector<512x512xi1>, vector<512x512xf32>
    %and3A_901 = arith.constant 2 : i32
    %and3A_902 = vector.broadcast %and3A_901 : i32 to vector<512x1xi32>
    %and3A_903 = arith.andi %iota3A, %and3A_902 : vector<512x1xi32>
    %eq3A_904 = arith.constant 0 : i32
    %eq3A_905 = vector.broadcast %eq3A_904 : i32 to vector<512x1xi32>
    %eq3A_906 = arith.cmpi eq, %and3A_903, %eq3A_905 : vector<512x1xi32>
    %eq3A_907 = arith.xori %eq3A_740, %eq3A_906 : vector<512x1xi1>
    %eq3A_908 = arith.constant dense<true> : vector<512x1xi1>
    %eq3A_909 = arith.xori %eq3A_907, %eq3A_908 : vector<512x1xi1>
    %broadcast_in_dim3A_910 = arith.constant 0.000000e+00 : f32
    %broadcast_in_dim3A_911 = vector.broadcast %broadcast_in_dim3A_910 : f32 to vector<2x512xf32>
    %slice3A_912 = vector.extract_strided_slice %select_n3A_900 {offsets = [2, 0], sizes = [510, 512], strides = [1, 1]} : vector<512x512xf32> to vector<510x512xf32>
    %concatenate3A_913 = tpu.concatenate %slice3A_912, %broadcast_in_dim3A_911 in 0 : vector<510x512xf32>, vector<2x512xf32> -> vector<512x512xf32>
    %slice3A_914 = vector.extract_strided_slice %select_n3A_900 {offsets = [0, 0], sizes = [510, 512], strides = [1, 1]} : vector<512x512xf32> to vector<510x512xf32>
    %concatenate3A_915 = tpu.concatenate %broadcast_in_dim3A_911, %slice3A_914 in 0 : vector<2x512xf32>, vector<510x512xf32> -> vector<512x512xf32>
    %iota3A_916 = tpu.iota {dimensions = array<i32: 0>} : vector<512x1xi32>
    %and3A_917 = arith.constant 2 : i32
    %and3A_918 = vector.broadcast %and3A_917 : i32 to vector<512x1xi32>
    %and3A_919 = arith.andi %iota3A_916, %and3A_918 : vector<512x1xi32>
    %eq3A_920 = arith.constant 0 : i32
    %eq3A_921 = vector.broadcast %eq3A_920 : i32 to vector<512x1xi32>
    %eq3A_922 = arith.cmpi eq, %and3A_919, %eq3A_921 : vector<512x1xi32>
    %broadcast_in_dim3A_923 = vector.shape_cast %eq3A_922 : vector<512x1xi1> to vector<512x1xi1>
    %broadcast_in_dim3A_924 = vector.broadcast %broadcast_in_dim3A_923 : vector<512x1xi1> to vector<512x512xi1>
    %select_n3A_925 = arith.select %broadcast_in_dim3A_924, %concatenate3A_913, %concatenate3A_915 : vector<512x512xi1>, vector<512x512xf32>
    %ge3A_926 = arith.cmpf oge, %select_n3A_900, %select_n3A_925 : vector<512x512xf32>
    %eq3A_927 = vector.broadcast %eq3A_909 : vector<512x1xi1> to vector<512x512xi1>
    %eq3A_928 = vector.broadcast %eq3A_927 : vector<512x512xi1> to vector<512x512xi1>
    %eq3A_929 = arith.xori %ge3A_926, %eq3A_928 : vector<512x512xi1>
    %eq3A_930 = arith.constant dense<true> : vector<512x512xi1>
    %eq3A_931 = arith.xori %eq3A_929, %eq3A_930 : vector<512x512xi1>
    %select_n3A_932 = arith.select %eq3A_931, %select_n3A_900, %select_n3A_925 : vector<512x512xi1>, vector<512x512xf32>
    %and3A_933 = arith.constant 1 : i32
    %and3A_934 = vector.broadcast %and3A_933 : i32 to vector<512x1xi32>
    %and3A_935 = arith.andi %iota3A, %and3A_934 : vector<512x1xi32>
    %eq3A_936 = arith.constant 0 : i32
    %eq3A_937 = vector.broadcast %eq3A_936 : i32 to vector<512x1xi32>
    %eq3A_938 = arith.cmpi eq, %and3A_935, %eq3A_937 : vector<512x1xi32>
    %eq3A_939 = arith.xori %eq3A_740, %eq3A_938 : vector<512x1xi1>
    %eq3A_940 = arith.constant dense<true> : vector<512x1xi1>
    %eq3A_941 = arith.xori %eq3A_939, %eq3A_940 : vector<512x1xi1>
    %broadcast_in_dim3A_942 = arith.constant 0.000000e+00 : f32
    %broadcast_in_dim3A_943 = vector.broadcast %broadcast_in_dim3A_942 : f32 to vector<1x512xf32>
    %slice3A_944 = vector.extract_strided_slice %select_n3A_932 {offsets = [1, 0], sizes = [511, 512], strides = [1, 1]} : vector<512x512xf32> to vector<511x512xf32>
    %concatenate3A_945 = tpu.concatenate %slice3A_944, %broadcast_in_dim3A_943 in 0 : vector<511x512xf32>, vector<1x512xf32> -> vector<512x512xf32>
    %slice3A_946 = vector.extract_strided_slice %select_n3A_932 {offsets = [0, 0], sizes = [511, 512], strides = [1, 1]} : vector<512x512xf32> to vector<511x512xf32>
    %concatenate3A_947 = tpu.concatenate %broadcast_in_dim3A_943, %slice3A_946 in 0 : vector<1x512xf32>, vector<511x512xf32> -> vector<512x512xf32>
    %iota3A_948 = tpu.iota {dimensions = array<i32: 0>} : vector<512x1xi32>
    %and3A_949 = arith.constant 1 : i32
    %and3A_950 = vector.broadcast %and3A_949 : i32 to vector<512x1xi32>
    %and3A_951 = arith.andi %iota3A_948, %and3A_950 : vector<512x1xi32>
    %eq3A_952 = arith.constant 0 : i32
    %eq3A_953 = vector.broadcast %eq3A_952 : i32 to vector<512x1xi32>
    %eq3A_954 = arith.cmpi eq, %and3A_951, %eq3A_953 : vector<512x1xi32>
    %broadcast_in_dim3A_955 = vector.shape_cast %eq3A_954 : vector<512x1xi1> to vector<512x1xi1>
    %broadcast_in_dim3A_956 = vector.broadcast %broadcast_in_dim3A_955 : vector<512x1xi1> to vector<512x512xi1>
    %select_n3A_957 = arith.select %broadcast_in_dim3A_956, %concatenate3A_945, %concatenate3A_947 : vector<512x512xi1>, vector<512x512xf32>
    %ge3A_958 = arith.cmpf oge, %select_n3A_932, %select_n3A_957 : vector<512x512xf32>
    %eq3A_959 = vector.broadcast %eq3A_941 : vector<512x1xi1> to vector<512x512xi1>
    %eq3A_960 = vector.broadcast %eq3A_959 : vector<512x512xi1> to vector<512x512xi1>
    %eq3A_961 = arith.xori %ge3A_958, %eq3A_960 : vector<512x512xi1>
    %eq3A_962 = arith.constant dense<true> : vector<512x512xi1>
    %eq3A_963 = arith.xori %eq3A_961, %eq3A_962 : vector<512x512xi1>
    %select_n3A_964 = arith.select %eq3A_963, %select_n3A_932, %select_n3A_957 : vector<512x512xi1>, vector<512x512xf32>
    %slice3A_965 = vector.extract_strided_slice %select_n3A_964 {offsets = [0, 0], sizes = [128, 512], strides = [1, 1]} : vector<512x512xf32> to vector<128x512xf32>
    %slice3A_966 = vector.extract_strided_slice %select_n3A_964 {offsets = [128, 0], sizes = [128, 512], strides = [1, 1]} : vector<512x512xf32> to vector<128x512xf32>
    %max3A = arith.maximumf %slice3A_965, %slice3A_966 : vector<128x512xf32>
    %slice3A_967 = vector.extract_strided_slice %select_n3A_964 {offsets = [256, 0], sizes = [128, 512], strides = [1, 1]} : vector<512x512xf32> to vector<128x512xf32>
    %slice3A_968 = vector.extract_strided_slice %select_n3A_964 {offsets = [384, 0], sizes = [128, 512], strides = [1, 1]} : vector<512x512xf32> to vector<128x512xf32>
    %max3A_969 = arith.maximumf %slice3A_967, %slice3A_968 : vector<128x512xf32>
    %concatenate3A_970 = tpu.concatenate %max3A, %max3A_969 in 0 : vector<128x512xf32>, vector<128x512xf32> -> vector<256x512xf32>
    %iota3A_971 = tpu.iota {dimensions = array<i32: 0>} : vector<256x1xi32>
    %and3A_972 = arith.constant 128 : i32
    %and3A_973 = vector.broadcast %and3A_972 : i32 to vector<256x1xi32>
    %and3A_974 = arith.andi %iota3A_971, %and3A_973 : vector<256x1xi32>
    %eq3A_975 = arith.constant 0 : i32
    %eq3A_976 = vector.broadcast %eq3A_975 : i32 to vector<256x1xi32>
    %eq3A_977 = arith.cmpi eq, %and3A_974, %eq3A_976 : vector<256x1xi32>
    %and3A_978 = arith.constant 64 : i32
    %and3A_979 = vector.broadcast %and3A_978 : i32 to vector<256x1xi32>
    %and3A_980 = arith.andi %iota3A_971, %and3A_979 : vector<256x1xi32>
    %eq3A_981 = arith.constant 0 : i32
    %eq3A_982 = vector.broadcast %eq3A_981 : i32 to vector<256x1xi32>
    %eq3A_983 = arith.cmpi eq, %and3A_980, %eq3A_982 : vector<256x1xi32>
    %eq3A_984 = arith.xori %eq3A_977, %eq3A_983 : vector<256x1xi1>
    %eq3A_985 = arith.constant dense<true> : vector<256x1xi1>
    %eq3A_986 = arith.xori %eq3A_984, %eq3A_985 : vector<256x1xi1>
    %broadcast_in_dim3A_987 = arith.constant 0.000000e+00 : f32
    %broadcast_in_dim3A_988 = vector.broadcast %broadcast_in_dim3A_987 : f32 to vector<64x512xf32>
    %slice3A_989 = vector.extract_strided_slice %concatenate3A_970 {offsets = [64, 0], sizes = [192, 512], strides = [1, 1]} : vector<256x512xf32> to vector<192x512xf32>
    %concatenate3A_990 = tpu.concatenate %slice3A_989, %broadcast_in_dim3A_988 in 0 : vector<192x512xf32>, vector<64x512xf32> -> vector<256x512xf32>
    %slice3A_991 = vector.extract_strided_slice %concatenate3A_970 {offsets = [0, 0], sizes = [192, 512], strides = [1, 1]} : vector<256x512xf32> to vector<192x512xf32>
    %concatenate3A_992 = tpu.concatenate %broadcast_in_dim3A_988, %slice3A_991 in 0 : vector<64x512xf32>, vector<192x512xf32> -> vector<256x512xf32>
    %iota3A_993 = tpu.iota {dimensions = array<i32: 0>} : vector<256x1xi32>
    %and3A_994 = arith.constant 64 : i32
    %and3A_995 = vector.broadcast %and3A_994 : i32 to vector<256x1xi32>
    %and3A_996 = arith.andi %iota3A_993, %and3A_995 : vector<256x1xi32>
    %eq3A_997 = arith.constant 0 : i32
    %eq3A_998 = vector.broadcast %eq3A_997 : i32 to vector<256x1xi32>
    %eq3A_999 = arith.cmpi eq, %and3A_996, %eq3A_998 : vector<256x1xi32>
    %broadcast_in_dim3A_1000 = vector.shape_cast %eq3A_999 : vector<256x1xi1> to vector<256x1xi1>
    %broadcast_in_dim3A_1001 = vector.broadcast %broadcast_in_dim3A_1000 : vector<256x1xi1> to vector<256x512xi1>
    %select_n3A_1002 = arith.select %broadcast_in_dim3A_1001, %concatenate3A_990, %concatenate3A_992 : vector<256x512xi1>, vector<256x512xf32>
    %ge3A_1003 = arith.cmpf oge, %concatenate3A_970, %select_n3A_1002 : vector<256x512xf32>
    %eq3A_1004 = vector.broadcast %eq3A_986 : vector<256x1xi1> to vector<256x512xi1>
    %eq3A_1005 = vector.broadcast %eq3A_1004 : vector<256x512xi1> to vector<256x512xi1>
    %eq3A_1006 = arith.xori %ge3A_1003, %eq3A_1005 : vector<256x512xi1>
    %eq3A_1007 = arith.constant dense<true> : vector<256x512xi1>
    %eq3A_1008 = arith.xori %eq3A_1006, %eq3A_1007 : vector<256x512xi1>
    %select_n3A_1009 = arith.select %eq3A_1008, %concatenate3A_970, %select_n3A_1002 : vector<256x512xi1>, vector<256x512xf32>
    %and3A_1010 = arith.constant 32 : i32
    %and3A_1011 = vector.broadcast %and3A_1010 : i32 to vector<256x1xi32>
    %and3A_1012 = arith.andi %iota3A_971, %and3A_1011 : vector<256x1xi32>
    %eq3A_1013 = arith.constant 0 : i32
    %eq3A_1014 = vector.broadcast %eq3A_1013 : i32 to vector<256x1xi32>
    %eq3A_1015 = arith.cmpi eq, %and3A_1012, %eq3A_1014 : vector<256x1xi32>
    %eq3A_1016 = arith.xori %eq3A_977, %eq3A_1015 : vector<256x1xi1>
    %eq3A_1017 = arith.constant dense<true> : vector<256x1xi1>
    %eq3A_1018 = arith.xori %eq3A_1016, %eq3A_1017 : vector<256x1xi1>
    %broadcast_in_dim3A_1019 = arith.constant 0.000000e+00 : f32
    %broadcast_in_dim3A_1020 = vector.broadcast %broadcast_in_dim3A_1019 : f32 to vector<32x512xf32>
    %slice3A_1021 = vector.extract_strided_slice %select_n3A_1009 {offsets = [32, 0], sizes = [224, 512], strides = [1, 1]} : vector<256x512xf32> to vector<224x512xf32>
    %concatenate3A_1022 = tpu.concatenate %slice3A_1021, %broadcast_in_dim3A_1020 in 0 : vector<224x512xf32>, vector<32x512xf32> -> vector<256x512xf32>
    %slice3A_1023 = vector.extract_strided_slice %select_n3A_1009 {offsets = [0, 0], sizes = [224, 512], strides = [1, 1]} : vector<256x512xf32> to vector<224x512xf32>
    %concatenate3A_1024 = tpu.concatenate %broadcast_in_dim3A_1020, %slice3A_1023 in 0 : vector<32x512xf32>, vector<224x512xf32> -> vector<256x512xf32>
    %iota3A_1025 = tpu.iota {dimensions = array<i32: 0>} : vector<256x1xi32>
    %and3A_1026 = arith.constant 32 : i32
    %and3A_1027 = vector.broadcast %and3A_1026 : i32 to vector<256x1xi32>
    %and3A_1028 = arith.andi %iota3A_1025, %and3A_1027 : vector<256x1xi32>
    %eq3A_1029 = arith.constant 0 : i32
    %eq3A_1030 = vector.broadcast %eq3A_1029 : i32 to vector<256x1xi32>
    %eq3A_1031 = arith.cmpi eq, %and3A_1028, %eq3A_1030 : vector<256x1xi32>
    %broadcast_in_dim3A_1032 = vector.shape_cast %eq3A_1031 : vector<256x1xi1> to vector<256x1xi1>
    %broadcast_in_dim3A_1033 = vector.broadcast %broadcast_in_dim3A_1032 : vector<256x1xi1> to vector<256x512xi1>
    %select_n3A_1034 = arith.select %broadcast_in_dim3A_1033, %concatenate3A_1022, %concatenate3A_1024 : vector<256x512xi1>, vector<256x512xf32>
    %ge3A_1035 = arith.cmpf oge, %select_n3A_1009, %select_n3A_1034 : vector<256x512xf32>
    %eq3A_1036 = vector.broadcast %eq3A_1018 : vector<256x1xi1> to vector<256x512xi1>
    %eq3A_1037 = vector.broadcast %eq3A_1036 : vector<256x512xi1> to vector<256x512xi1>
    %eq3A_1038 = arith.xori %ge3A_1035, %eq3A_1037 : vector<256x512xi1>
    %eq3A_1039 = arith.constant dense<true> : vector<256x512xi1>
    %eq3A_1040 = arith.xori %eq3A_1038, %eq3A_1039 : vector<256x512xi1>
    %select_n3A_1041 = arith.select %eq3A_1040, %select_n3A_1009, %select_n3A_1034 : vector<256x512xi1>, vector<256x512xf32>
    %and3A_1042 = arith.constant 16 : i32
    %and3A_1043 = vector.broadcast %and3A_1042 : i32 to vector<256x1xi32>
    %and3A_1044 = arith.andi %iota3A_971, %and3A_1043 : vector<256x1xi32>
    %eq3A_1045 = arith.constant 0 : i32
    %eq3A_1046 = vector.broadcast %eq3A_1045 : i32 to vector<256x1xi32>
    %eq3A_1047 = arith.cmpi eq, %and3A_1044, %eq3A_1046 : vector<256x1xi32>
    %eq3A_1048 = arith.xori %eq3A_977, %eq3A_1047 : vector<256x1xi1>
    %eq3A_1049 = arith.constant dense<true> : vector<256x1xi1>
    %eq3A_1050 = arith.xori %eq3A_1048, %eq3A_1049 : vector<256x1xi1>
    %broadcast_in_dim3A_1051 = arith.constant 0.000000e+00 : f32
    %broadcast_in_dim3A_1052 = vector.broadcast %broadcast_in_dim3A_1051 : f32 to vector<16x512xf32>
    %slice3A_1053 = vector.extract_strided_slice %select_n3A_1041 {offsets = [16, 0], sizes = [240, 512], strides = [1, 1]} : vector<256x512xf32> to vector<240x512xf32>
    %concatenate3A_1054 = tpu.concatenate %slice3A_1053, %broadcast_in_dim3A_1052 in 0 : vector<240x512xf32>, vector<16x512xf32> -> vector<256x512xf32>
    %slice3A_1055 = vector.extract_strided_slice %select_n3A_1041 {offsets = [0, 0], sizes = [240, 512], strides = [1, 1]} : vector<256x512xf32> to vector<240x512xf32>
    %concatenate3A_1056 = tpu.concatenate %broadcast_in_dim3A_1052, %slice3A_1055 in 0 : vector<16x512xf32>, vector<240x512xf32> -> vector<256x512xf32>
    %iota3A_1057 = tpu.iota {dimensions = array<i32: 0>} : vector<256x1xi32>
    %and3A_1058 = arith.constant 16 : i32
    %and3A_1059 = vector.broadcast %and3A_1058 : i32 to vector<256x1xi32>
    %and3A_1060 = arith.andi %iota3A_1057, %and3A_1059 : vector<256x1xi32>
    %eq3A_1061 = arith.constant 0 : i32
    %eq3A_1062 = vector.broadcast %eq3A_1061 : i32 to vector<256x1xi32>
    %eq3A_1063 = arith.cmpi eq, %and3A_1060, %eq3A_1062 : vector<256x1xi32>
    %broadcast_in_dim3A_1064 = vector.shape_cast %eq3A_1063 : vector<256x1xi1> to vector<256x1xi1>
    %broadcast_in_dim3A_1065 = vector.broadcast %broadcast_in_dim3A_1064 : vector<256x1xi1> to vector<256x512xi1>
    %select_n3A_1066 = arith.select %broadcast_in_dim3A_1065, %concatenate3A_1054, %concatenate3A_1056 : vector<256x512xi1>, vector<256x512xf32>
    %ge3A_1067 = arith.cmpf oge, %select_n3A_1041, %select_n3A_1066 : vector<256x512xf32>
    %eq3A_1068 = vector.broadcast %eq3A_1050 : vector<256x1xi1> to vector<256x512xi1>
    %eq3A_1069 = vector.broadcast %eq3A_1068 : vector<256x512xi1> to vector<256x512xi1>
    %eq3A_1070 = arith.xori %ge3A_1067, %eq3A_1069 : vector<256x512xi1>
    %eq3A_1071 = arith.constant dense<true> : vector<256x512xi1>
    %eq3A_1072 = arith.xori %eq3A_1070, %eq3A_1071 : vector<256x512xi1>
    %select_n3A_1073 = arith.select %eq3A_1072, %select_n3A_1041, %select_n3A_1066 : vector<256x512xi1>, vector<256x512xf32>
    %and3A_1074 = arith.constant 8 : i32
    %and3A_1075 = vector.broadcast %and3A_1074 : i32 to vector<256x1xi32>
    %and3A_1076 = arith.andi %iota3A_971, %and3A_1075 : vector<256x1xi32>
    %eq3A_1077 = arith.constant 0 : i32
    %eq3A_1078 = vector.broadcast %eq3A_1077 : i32 to vector<256x1xi32>
    %eq3A_1079 = arith.cmpi eq, %and3A_1076, %eq3A_1078 : vector<256x1xi32>
    %eq3A_1080 = arith.xori %eq3A_977, %eq3A_1079 : vector<256x1xi1>
    %eq3A_1081 = arith.constant dense<true> : vector<256x1xi1>
    %eq3A_1082 = arith.xori %eq3A_1080, %eq3A_1081 : vector<256x1xi1>
    %broadcast_in_dim3A_1083 = arith.constant 0.000000e+00 : f32
    %broadcast_in_dim3A_1084 = vector.broadcast %broadcast_in_dim3A_1083 : f32 to vector<8x512xf32>
    %slice3A_1085 = vector.extract_strided_slice %select_n3A_1073 {offsets = [8, 0], sizes = [248, 512], strides = [1, 1]} : vector<256x512xf32> to vector<248x512xf32>
    %concatenate3A_1086 = tpu.concatenate %slice3A_1085, %broadcast_in_dim3A_1084 in 0 : vector<248x512xf32>, vector<8x512xf32> -> vector<256x512xf32>
    %slice3A_1087 = vector.extract_strided_slice %select_n3A_1073 {offsets = [0, 0], sizes = [248, 512], strides = [1, 1]} : vector<256x512xf32> to vector<248x512xf32>
    %concatenate3A_1088 = tpu.concatenate %broadcast_in_dim3A_1084, %slice3A_1087 in 0 : vector<8x512xf32>, vector<248x512xf32> -> vector<256x512xf32>
    %iota3A_1089 = tpu.iota {dimensions = array<i32: 0>} : vector<256x1xi32>
    %and3A_1090 = arith.constant 8 : i32
    %and3A_1091 = vector.broadcast %and3A_1090 : i32 to vector<256x1xi32>
    %and3A_1092 = arith.andi %iota3A_1089, %and3A_1091 : vector<256x1xi32>
    %eq3A_1093 = arith.constant 0 : i32
    %eq3A_1094 = vector.broadcast %eq3A_1093 : i32 to vector<256x1xi32>
    %eq3A_1095 = arith.cmpi eq, %and3A_1092, %eq3A_1094 : vector<256x1xi32>
    %broadcast_in_dim3A_1096 = vector.shape_cast %eq3A_1095 : vector<256x1xi1> to vector<256x1xi1>
    %broadcast_in_dim3A_1097 = vector.broadcast %broadcast_in_dim3A_1096 : vector<256x1xi1> to vector<256x512xi1>
    %select_n3A_1098 = arith.select %broadcast_in_dim3A_1097, %concatenate3A_1086, %concatenate3A_1088 : vector<256x512xi1>, vector<256x512xf32>
    %ge3A_1099 = arith.cmpf oge, %select_n3A_1073, %select_n3A_1098 : vector<256x512xf32>
    %eq3A_1100 = vector.broadcast %eq3A_1082 : vector<256x1xi1> to vector<256x512xi1>
    %eq3A_1101 = vector.broadcast %eq3A_1100 : vector<256x512xi1> to vector<256x512xi1>
    %eq3A_1102 = arith.xori %ge3A_1099, %eq3A_1101 : vector<256x512xi1>
    %eq3A_1103 = arith.constant dense<true> : vector<256x512xi1>
    %eq3A_1104 = arith.xori %eq3A_1102, %eq3A_1103 : vector<256x512xi1>
    %select_n3A_1105 = arith.select %eq3A_1104, %select_n3A_1073, %select_n3A_1098 : vector<256x512xi1>, vector<256x512xf32>
    %and3A_1106 = arith.constant 4 : i32
    %and3A_1107 = vector.broadcast %and3A_1106 : i32 to vector<256x1xi32>
    %and3A_1108 = arith.andi %iota3A_971, %and3A_1107 : vector<256x1xi32>
    %eq3A_1109 = arith.constant 0 : i32
    %eq3A_1110 = vector.broadcast %eq3A_1109 : i32 to vector<256x1xi32>
    %eq3A_1111 = arith.cmpi eq, %and3A_1108, %eq3A_1110 : vector<256x1xi32>
    %eq3A_1112 = arith.xori %eq3A_977, %eq3A_1111 : vector<256x1xi1>
    %eq3A_1113 = arith.constant dense<true> : vector<256x1xi1>
    %eq3A_1114 = arith.xori %eq3A_1112, %eq3A_1113 : vector<256x1xi1>
    %broadcast_in_dim3A_1115 = arith.constant 0.000000e+00 : f32
    %broadcast_in_dim3A_1116 = vector.broadcast %broadcast_in_dim3A_1115 : f32 to vector<4x512xf32>
    %slice3A_1117 = vector.extract_strided_slice %select_n3A_1105 {offsets = [4, 0], sizes = [252, 512], strides = [1, 1]} : vector<256x512xf32> to vector<252x512xf32>
    %concatenate3A_1118 = tpu.concatenate %slice3A_1117, %broadcast_in_dim3A_1116 in 0 : vector<252x512xf32>, vector<4x512xf32> -> vector<256x512xf32>
    %slice3A_1119 = vector.extract_strided_slice %select_n3A_1105 {offsets = [0, 0], sizes = [252, 512], strides = [1, 1]} : vector<256x512xf32> to vector<252x512xf32>
    %concatenate3A_1120 = tpu.concatenate %broadcast_in_dim3A_1116, %slice3A_1119 in 0 : vector<4x512xf32>, vector<252x512xf32> -> vector<256x512xf32>
    %iota3A_1121 = tpu.iota {dimensions = array<i32: 0>} : vector<256x1xi32>
    %and3A_1122 = arith.constant 4 : i32
    %and3A_1123 = vector.broadcast %and3A_1122 : i32 to vector<256x1xi32>
    %and3A_1124 = arith.andi %iota3A_1121, %and3A_1123 : vector<256x1xi32>
    %eq3A_1125 = arith.constant 0 : i32
    %eq3A_1126 = vector.broadcast %eq3A_1125 : i32 to vector<256x1xi32>
    %eq3A_1127 = arith.cmpi eq, %and3A_1124, %eq3A_1126 : vector<256x1xi32>
    %broadcast_in_dim3A_1128 = vector.shape_cast %eq3A_1127 : vector<256x1xi1> to vector<256x1xi1>
    %broadcast_in_dim3A_1129 = vector.broadcast %broadcast_in_dim3A_1128 : vector<256x1xi1> to vector<256x512xi1>
    %select_n3A_1130 = arith.select %broadcast_in_dim3A_1129, %concatenate3A_1118, %concatenate3A_1120 : vector<256x512xi1>, vector<256x512xf32>
    %ge3A_1131 = arith.cmpf oge, %select_n3A_1105, %select_n3A_1130 : vector<256x512xf32>
    %eq3A_1132 = vector.broadcast %eq3A_1114 : vector<256x1xi1> to vector<256x512xi1>
    %eq3A_1133 = vector.broadcast %eq3A_1132 : vector<256x512xi1> to vector<256x512xi1>
    %eq3A_1134 = arith.xori %ge3A_1131, %eq3A_1133 : vector<256x512xi1>
    %eq3A_1135 = arith.constant dense<true> : vector<256x512xi1>
    %eq3A_1136 = arith.xori %eq3A_1134, %eq3A_1135 : vector<256x512xi1>
    %select_n3A_1137 = arith.select %eq3A_1136, %select_n3A_1105, %select_n3A_1130 : vector<256x512xi1>, vector<256x512xf32>
    %and3A_1138 = arith.constant 2 : i32
    %and3A_1139 = vector.broadcast %and3A_1138 : i32 to vector<256x1xi32>
    %and3A_1140 = arith.andi %iota3A_971, %and3A_1139 : vector<256x1xi32>
    %eq3A_1141 = arith.constant 0 : i32
    %eq3A_1142 = vector.broadcast %eq3A_1141 : i32 to vector<256x1xi32>
    %eq3A_1143 = arith.cmpi eq, %and3A_1140, %eq3A_1142 : vector<256x1xi32>
    %eq3A_1144 = arith.xori %eq3A_977, %eq3A_1143 : vector<256x1xi1>
    %eq3A_1145 = arith.constant dense<true> : vector<256x1xi1>
    %eq3A_1146 = arith.xori %eq3A_1144, %eq3A_1145 : vector<256x1xi1>
    %broadcast_in_dim3A_1147 = arith.constant 0.000000e+00 : f32
    %broadcast_in_dim3A_1148 = vector.broadcast %broadcast_in_dim3A_1147 : f32 to vector<2x512xf32>
    %slice3A_1149 = vector.extract_strided_slice %select_n3A_1137 {offsets = [2, 0], sizes = [254, 512], strides = [1, 1]} : vector<256x512xf32> to vector<254x512xf32>
    %concatenate3A_1150 = tpu.concatenate %slice3A_1149, %broadcast_in_dim3A_1148 in 0 : vector<254x512xf32>, vector<2x512xf32> -> vector<256x512xf32>
    %slice3A_1151 = vector.extract_strided_slice %select_n3A_1137 {offsets = [0, 0], sizes = [254, 512], strides = [1, 1]} : vector<256x512xf32> to vector<254x512xf32>
    %concatenate3A_1152 = tpu.concatenate %broadcast_in_dim3A_1148, %slice3A_1151 in 0 : vector<2x512xf32>, vector<254x512xf32> -> vector<256x512xf32>
    %iota3A_1153 = tpu.iota {dimensions = array<i32: 0>} : vector<256x1xi32>
    %and3A_1154 = arith.constant 2 : i32
    %and3A_1155 = vector.broadcast %and3A_1154 : i32 to vector<256x1xi32>
    %and3A_1156 = arith.andi %iota3A_1153, %and3A_1155 : vector<256x1xi32>
    %eq3A_1157 = arith.constant 0 : i32
    %eq3A_1158 = vector.broadcast %eq3A_1157 : i32 to vector<256x1xi32>
    %eq3A_1159 = arith.cmpi eq, %and3A_1156, %eq3A_1158 : vector<256x1xi32>
    %broadcast_in_dim3A_1160 = vector.shape_cast %eq3A_1159 : vector<256x1xi1> to vector<256x1xi1>
    %broadcast_in_dim3A_1161 = vector.broadcast %broadcast_in_dim3A_1160 : vector<256x1xi1> to vector<256x512xi1>
    %select_n3A_1162 = arith.select %broadcast_in_dim3A_1161, %concatenate3A_1150, %concatenate3A_1152 : vector<256x512xi1>, vector<256x512xf32>
    %ge3A_1163 = arith.cmpf oge, %select_n3A_1137, %select_n3A_1162 : vector<256x512xf32>
    %eq3A_1164 = vector.broadcast %eq3A_1146 : vector<256x1xi1> to vector<256x512xi1>
    %eq3A_1165 = vector.broadcast %eq3A_1164 : vector<256x512xi1> to vector<256x512xi1>
    %eq3A_1166 = arith.xori %ge3A_1163, %eq3A_1165 : vector<256x512xi1>
    %eq3A_1167 = arith.constant dense<true> : vector<256x512xi1>
    %eq3A_1168 = arith.xori %eq3A_1166, %eq3A_1167 : vector<256x512xi1>
    %select_n3A_1169 = arith.select %eq3A_1168, %select_n3A_1137, %select_n3A_1162 : vector<256x512xi1>, vector<256x512xf32>
    %and3A_1170 = arith.constant 1 : i32
    %and3A_1171 = vector.broadcast %and3A_1170 : i32 to vector<256x1xi32>
    %and3A_1172 = arith.andi %iota3A_971, %and3A_1171 : vector<256x1xi32>
    %eq3A_1173 = arith.constant 0 : i32
    %eq3A_1174 = vector.broadcast %eq3A_1173 : i32 to vector<256x1xi32>
    %eq3A_1175 = arith.cmpi eq, %and3A_1172, %eq3A_1174 : vector<256x1xi32>
    %eq3A_1176 = arith.xori %eq3A_977, %eq3A_1175 : vector<256x1xi1>
    %eq3A_1177 = arith.constant dense<true> : vector<256x1xi1>
    %eq3A_1178 = arith.xori %eq3A_1176, %eq3A_1177 : vector<256x1xi1>
    %broadcast_in_dim3A_1179 = arith.constant 0.000000e+00 : f32
    %broadcast_in_dim3A_1180 = vector.broadcast %broadcast_in_dim3A_1179 : f32 to vector<1x512xf32>
    %slice3A_1181 = vector.extract_strided_slice %select_n3A_1169 {offsets = [1, 0], sizes = [255, 512], strides = [1, 1]} : vector<256x512xf32> to vector<255x512xf32>
    %concatenate3A_1182 = tpu.concatenate %slice3A_1181, %broadcast_in_dim3A_1180 in 0 : vector<255x512xf32>, vector<1x512xf32> -> vector<256x512xf32>
    %slice3A_1183 = vector.extract_strided_slice %select_n3A_1169 {offsets = [0, 0], sizes = [255, 512], strides = [1, 1]} : vector<256x512xf32> to vector<255x512xf32>
    %concatenate3A_1184 = tpu.concatenate %broadcast_in_dim3A_1180, %slice3A_1183 in 0 : vector<1x512xf32>, vector<255x512xf32> -> vector<256x512xf32>
    %iota3A_1185 = tpu.iota {dimensions = array<i32: 0>} : vector<256x1xi32>
    %and3A_1186 = arith.constant 1 : i32
    %and3A_1187 = vector.broadcast %and3A_1186 : i32 to vector<256x1xi32>
    %and3A_1188 = arith.andi %iota3A_1185, %and3A_1187 : vector<256x1xi32>
    %eq3A_1189 = arith.constant 0 : i32
    %eq3A_1190 = vector.broadcast %eq3A_1189 : i32 to vector<256x1xi32>
    %eq3A_1191 = arith.cmpi eq, %and3A_1188, %eq3A_1190 : vector<256x1xi32>
    %broadcast_in_dim3A_1192 = vector.shape_cast %eq3A_1191 : vector<256x1xi1> to vector<256x1xi1>
    %broadcast_in_dim3A_1193 = vector.broadcast %broadcast_in_dim3A_1192 : vector<256x1xi1> to vector<256x512xi1>
    %select_n3A_1194 = arith.select %broadcast_in_dim3A_1193, %concatenate3A_1182, %concatenate3A_1184 : vector<256x512xi1>, vector<256x512xf32>
    %ge3A_1195 = arith.cmpf oge, %select_n3A_1169, %select_n3A_1194 : vector<256x512xf32>
    %eq3A_1196 = vector.broadcast %eq3A_1178 : vector<256x1xi1> to vector<256x512xi1>
    %eq3A_1197 = vector.broadcast %eq3A_1196 : vector<256x512xi1> to vector<256x512xi1>
    %eq3A_1198 = arith.xori %ge3A_1195, %eq3A_1197 : vector<256x512xi1>
    %eq3A_1199 = arith.constant dense<true> : vector<256x512xi1>
    %eq3A_1200 = arith.xori %eq3A_1198, %eq3A_1199 : vector<256x512xi1>
    %select_n3A_1201 = arith.select %eq3A_1200, %select_n3A_1169, %select_n3A_1194 : vector<256x512xi1>, vector<256x512xf32>
    %slice3A_1202 = vector.extract_strided_slice %select_n3A_1201 {offsets = [0, 0], sizes = [128, 512], strides = [1, 1]} : vector<256x512xf32> to vector<128x512xf32>
    %slice3A_1203 = vector.extract_strided_slice %select_n3A_1201 {offsets = [128, 0], sizes = [128, 512], strides = [1, 1]} : vector<256x512xf32> to vector<128x512xf32>
    %max3A_1204 = arith.maximumf %slice3A_1202, %slice3A_1203 : vector<128x512xf32>
    %iota3A_1205 = tpu.iota {dimensions = array<i32: 0>} : vector<128x1xi32>
    %and3A_1206 = arith.constant 64 : i32
    %and3A_1207 = vector.broadcast %and3A_1206 : i32 to vector<128x1xi32>
    %and3A_1208 = arith.andi %iota3A_1205, %and3A_1207 : vector<128x1xi32>
    %eq3A_1209 = arith.constant 0 : i32
    %eq3A_1210 = vector.broadcast %eq3A_1209 : i32 to vector<128x1xi32>
    %eq3A_1211 = arith.cmpi eq, %and3A_1208, %eq3A_1210 : vector<128x1xi32>
    %broadcast_in_dim3A_1212 = arith.constant 0.000000e+00 : f32
    %broadcast_in_dim3A_1213 = vector.broadcast %broadcast_in_dim3A_1212 : f32 to vector<64x512xf32>
    %slice3A_1214 = vector.extract_strided_slice %max3A_1204 {offsets = [64, 0], sizes = [64, 512], strides = [1, 1]} : vector<128x512xf32> to vector<64x512xf32>
    %concatenate3A_1215 = tpu.concatenate %slice3A_1214, %broadcast_in_dim3A_1213 in 0 : vector<64x512xf32>, vector<64x512xf32> -> vector<128x512xf32>
    %slice3A_1216 = vector.extract_strided_slice %max3A_1204 {offsets = [0, 0], sizes = [64, 512], strides = [1, 1]} : vector<128x512xf32> to vector<64x512xf32>
    %concatenate3A_1217 = tpu.concatenate %broadcast_in_dim3A_1213, %slice3A_1216 in 0 : vector<64x512xf32>, vector<64x512xf32> -> vector<128x512xf32>
    %iota3A_1218 = tpu.iota {dimensions = array<i32: 0>} : vector<128x1xi32>
    %and3A_1219 = arith.constant 64 : i32
    %and3A_1220 = vector.broadcast %and3A_1219 : i32 to vector<128x1xi32>
    %and3A_1221 = arith.andi %iota3A_1218, %and3A_1220 : vector<128x1xi32>
    %eq3A_1222 = arith.constant 0 : i32
    %eq3A_1223 = vector.broadcast %eq3A_1222 : i32 to vector<128x1xi32>
    %eq3A_1224 = arith.cmpi eq, %and3A_1221, %eq3A_1223 : vector<128x1xi32>
    %broadcast_in_dim3A_1225 = vector.shape_cast %eq3A_1224 : vector<128x1xi1> to vector<128x1xi1>
    %broadcast_in_dim3A_1226 = vector.broadcast %broadcast_in_dim3A_1225 : vector<128x1xi1> to vector<128x512xi1>
    %select_n3A_1227 = arith.select %broadcast_in_dim3A_1226, %concatenate3A_1215, %concatenate3A_1217 : vector<128x512xi1>, vector<128x512xf32>
    %ge3A_1228 = arith.cmpf oge, %max3A_1204, %select_n3A_1227 : vector<128x512xf32>
    %eq3A_1229 = vector.broadcast %eq3A_1211 : vector<128x1xi1> to vector<128x512xi1>
    %eq3A_1230 = vector.broadcast %eq3A_1229 : vector<128x512xi1> to vector<128x512xi1>
    %eq3A_1231 = arith.xori %ge3A_1228, %eq3A_1230 : vector<128x512xi1>
    %eq3A_1232 = arith.constant dense<true> : vector<128x512xi1>
    %eq3A_1233 = arith.xori %eq3A_1231, %eq3A_1232 : vector<128x512xi1>
    %select_n3A_1234 = arith.select %eq3A_1233, %max3A_1204, %select_n3A_1227 : vector<128x512xi1>, vector<128x512xf32>
    %and3A_1235 = arith.constant 32 : i32
    %and3A_1236 = vector.broadcast %and3A_1235 : i32 to vector<128x1xi32>
    %and3A_1237 = arith.andi %iota3A_1205, %and3A_1236 : vector<128x1xi32>
    %eq3A_1238 = arith.constant 0 : i32
    %eq3A_1239 = vector.broadcast %eq3A_1238 : i32 to vector<128x1xi32>
    %eq3A_1240 = arith.cmpi eq, %and3A_1237, %eq3A_1239 : vector<128x1xi32>
    %broadcast_in_dim3A_1241 = arith.constant 0.000000e+00 : f32
    %broadcast_in_dim3A_1242 = vector.broadcast %broadcast_in_dim3A_1241 : f32 to vector<32x512xf32>
    %slice3A_1243 = vector.extract_strided_slice %select_n3A_1234 {offsets = [32, 0], sizes = [96, 512], strides = [1, 1]} : vector<128x512xf32> to vector<96x512xf32>
    %concatenate3A_1244 = tpu.concatenate %slice3A_1243, %broadcast_in_dim3A_1242 in 0 : vector<96x512xf32>, vector<32x512xf32> -> vector<128x512xf32>
    %slice3A_1245 = vector.extract_strided_slice %select_n3A_1234 {offsets = [0, 0], sizes = [96, 512], strides = [1, 1]} : vector<128x512xf32> to vector<96x512xf32>
    %concatenate3A_1246 = tpu.concatenate %broadcast_in_dim3A_1242, %slice3A_1245 in 0 : vector<32x512xf32>, vector<96x512xf32> -> vector<128x512xf32>
    %iota3A_1247 = tpu.iota {dimensions = array<i32: 0>} : vector<128x1xi32>
    %and3A_1248 = arith.constant 32 : i32
    %and3A_1249 = vector.broadcast %and3A_1248 : i32 to vector<128x1xi32>
    %and3A_1250 = arith.andi %iota3A_1247, %and3A_1249 : vector<128x1xi32>
    %eq3A_1251 = arith.constant 0 : i32
    %eq3A_1252 = vector.broadcast %eq3A_1251 : i32 to vector<128x1xi32>
    %eq3A_1253 = arith.cmpi eq, %and3A_1250, %eq3A_1252 : vector<128x1xi32>
    %broadcast_in_dim3A_1254 = vector.shape_cast %eq3A_1253 : vector<128x1xi1> to vector<128x1xi1>
    %broadcast_in_dim3A_1255 = vector.broadcast %broadcast_in_dim3A_1254 : vector<128x1xi1> to vector<128x512xi1>
    %select_n3A_1256 = arith.select %broadcast_in_dim3A_1255, %concatenate3A_1244, %concatenate3A_1246 : vector<128x512xi1>, vector<128x512xf32>
    %ge3A_1257 = arith.cmpf oge, %select_n3A_1234, %select_n3A_1256 : vector<128x512xf32>
    %eq3A_1258 = vector.broadcast %eq3A_1240 : vector<128x1xi1> to vector<128x512xi1>
    %eq3A_1259 = vector.broadcast %eq3A_1258 : vector<128x512xi1> to vector<128x512xi1>
    %eq3A_1260 = arith.xori %ge3A_1257, %eq3A_1259 : vector<128x512xi1>
    %eq3A_1261 = arith.constant dense<true> : vector<128x512xi1>
    %eq3A_1262 = arith.xori %eq3A_1260, %eq3A_1261 : vector<128x512xi1>
    %select_n3A_1263 = arith.select %eq3A_1262, %select_n3A_1234, %select_n3A_1256 : vector<128x512xi1>, vector<128x512xf32>
    %and3A_1264 = arith.constant 16 : i32
    %and3A_1265 = vector.broadcast %and3A_1264 : i32 to vector<128x1xi32>
    %and3A_1266 = arith.andi %iota3A_1205, %and3A_1265 : vector<128x1xi32>
    %eq3A_1267 = arith.constant 0 : i32
    %eq3A_1268 = vector.broadcast %eq3A_1267 : i32 to vector<128x1xi32>
    %eq3A_1269 = arith.cmpi eq, %and3A_1266, %eq3A_1268 : vector<128x1xi32>
    %broadcast_in_dim3A_1270 = arith.constant 0.000000e+00 : f32
    %broadcast_in_dim3A_1271 = vector.broadcast %broadcast_in_dim3A_1270 : f32 to vector<16x512xf32>
    %slice3A_1272 = vector.extract_strided_slice %select_n3A_1263 {offsets = [16, 0], sizes = [112, 512], strides = [1, 1]} : vector<128x512xf32> to vector<112x512xf32>
    %concatenate3A_1273 = tpu.concatenate %slice3A_1272, %broadcast_in_dim3A_1271 in 0 : vector<112x512xf32>, vector<16x512xf32> -> vector<128x512xf32>
    %slice3A_1274 = vector.extract_strided_slice %select_n3A_1263 {offsets = [0, 0], sizes = [112, 512], strides = [1, 1]} : vector<128x512xf32> to vector<112x512xf32>
    %concatenate3A_1275 = tpu.concatenate %broadcast_in_dim3A_1271, %slice3A_1274 in 0 : vector<16x512xf32>, vector<112x512xf32> -> vector<128x512xf32>
    %iota3A_1276 = tpu.iota {dimensions = array<i32: 0>} : vector<128x1xi32>
    %and3A_1277 = arith.constant 16 : i32
    %and3A_1278 = vector.broadcast %and3A_1277 : i32 to vector<128x1xi32>
    %and3A_1279 = arith.andi %iota3A_1276, %and3A_1278 : vector<128x1xi32>
    %eq3A_1280 = arith.constant 0 : i32
    %eq3A_1281 = vector.broadcast %eq3A_1280 : i32 to vector<128x1xi32>
    %eq3A_1282 = arith.cmpi eq, %and3A_1279, %eq3A_1281 : vector<128x1xi32>
    %broadcast_in_dim3A_1283 = vector.shape_cast %eq3A_1282 : vector<128x1xi1> to vector<128x1xi1>
    %broadcast_in_dim3A_1284 = vector.broadcast %broadcast_in_dim3A_1283 : vector<128x1xi1> to vector<128x512xi1>
    %select_n3A_1285 = arith.select %broadcast_in_dim3A_1284, %concatenate3A_1273, %concatenate3A_1275 : vector<128x512xi1>, vector<128x512xf32>
    %ge3A_1286 = arith.cmpf oge, %select_n3A_1263, %select_n3A_1285 : vector<128x512xf32>
    %eq3A_1287 = vector.broadcast %eq3A_1269 : vector<128x1xi1> to vector<128x512xi1>
    %eq3A_1288 = vector.broadcast %eq3A_1287 : vector<128x512xi1> to vector<128x512xi1>
    %eq3A_1289 = arith.xori %ge3A_1286, %eq3A_1288 : vector<128x512xi1>
    %eq3A_1290 = arith.constant dense<true> : vector<128x512xi1>
    %eq3A_1291 = arith.xori %eq3A_1289, %eq3A_1290 : vector<128x512xi1>
    %select_n3A_1292 = arith.select %eq3A_1291, %select_n3A_1263, %select_n3A_1285 : vector<128x512xi1>, vector<128x512xf32>
    %and3A_1293 = arith.constant 8 : i32
    %and3A_1294 = vector.broadcast %and3A_1293 : i32 to vector<128x1xi32>
    %and3A_1295 = arith.andi %iota3A_1205, %and3A_1294 : vector<128x1xi32>
    %eq3A_1296 = arith.constant 0 : i32
    %eq3A_1297 = vector.broadcast %eq3A_1296 : i32 to vector<128x1xi32>
    %eq3A_1298 = arith.cmpi eq, %and3A_1295, %eq3A_1297 : vector<128x1xi32>
    %broadcast_in_dim3A_1299 = arith.constant 0.000000e+00 : f32
    %broadcast_in_dim3A_1300 = vector.broadcast %broadcast_in_dim3A_1299 : f32 to vector<8x512xf32>
    %slice3A_1301 = vector.extract_strided_slice %select_n3A_1292 {offsets = [8, 0], sizes = [120, 512], strides = [1, 1]} : vector<128x512xf32> to vector<120x512xf32>
    %concatenate3A_1302 = tpu.concatenate %slice3A_1301, %broadcast_in_dim3A_1300 in 0 : vector<120x512xf32>, vector<8x512xf32> -> vector<128x512xf32>
    %slice3A_1303 = vector.extract_strided_slice %select_n3A_1292 {offsets = [0, 0], sizes = [120, 512], strides = [1, 1]} : vector<128x512xf32> to vector<120x512xf32>
    %concatenate3A_1304 = tpu.concatenate %broadcast_in_dim3A_1300, %slice3A_1303 in 0 : vector<8x512xf32>, vector<120x512xf32> -> vector<128x512xf32>
    %iota3A_1305 = tpu.iota {dimensions = array<i32: 0>} : vector<128x1xi32>
    %and3A_1306 = arith.constant 8 : i32
    %and3A_1307 = vector.broadcast %and3A_1306 : i32 to vector<128x1xi32>
    %and3A_1308 = arith.andi %iota3A_1305, %and3A_1307 : vector<128x1xi32>
    %eq3A_1309 = arith.constant 0 : i32
    %eq3A_1310 = vector.broadcast %eq3A_1309 : i32 to vector<128x1xi32>
    %eq3A_1311 = arith.cmpi eq, %and3A_1308, %eq3A_1310 : vector<128x1xi32>
    %broadcast_in_dim3A_1312 = vector.shape_cast %eq3A_1311 : vector<128x1xi1> to vector<128x1xi1>
    %broadcast_in_dim3A_1313 = vector.broadcast %broadcast_in_dim3A_1312 : vector<128x1xi1> to vector<128x512xi1>
    %select_n3A_1314 = arith.select %broadcast_in_dim3A_1313, %concatenate3A_1302, %concatenate3A_1304 : vector<128x512xi1>, vector<128x512xf32>
    %ge3A_1315 = arith.cmpf oge, %select_n3A_1292, %select_n3A_1314 : vector<128x512xf32>
    %eq3A_1316 = vector.broadcast %eq3A_1298 : vector<128x1xi1> to vector<128x512xi1>
    %eq3A_1317 = vector.broadcast %eq3A_1316 : vector<128x512xi1> to vector<128x512xi1>
    %eq3A_1318 = arith.xori %ge3A_1315, %eq3A_1317 : vector<128x512xi1>
    %eq3A_1319 = arith.constant dense<true> : vector<128x512xi1>
    %eq3A_1320 = arith.xori %eq3A_1318, %eq3A_1319 : vector<128x512xi1>
    %select_n3A_1321 = arith.select %eq3A_1320, %select_n3A_1292, %select_n3A_1314 : vector<128x512xi1>, vector<128x512xf32>
    %and3A_1322 = arith.constant 4 : i32
    %and3A_1323 = vector.broadcast %and3A_1322 : i32 to vector<128x1xi32>
    %and3A_1324 = arith.andi %iota3A_1205, %and3A_1323 : vector<128x1xi32>
    %eq3A_1325 = arith.constant 0 : i32
    %eq3A_1326 = vector.broadcast %eq3A_1325 : i32 to vector<128x1xi32>
    %eq3A_1327 = arith.cmpi eq, %and3A_1324, %eq3A_1326 : vector<128x1xi32>
    %broadcast_in_dim3A_1328 = arith.constant 0.000000e+00 : f32
    %broadcast_in_dim3A_1329 = vector.broadcast %broadcast_in_dim3A_1328 : f32 to vector<4x512xf32>
    %slice3A_1330 = vector.extract_strided_slice %select_n3A_1321 {offsets = [4, 0], sizes = [124, 512], strides = [1, 1]} : vector<128x512xf32> to vector<124x512xf32>
    %concatenate3A_1331 = tpu.concatenate %slice3A_1330, %broadcast_in_dim3A_1329 in 0 : vector<124x512xf32>, vector<4x512xf32> -> vector<128x512xf32>
    %slice3A_1332 = vector.extract_strided_slice %select_n3A_1321 {offsets = [0, 0], sizes = [124, 512], strides = [1, 1]} : vector<128x512xf32> to vector<124x512xf32>
    %concatenate3A_1333 = tpu.concatenate %broadcast_in_dim3A_1329, %slice3A_1332 in 0 : vector<4x512xf32>, vector<124x512xf32> -> vector<128x512xf32>
    %iota3A_1334 = tpu.iota {dimensions = array<i32: 0>} : vector<128x1xi32>
    %and3A_1335 = arith.constant 4 : i32
    %and3A_1336 = vector.broadcast %and3A_1335 : i32 to vector<128x1xi32>
    %and3A_1337 = arith.andi %iota3A_1334, %and3A_1336 : vector<128x1xi32>
    %eq3A_1338 = arith.constant 0 : i32
    %eq3A_1339 = vector.broadcast %eq3A_1338 : i32 to vector<128x1xi32>
    %eq3A_1340 = arith.cmpi eq, %and3A_1337, %eq3A_1339 : vector<128x1xi32>
    %broadcast_in_dim3A_1341 = vector.shape_cast %eq3A_1340 : vector<128x1xi1> to vector<128x1xi1>
    %broadcast_in_dim3A_1342 = vector.broadcast %broadcast_in_dim3A_1341 : vector<128x1xi1> to vector<128x512xi1>
    %select_n3A_1343 = arith.select %broadcast_in_dim3A_1342, %concatenate3A_1331, %concatenate3A_1333 : vector<128x512xi1>, vector<128x512xf32>
    %ge3A_1344 = arith.cmpf oge, %select_n3A_1321, %select_n3A_1343 : vector<128x512xf32>
    %eq3A_1345 = vector.broadcast %eq3A_1327 : vector<128x1xi1> to vector<128x512xi1>
    %eq3A_1346 = vector.broadcast %eq3A_1345 : vector<128x512xi1> to vector<128x512xi1>
    %eq3A_1347 = arith.xori %ge3A_1344, %eq3A_1346 : vector<128x512xi1>
    %eq3A_1348 = arith.constant dense<true> : vector<128x512xi1>
    %eq3A_1349 = arith.xori %eq3A_1347, %eq3A_1348 : vector<128x512xi1>
    %select_n3A_1350 = arith.select %eq3A_1349, %select_n3A_1321, %select_n3A_1343 : vector<128x512xi1>, vector<128x512xf32>
    %and3A_1351 = arith.constant 2 : i32
    %and3A_1352 = vector.broadcast %and3A_1351 : i32 to vector<128x1xi32>
    %and3A_1353 = arith.andi %iota3A_1205, %and3A_1352 : vector<128x1xi32>
    %eq3A_1354 = arith.constant 0 : i32
    %eq3A_1355 = vector.broadcast %eq3A_1354 : i32 to vector<128x1xi32>
    %eq3A_1356 = arith.cmpi eq, %and3A_1353, %eq3A_1355 : vector<128x1xi32>
    %broadcast_in_dim3A_1357 = arith.constant 0.000000e+00 : f32
    %broadcast_in_dim3A_1358 = vector.broadcast %broadcast_in_dim3A_1357 : f32 to vector<2x512xf32>
    %slice3A_1359 = vector.extract_strided_slice %select_n3A_1350 {offsets = [2, 0], sizes = [126, 512], strides = [1, 1]} : vector<128x512xf32> to vector<126x512xf32>
    %concatenate3A_1360 = tpu.concatenate %slice3A_1359, %broadcast_in_dim3A_1358 in 0 : vector<126x512xf32>, vector<2x512xf32> -> vector<128x512xf32>
    %slice3A_1361 = vector.extract_strided_slice %select_n3A_1350 {offsets = [0, 0], sizes = [126, 512], strides = [1, 1]} : vector<128x512xf32> to vector<126x512xf32>
    %concatenate3A_1362 = tpu.concatenate %broadcast_in_dim3A_1358, %slice3A_1361 in 0 : vector<2x512xf32>, vector<126x512xf32> -> vector<128x512xf32>
    %iota3A_1363 = tpu.iota {dimensions = array<i32: 0>} : vector<128x1xi32>
    %and3A_1364 = arith.constant 2 : i32
    %and3A_1365 = vector.broadcast %and3A_1364 : i32 to vector<128x1xi32>
    %and3A_1366 = arith.andi %iota3A_1363, %and3A_1365 : vector<128x1xi32>
    %eq3A_1367 = arith.constant 0 : i32
    %eq3A_1368 = vector.broadcast %eq3A_1367 : i32 to vector<128x1xi32>
    %eq3A_1369 = arith.cmpi eq, %and3A_1366, %eq3A_1368 : vector<128x1xi32>
    %broadcast_in_dim3A_1370 = vector.shape_cast %eq3A_1369 : vector<128x1xi1> to vector<128x1xi1>
    %broadcast_in_dim3A_1371 = vector.broadcast %broadcast_in_dim3A_1370 : vector<128x1xi1> to vector<128x512xi1>
    %select_n3A_1372 = arith.select %broadcast_in_dim3A_1371, %concatenate3A_1360, %concatenate3A_1362 : vector<128x512xi1>, vector<128x512xf32>
    %ge3A_1373 = arith.cmpf oge, %select_n3A_1350, %select_n3A_1372 : vector<128x512xf32>
    %eq3A_1374 = vector.broadcast %eq3A_1356 : vector<128x1xi1> to vector<128x512xi1>
    %eq3A_1375 = vector.broadcast %eq3A_1374 : vector<128x512xi1> to vector<128x512xi1>
    %eq3A_1376 = arith.xori %ge3A_1373, %eq3A_1375 : vector<128x512xi1>
    %eq3A_1377 = arith.constant dense<true> : vector<128x512xi1>
    %eq3A_1378 = arith.xori %eq3A_1376, %eq3A_1377 : vector<128x512xi1>
    %select_n3A_1379 = arith.select %eq3A_1378, %select_n3A_1350, %select_n3A_1372 : vector<128x512xi1>, vector<128x512xf32>
    %and3A_1380 = arith.constant 1 : i32
    %and3A_1381 = vector.broadcast %and3A_1380 : i32 to vector<128x1xi32>
    %and3A_1382 = arith.andi %iota3A_1205, %and3A_1381 : vector<128x1xi32>
    %eq3A_1383 = arith.constant 0 : i32
    %eq3A_1384 = vector.broadcast %eq3A_1383 : i32 to vector<128x1xi32>
    %eq3A_1385 = arith.cmpi eq, %and3A_1382, %eq3A_1384 : vector<128x1xi32>
    %broadcast_in_dim3A_1386 = arith.constant 0.000000e+00 : f32
    %broadcast_in_dim3A_1387 = vector.broadcast %broadcast_in_dim3A_1386 : f32 to vector<1x512xf32>
    %slice3A_1388 = vector.extract_strided_slice %select_n3A_1379 {offsets = [1, 0], sizes = [127, 512], strides = [1, 1]} : vector<128x512xf32> to vector<127x512xf32>
    %concatenate3A_1389 = tpu.concatenate %slice3A_1388, %broadcast_in_dim3A_1387 in 0 : vector<127x512xf32>, vector<1x512xf32> -> vector<128x512xf32>
    %slice3A_1390 = vector.extract_strided_slice %select_n3A_1379 {offsets = [0, 0], sizes = [127, 512], strides = [1, 1]} : vector<128x512xf32> to vector<127x512xf32>
    %concatenate3A_1391 = tpu.concatenate %broadcast_in_dim3A_1387, %slice3A_1390 in 0 : vector<1x512xf32>, vector<127x512xf32> -> vector<128x512xf32>
    %iota3A_1392 = tpu.iota {dimensions = array<i32: 0>} : vector<128x1xi32>
    %and3A_1393 = arith.constant 1 : i32
    %and3A_1394 = vector.broadcast %and3A_1393 : i32 to vector<128x1xi32>
    %and3A_1395 = arith.andi %iota3A_1392, %and3A_1394 : vector<128x1xi32>
    %eq3A_1396 = arith.constant 0 : i32
    %eq3A_1397 = vector.broadcast %eq3A_1396 : i32 to vector<128x1xi32>
    %eq3A_1398 = arith.cmpi eq, %and3A_1395, %eq3A_1397 : vector<128x1xi32>
    %broadcast_in_dim3A_1399 = vector.shape_cast %eq3A_1398 : vector<128x1xi1> to vector<128x1xi1>
    %broadcast_in_dim3A_1400 = vector.broadcast %broadcast_in_dim3A_1399 : vector<128x1xi1> to vector<128x512xi1>
    %select_n3A_1401 = arith.select %broadcast_in_dim3A_1400, %concatenate3A_1389, %concatenate3A_1391 : vector<128x512xi1>, vector<128x512xf32>
    %ge3A_1402 = arith.cmpf oge, %select_n3A_1379, %select_n3A_1401 : vector<128x512xf32>
    %eq3A_1403 = vector.broadcast %eq3A_1385 : vector<128x1xi1> to vector<128x512xi1>
    %eq3A_1404 = vector.broadcast %eq3A_1403 : vector<128x512xi1> to vector<128x512xi1>
    %eq3A_1405 = arith.xori %ge3A_1402, %eq3A_1404 : vector<128x512xi1>
    %eq3A_1406 = arith.constant dense<true> : vector<128x512xi1>
    %eq3A_1407 = arith.xori %eq3A_1405, %eq3A_1406 : vector<128x512xi1>
    %select_n3A_1408 = arith.select %eq3A_1407, %select_n3A_1379, %select_n3A_1401 : vector<128x512xi1>, vector<128x512xf32>
    %slice3A_1409 = vector.extract_strided_slice %select_n3A_1408 {offsets = [0, 0], sizes = [1, 512], strides = [1, 1]} : vector<128x512xf32> to vector<1x512xf32>
    %sub3A = vector.broadcast %slice3A_1409 : vector<1x512xf32> to vector<128x512xf32>
    %sub3A_1410 = arith.subf %select_n3A_1408, %sub3A : vector<128x512xf32>
    %exp3A = math.exp %sub3A_1410 : vector<128x512xf32>
    %reduce_sum3A = arith.constant dense<0.000000e+00> : vector<512xf32>
    %reduce_sum3A_1411 = vector.multi_reduction <add>, %exp3A, %reduce_sum3A [0] : vector<128x512xf32> to vector<512xf32>
    %broadcast_in_dim3A_1412 = vector.shape_cast %reduce_sum3A_1411 : vector<512xf32> to vector<1x512xf32>
    %div3A = vector.broadcast %broadcast_in_dim3A_1412 : vector<1x512xf32> to vector<128x512xf32>
    %div3A_1413 = arith.divf %exp3A, %div3A : vector<128x512xf32>
    %transpose3A = tpu.transpose %div3A_1413, [1, 0] : vector<128x512xf32> -> vector<512x128xf32>
    %swap3A = arith.constant 0 : index
    %swap3A_1414 = arith.constant 0 : index
    %swap3A_1415 = arith.constant 0 : index
    %swap3A_1416 = vector.load %arg9[%swap3A, %swap3A_1414, %swap3A_1415] : memref<1x512x128xf32, #tpu.memory_space<vmem>>, vector<1x512x128xf32>
    %swap3A_1417 = vector.shape_cast %swap3A_1416 : vector<1x512x128xf32> to vector<512x128xf32>
    %swap3A_1418 = vector.shape_cast %transpose3A : vector<512x128xf32> to vector<1x512x128xf32>
    tpu.vector_store %arg9[%swap3A, %swap3A_1414, %swap3A_1415], %swap3A_1418 {strides = array<i32>} : memref<1x512x128xf32, #tpu.memory_space<vmem>>, vector<1x512x128xf32>,
    %slice3A_1419 = vector.extract_strided_slice %select_n3A_1408 {offsets = [127, 0], sizes = [1, 512], strides = [1, 1]} : vector<128x512xf32> to vector<1x512xf32>
    %gt3A = vector.broadcast %slice3A_1419 : vector<1x512xf32> to vector<512x512xf32>
    %gt3A_1420 = arith.cmpf ogt, %get3A_3, %gt3A : vector<512x512xf32>
    %eq3A_1421 = vector.broadcast %slice3A_1419 : vector<1x512xf32> to vector<512x512xf32>
    %eq3A_1422 = arith.cmpf oeq, %get3A_3, %eq3A_1421 : vector<512x512xf32>
    %convert_element_type3A = arith.extui %eq3A_1422 : vector<512x512xi1> to vector<512x512xi32>
    %convert_element_type3A_1423 = arith.sitofp %convert_element_type3A : vector<512x512xi32> to vector<512x512xf32>
    %convert_element_type3A_1424 = arith.extui %gt3A_1420 : vector<512x512xi1> to vector<512x512xi32>
    %convert_element_type3A_1425 = arith.sitofp %convert_element_type3A_1424 : vector<512x512xi32> to vector<512x512xf32>
    %reduce_sum3A_1426 = arith.constant dense<0.000000e+00> : vector<512xf32>
    %reduce_sum3A_1427 = vector.multi_reduction <add>, %convert_element_type3A_1425, %reduce_sum3A_1426 [0] : vector<512x512xf32> to vector<512xf32>
    %broadcast_in_dim3A_1428 = vector.shape_cast %reduce_sum3A_1427 : vector<512xf32> to vector<1x512xf32>
    %sub3A_1429 = arith.constant 1.280000e+02 : f32
    %sub3A_1430 = vector.broadcast %sub3A_1429 : f32 to vector<1x512xf32>
    %sub3A_1431 = arith.subf %sub3A_1430, %broadcast_in_dim3A_1428 : vector<1x512xf32>
    %broadcast_in_dim3A_1432 = arith.constant 0.000000e+00 : f32
    %broadcast_in_dim3A_1433 = vector.broadcast %broadcast_in_dim3A_1432 : f32 to vector<1x512xf32>
    %slice3A_1434 = vector.extract_strided_slice %convert_element_type3A_1423 {offsets = [0, 0], sizes = [511, 512], strides = [1, 1]} : vector<512x512xf32> to vector<511x512xf32>
    %concatenate3A_1435 = tpu.concatenate %broadcast_in_dim3A_1433, %slice3A_1434 in 0 : vector<1x512xf32>, vector<511x512xf32> -> vector<512x512xf32>
    %add3A = arith.addf %convert_element_type3A_1423, %concatenate3A_1435 : vector<512x512xf32>
    %broadcast_in_dim3A_1436 = arith.constant 0.000000e+00 : f32
    %broadcast_in_dim3A_1437 = vector.broadcast %broadcast_in_dim3A_1436 : f32 to vector<2x512xf32>
    %slice3A_1438 = vector.extract_strided_slice %add3A {offsets = [0, 0], sizes = [510, 512], strides = [1, 1]} : vector<512x512xf32> to vector<510x512xf32>
    %concatenate3A_1439 = tpu.concatenate %broadcast_in_dim3A_1437, %slice3A_1438 in 0 : vector<2x512xf32>, vector<510x512xf32> -> vector<512x512xf32>
    %add3A_1440 = arith.addf %add3A, %concatenate3A_1439 : vector<512x512xf32>
    %broadcast_in_dim3A_1441 = arith.constant 0.000000e+00 : f32
    %broadcast_in_dim3A_1442 = vector.broadcast %broadcast_in_dim3A_1441 : f32 to vector<4x512xf32>
    %slice3A_1443 = vector.extract_strided_slice %add3A_1440 {offsets = [0, 0], sizes = [508, 512], strides = [1, 1]} : vector<512x512xf32> to vector<508x512xf32>
    %concatenate3A_1444 = tpu.concatenate %broadcast_in_dim3A_1442, %slice3A_1443 in 0 : vector<4x512xf32>, vector<508x512xf32> -> vector<512x512xf32>
    %add3A_1445 = arith.addf %add3A_1440, %concatenate3A_1444 : vector<512x512xf32>
    %broadcast_in_dim3A_1446 = arith.constant 0.000000e+00 : f32
    %broadcast_in_dim3A_1447 = vector.broadcast %broadcast_in_dim3A_1446 : f32 to vector<8x512xf32>
    %slice3A_1448 = vector.extract_strided_slice %add3A_1445 {offsets = [0, 0], sizes = [504, 512], strides = [1, 1]} : vector<512x512xf32> to vector<504x512xf32>
    %concatenate3A_1449 = tpu.concatenate %broadcast_in_dim3A_1447, %slice3A_1448 in 0 : vector<8x512xf32>, vector<504x512xf32> -> vector<512x512xf32>
    %add3A_1450 = arith.addf %add3A_1445, %concatenate3A_1449 : vector<512x512xf32>
    %broadcast_in_dim3A_1451 = arith.constant 0.000000e+00 : f32
    %broadcast_in_dim3A_1452 = vector.broadcast %broadcast_in_dim3A_1451 : f32 to vector<16x512xf32>
    %slice3A_1453 = vector.extract_strided_slice %add3A_1450 {offsets = [0, 0], sizes = [496, 512], strides = [1, 1]} : vector<512x512xf32> to vector<496x512xf32>
    %concatenate3A_1454 = tpu.concatenate %broadcast_in_dim3A_1452, %slice3A_1453 in 0 : vector<16x512xf32>, vector<496x512xf32> -> vector<512x512xf32>
    %add3A_1455 = arith.addf %add3A_1450, %concatenate3A_1454 : vector<512x512xf32>
    %broadcast_in_dim3A_1456 = arith.constant 0.000000e+00 : f32
    %broadcast_in_dim3A_1457 = vector.broadcast %broadcast_in_dim3A_1456 : f32 to vector<32x512xf32>
    %slice3A_1458 = vector.extract_strided_slice %add3A_1455 {offsets = [0, 0], sizes = [480, 512], strides = [1, 1]} : vector<512x512xf32> to vector<480x512xf32>
    %concatenate3A_1459 = tpu.concatenate %broadcast_in_dim3A_1457, %slice3A_1458 in 0 : vector<32x512xf32>, vector<480x512xf32> -> vector<512x512xf32>
    %add3A_1460 = arith.addf %add3A_1455, %concatenate3A_1459 : vector<512x512xf32>
    %broadcast_in_dim3A_1461 = arith.constant 0.000000e+00 : f32
    %broadcast_in_dim3A_1462 = vector.broadcast %broadcast_in_dim3A_1461 : f32 to vector<64x512xf32>
    %slice3A_1463 = vector.extract_strided_slice %add3A_1460 {offsets = [0, 0], sizes = [448, 512], strides = [1, 1]} : vector<512x512xf32> to vector<448x512xf32>
    %concatenate3A_1464 = tpu.concatenate %broadcast_in_dim3A_1462, %slice3A_1463 in 0 : vector<64x512xf32>, vector<448x512xf32> -> vector<512x512xf32>
    %add3A_1465 = arith.addf %add3A_1460, %concatenate3A_1464 : vector<512x512xf32>
    %broadcast_in_dim3A_1466 = arith.constant 0.000000e+00 : f32
    %broadcast_in_dim3A_1467 = vector.broadcast %broadcast_in_dim3A_1466 : f32 to vector<128x512xf32>
    %slice3A_1468 = vector.extract_strided_slice %add3A_1465 {offsets = [0, 0], sizes = [384, 512], strides = [1, 1]} : vector<512x512xf32> to vector<384x512xf32>
    %concatenate3A_1469 = tpu.concatenate %broadcast_in_dim3A_1467, %slice3A_1468 in 0 : vector<128x512xf32>, vector<384x512xf32> -> vector<512x512xf32>
    %add3A_1470 = arith.addf %add3A_1465, %concatenate3A_1469 : vector<512x512xf32>
    %broadcast_in_dim3A_1471 = arith.constant 0.000000e+00 : f32
    %broadcast_in_dim3A_1472 = vector.broadcast %broadcast_in_dim3A_1471 : f32 to vector<256x512xf32>
    %slice3A_1473 = vector.extract_strided_slice %add3A_1470 {offsets = [0, 0], sizes = [256, 512], strides = [1, 1]} : vector<512x512xf32> to vector<256x512xf32>
    %concatenate3A_1474 = tpu.concatenate %broadcast_in_dim3A_1472, %slice3A_1473 in 0 : vector<256x512xf32>, vector<256x512xf32> -> vector<512x512xf32>
    %add3A_1475 = arith.addf %add3A_1470, %concatenate3A_1474 : vector<512x512xf32>
    %gt3A_1476 = arith.constant 0.000000e+00 : f32
    %gt3A_1477 = vector.broadcast %gt3A_1476 : f32 to vector<512x512xf32>
    %gt3A_1478 = arith.cmpf ogt, %convert_element_type3A_1423, %gt3A_1477 : vector<512x512xf32>
    %le3A = vector.broadcast %sub3A_1431 : vector<1x512xf32> to vector<512x512xf32>
    %le3A_1479 = arith.cmpf ole, %add3A_1475, %le3A : vector<512x512xf32>
    %and3A_1480 = arith.andi %gt3A_1478, %le3A_1479 : vector<512x512xi1>
    %or3A = arith.ori %gt3A_1420, %and3A_1480 : vector<512x512xi1>
    %sub3A_1481 = vector.broadcast %slice3A_1409 : vector<1x512xf32> to vector<512x512xf32>
    %sub3A_1482 = arith.subf %get3A_3, %sub3A_1481 : vector<512x512xf32>
    %exp3A_1483 = math.exp %sub3A_1482 : vector<512x512xf32>
    %jit3A = arith.constant 0.000000e+00 : f32
    %broadcast_in_dim3A_1484 = vector.broadcast %jit3A : f32 to vector<512x512xf32>
    %select_n3A_1485 = arith.select %or3A, %exp3A_1483, %broadcast_in_dim3A_1484 : vector<512x512xi1>, vector<512x512xf32>
    %div3A_1486 = vector.broadcast %broadcast_in_dim3A_1412 : vector<1x512xf32> to vector<512x512xf32>
    %div3A_1487 = arith.divf %select_n3A_1485, %div3A_1486 : vector<512x512xf32>
    %transpose3A_1488 = tpu.transpose %div3A_1487, [1, 0] : vector<512x512xf32> -> vector<512x512xf32>
    %get3A_1489 = arith.constant 0 : index
    %get3A_1490 = arith.constant 0 : index
    %get3A_1491 = arith.constant 0 : index
    %get3A_1492 = vector.load %arg2[%get3A_1489, %get3A_1490, %get3A_1491] : memref<1x512x1024xf32, #tpu.memory_space<vmem>>, vector<1x512x1024xf32>
    %get3A_1493 = vector.shape_cast %get3A_1492 : vector<1x512x1024xf32> to vector<512x1024xf32>
    %slice3A_1494 = vector.extract_strided_slice %transpose3A_1488 {offsets = [0, 0], sizes = [32, 512], strides = [1, 1]} : vector<512x512xf32> to vector<32x512xf32>
    %slice3A_1495 = vector.extract_strided_slice %get3A_1493 {offsets = [0, 0], sizes = [512, 64], strides = [1, 1]} : vector<512x1024xf32> to vector<512x64xf32>
    %dot_general3A = arith.constant dense<0.000000e+00> : vector<32x64xf32>
    %dot_general3A_1496 = tpu.matmul %slice3A_1494, %slice3A_1495, %dot_general3A {dimension_numbers = #tpu.dot_dimension_numbers<[1], [0], [0], [1], [0, 0, 1, 1], [], []>, transpose_lhs_hint = false} : vector<32x512xf32>, vector<512x64xf32>, vector<32x64xf32> -> vector<32x64xf32>
    %swap3A_1497 = arith.constant 0 : index
    %swap3A_1498 = arith.constant 0 : index
    %swap3A_1499 = vector.load %arg10[%swap3A_1497, %swap3A_1498] : memref<32x1024xf32, #tpu.memory_space<vmem>>, vector<32x64xf32>
    tpu.vector_store %arg10[%swap3A_1497, %swap3A_1498], %dot_general3A_1496 {strides = array<i32>} : memref<32x1024xf32, #tpu.memory_space<vmem>>, vector<32x64xf32>,
    %slice3A_1500 = vector.extract_strided_slice %transpose3A_1488 {offsets = [32, 0], sizes = [32, 512], strides = [1, 1]} : vector<512x512xf32> to vector<32x512xf32>
    %slice3A_1501 = vector.extract_strided_slice %get3A_1493 {offsets = [0, 64], sizes = [512, 64], strides = [1, 1]} : vector<512x1024xf32> to vector<512x64xf32>
    %dot_general3A_1502 = arith.constant dense<0.000000e+00> : vector<32x64xf32>
    %dot_general3A_1503 = tpu.matmul %slice3A_1500, %slice3A_1501, %dot_general3A_1502 {dimension_numbers = #tpu.dot_dimension_numbers<[1], [0], [0], [1], [0, 0, 1, 1], [], []>, transpose_lhs_hint = false} : vector<32x512xf32>, vector<512x64xf32>, vector<32x64xf32> -> vector<32x64xf32>
    %swap3A_1504 = arith.constant 0 : index
    %swap3A_1505 = arith.constant 64 : index
    %swap3A_1506 = vector.load %arg10[%swap3A_1504, %swap3A_1505] : memref<32x1024xf32, #tpu.memory_space<vmem>>, vector<32x64xf32>
    tpu.vector_store %arg10[%swap3A_1504, %swap3A_1505], %dot_general3A_1503 {strides = array<i32>} : memref<32x1024xf32, #tpu.memory_space<vmem>>, vector<32x64xf32>,
    %slice3A_1507 = vector.extract_strided_slice %transpose3A_1488 {offsets = [64, 0], sizes = [32, 512], strides = [1, 1]} : vector<512x512xf32> to vector<32x512xf32>
    %slice3A_1508 = vector.extract_strided_slice %get3A_1493 {offsets = [0, 128], sizes = [512, 64], strides = [1, 1]} : vector<512x1024xf32> to vector<512x64xf32>
    %dot_general3A_1509 = arith.constant dense<0.000000e+00> : vector<32x64xf32>
    %dot_general3A_1510 = tpu.matmul %slice3A_1507, %slice3A_1508, %dot_general3A_1509 {dimension_numbers = #tpu.dot_dimension_numbers<[1], [0], [0], [1], [0, 0, 1, 1], [], []>, transpose_lhs_hint = false} : vector<32x512xf32>, vector<512x64xf32>, vector<32x64xf32> -> vector<32x64xf32>
    %swap3A_1511 = arith.constant 0 : index
    %swap3A_1512 = arith.constant 128 : index
    %swap3A_1513 = vector.load %arg10[%swap3A_1511, %swap3A_1512] : memref<32x1024xf32, #tpu.memory_space<vmem>>, vector<32x64xf32>
    tpu.vector_store %arg10[%swap3A_1511, %swap3A_1512], %dot_general3A_1510 {strides = array<i32>} : memref<32x1024xf32, #tpu.memory_space<vmem>>, vector<32x64xf32>,
    %slice3A_1514 = vector.extract_strided_slice %transpose3A_1488 {offsets = [96, 0], sizes = [32, 512], strides = [1, 1]} : vector<512x512xf32> to vector<32x512xf32>
    %slice3A_1515 = vector.extract_strided_slice %get3A_1493 {offsets = [0, 192], sizes = [512, 64], strides = [1, 1]} : vector<512x1024xf32> to vector<512x64xf32>
    %dot_general3A_1516 = arith.constant dense<0.000000e+00> : vector<32x64xf32>
    %dot_general3A_1517 = tpu.matmul %slice3A_1514, %slice3A_1515, %dot_general3A_1516 {dimension_numbers = #tpu.dot_dimension_numbers<[1], [0], [0], [1], [0, 0, 1, 1], [], []>, transpose_lhs_hint = false} : vector<32x512xf32>, vector<512x64xf32>, vector<32x64xf32> -> vector<32x64xf32>
    %swap3A_1518 = arith.constant 0 : index
    %swap3A_1519 = arith.constant 192 : index
    %swap3A_1520 = vector.load %arg10[%swap3A_1518, %swap3A_1519] : memref<32x1024xf32, #tpu.memory_space<vmem>>, vector<32x64xf32>
    tpu.vector_store %arg10[%swap3A_1518, %swap3A_1519], %dot_general3A_1517 {strides = array<i32>} : memref<32x1024xf32, #tpu.memory_space<vmem>>, vector<32x64xf32>,
    %slice3A_1521 = vector.extract_strided_slice %transpose3A_1488 {offsets = [128, 0], sizes = [32, 512], strides = [1, 1]} : vector<512x512xf32> to vector<32x512xf32>
    %slice3A_1522 = vector.extract_strided_slice %get3A_1493 {offsets = [0, 256], sizes = [512, 64], strides = [1, 1]} : vector<512x1024xf32> to vector<512x64xf32>
    %dot_general3A_1523 = arith.constant dense<0.000000e+00> : vector<32x64xf32>
    %dot_general3A_1524 = tpu.matmul %slice3A_1521, %slice3A_1522, %dot_general3A_1523 {dimension_numbers = #tpu.dot_dimension_numbers<[1], [0], [0], [1], [0, 0, 1, 1], [], []>, transpose_lhs_hint = false} : vector<32x512xf32>, vector<512x64xf32>, vector<32x64xf32> -> vector<32x64xf32>
    %swap3A_1525 = arith.constant 0 : index
    %swap3A_1526 = arith.constant 256 : index
    %swap3A_1527 = vector.load %arg10[%swap3A_1525, %swap3A_1526] : memref<32x1024xf32, #tpu.memory_space<vmem>>, vector<32x64xf32>
    tpu.vector_store %arg10[%swap3A_1525, %swap3A_1526], %dot_general3A_1524 {strides = array<i32>} : memref<32x1024xf32, #tpu.memory_space<vmem>>, vector<32x64xf32>,
    %slice3A_1528 = vector.extract_strided_slice %transpose3A_1488 {offsets = [160, 0], sizes = [32, 512], strides = [1, 1]} : vector<512x512xf32> to vector<32x512xf32>
    %slice3A_1529 = vector.extract_strided_slice %get3A_1493 {offsets = [0, 320], sizes = [512, 64], strides = [1, 1]} : vector<512x1024xf32> to vector<512x64xf32>
    %dot_general3A_1530 = arith.constant dense<0.000000e+00> : vector<32x64xf32>
    %dot_general3A_1531 = tpu.matmul %slice3A_1528, %slice3A_1529, %dot_general3A_1530 {dimension_numbers = #tpu.dot_dimension_numbers<[1], [0], [0], [1], [0, 0, 1, 1], [], []>, transpose_lhs_hint = false} : vector<32x512xf32>, vector<512x64xf32>, vector<32x64xf32> -> vector<32x64xf32>
    %swap3A_1532 = arith.constant 0 : index
    %swap3A_1533 = arith.constant 320 : index
    %swap3A_1534 = vector.load %arg10[%swap3A_1532, %swap3A_1533] : memref<32x1024xf32, #tpu.memory_space<vmem>>, vector<32x64xf32>
    tpu.vector_store %arg10[%swap3A_1532, %swap3A_1533], %dot_general3A_1531 {strides = array<i32>} : memref<32x1024xf32, #tpu.memory_space<vmem>>, vector<32x64xf32>,
    %slice3A_1535 = vector.extract_strided_slice %transpose3A_1488 {offsets = [192, 0], sizes = [32, 512], strides = [1, 1]} : vector<512x512xf32> to vector<32x512xf32>
    %slice3A_1536 = vector.extract_strided_slice %get3A_1493 {offsets = [0, 384], sizes = [512, 64], strides = [1, 1]} : vector<512x1024xf32> to vector<512x64xf32>
    %dot_general3A_1537 = arith.constant dense<0.000000e+00> : vector<32x64xf32>
    %dot_general3A_1538 = tpu.matmul %slice3A_1535, %slice3A_1536, %dot_general3A_1537 {dimension_numbers = #tpu.dot_dimension_numbers<[1], [0], [0], [1], [0, 0, 1, 1], [], []>, transpose_lhs_hint = false} : vector<32x512xf32>, vector<512x64xf32>, vector<32x64xf32> -> vector<32x64xf32>
    %swap3A_1539 = arith.constant 0 : index
    %swap3A_1540 = arith.constant 384 : index
    %swap3A_1541 = vector.load %arg10[%swap3A_1539, %swap3A_1540] : memref<32x1024xf32, #tpu.memory_space<vmem>>, vector<32x64xf32>
    tpu.vector_store %arg10[%swap3A_1539, %swap3A_1540], %dot_general3A_1538 {strides = array<i32>} : memref<32x1024xf32, #tpu.memory_space<vmem>>, vector<32x64xf32>,
    %slice3A_1542 = vector.extract_strided_slice %transpose3A_1488 {offsets = [224, 0], sizes = [32, 512], strides = [1, 1]} : vector<512x512xf32> to vector<32x512xf32>
    %slice3A_1543 = vector.extract_strided_slice %get3A_1493 {offsets = [0, 448], sizes = [512, 64], strides = [1, 1]} : vector<512x1024xf32> to vector<512x64xf32>
    %dot_general3A_1544 = arith.constant dense<0.000000e+00> : vector<32x64xf32>
    %dot_general3A_1545 = tpu.matmul %slice3A_1542, %slice3A_1543, %dot_general3A_1544 {dimension_numbers = #tpu.dot_dimension_numbers<[1], [0], [0], [1], [0, 0, 1, 1], [], []>, transpose_lhs_hint = false} : vector<32x512xf32>, vector<512x64xf32>, vector<32x64xf32> -> vector<32x64xf32>
    %swap3A_1546 = arith.constant 0 : index
    %swap3A_1547 = arith.constant 448 : index
    %swap3A_1548 = vector.load %arg10[%swap3A_1546, %swap3A_1547] : memref<32x1024xf32, #tpu.memory_space<vmem>>, vector<32x64xf32>
    tpu.vector_store %arg10[%swap3A_1546, %swap3A_1547], %dot_general3A_1545 {strides = array<i32>} : memref<32x1024xf32, #tpu.memory_space<vmem>>, vector<32x64xf32>,
    %slice3A_1549 = vector.extract_strided_slice %transpose3A_1488 {offsets = [256, 0], sizes = [32, 512], strides = [1, 1]} : vector<512x512xf32> to vector<32x512xf32>
    %slice3A_1550 = vector.extract_strided_slice %get3A_1493 {offsets = [0, 512], sizes = [512, 64], strides = [1, 1]} : vector<512x1024xf32> to vector<512x64xf32>
    %dot_general3A_1551 = arith.constant dense<0.000000e+00> : vector<32x64xf32>
    %dot_general3A_1552 = tpu.matmul %slice3A_1549, %slice3A_1550, %dot_general3A_1551 {dimension_numbers = #tpu.dot_dimension_numbers<[1], [0], [0], [1], [0, 0, 1, 1], [], []>, transpose_lhs_hint = false} : vector<32x512xf32>, vector<512x64xf32>, vector<32x64xf32> -> vector<32x64xf32>
    %swap3A_1553 = arith.constant 0 : index
    %swap3A_1554 = arith.constant 512 : index
    %swap3A_1555 = vector.load %arg10[%swap3A_1553, %swap3A_1554] : memref<32x1024xf32, #tpu.memory_space<vmem>>, vector<32x64xf32>
    tpu.vector_store %arg10[%swap3A_1553, %swap3A_1554], %dot_general3A_1552 {strides = array<i32>} : memref<32x1024xf32, #tpu.memory_space<vmem>>, vector<32x64xf32>,
    %slice3A_1556 = vector.extract_strided_slice %transpose3A_1488 {offsets = [288, 0], sizes = [32, 512], strides = [1, 1]} : vector<512x512xf32> to vector<32x512xf32>
    %slice3A_1557 = vector.extract_strided_slice %get3A_1493 {offsets = [0, 576], sizes = [512, 64], strides = [1, 1]} : vector<512x1024xf32> to vector<512x64xf32>
    %dot_general3A_1558 = arith.constant dense<0.000000e+00> : vector<32x64xf32>
    %dot_general3A_1559 = tpu.matmul %slice3A_1556, %slice3A_1557, %dot_general3A_1558 {dimension_numbers = #tpu.dot_dimension_numbers<[1], [0], [0], [1], [0, 0, 1, 1], [], []>, transpose_lhs_hint = false} : vector<32x512xf32>, vector<512x64xf32>, vector<32x64xf32> -> vector<32x64xf32>
    %swap3A_1560 = arith.constant 0 : index
    %swap3A_1561 = arith.constant 576 : index
    %swap3A_1562 = vector.load %arg10[%swap3A_1560, %swap3A_1561] : memref<32x1024xf32, #tpu.memory_space<vmem>>, vector<32x64xf32>
    tpu.vector_store %arg10[%swap3A_1560, %swap3A_1561], %dot_general3A_1559 {strides = array<i32>} : memref<32x1024xf32, #tpu.memory_space<vmem>>, vector<32x64xf32>,
    %slice3A_1563 = vector.extract_strided_slice %transpose3A_1488 {offsets = [320, 0], sizes = [32, 512], strides = [1, 1]} : vector<512x512xf32> to vector<32x512xf32>
    %slice3A_1564 = vector.extract_strided_slice %get3A_1493 {offsets = [0, 640], sizes = [512, 64], strides = [1, 1]} : vector<512x1024xf32> to vector<512x64xf32>
    %dot_general3A_1565 = arith.constant dense<0.000000e+00> : vector<32x64xf32>
    %dot_general3A_1566 = tpu.matmul %slice3A_1563, %slice3A_1564, %dot_general3A_1565 {dimension_numbers = #tpu.dot_dimension_numbers<[1], [0], [0], [1], [0, 0, 1, 1], [], []>, transpose_lhs_hint = false} : vector<32x512xf32>, vector<512x64xf32>, vector<32x64xf32> -> vector<32x64xf32>
    %swap3A_1567 = arith.constant 0 : index
    %swap3A_1568 = arith.constant 640 : index
    %swap3A_1569 = vector.load %arg10[%swap3A_1567, %swap3A_1568] : memref<32x1024xf32, #tpu.memory_space<vmem>>, vector<32x64xf32>
    tpu.vector_store %arg10[%swap3A_1567, %swap3A_1568], %dot_general3A_1566 {strides = array<i32>} : memref<32x1024xf32, #tpu.memory_space<vmem>>, vector<32x64xf32>,
    %slice3A_1570 = vector.extract_strided_slice %transpose3A_1488 {offsets = [352, 0], sizes = [32, 512], strides = [1, 1]} : vector<512x512xf32> to vector<32x512xf32>
    %slice3A_1571 = vector.extract_strided_slice %get3A_1493 {offsets = [0, 704], sizes = [512, 64], strides = [1, 1]} : vector<512x1024xf32> to vector<512x64xf32>
    %dot_general3A_1572 = arith.constant dense<0.000000e+00> : vector<32x64xf32>
    %dot_general3A_1573 = tpu.matmul %slice3A_1570, %slice3A_1571, %dot_general3A_1572 {dimension_numbers = #tpu.dot_dimension_numbers<[1], [0], [0], [1], [0, 0, 1, 1], [], []>, transpose_lhs_hint = false} : vector<32x512xf32>, vector<512x64xf32>, vector<32x64xf32> -> vector<32x64xf32>
    %swap3A_1574 = arith.constant 0 : index
    %swap3A_1575 = arith.constant 704 : index
    %swap3A_1576 = vector.load %arg10[%swap3A_1574, %swap3A_1575] : memref<32x1024xf32, #tpu.memory_space<vmem>>, vector<32x64xf32>
    tpu.vector_store %arg10[%swap3A_1574, %swap3A_1575], %dot_general3A_1573 {strides = array<i32>} : memref<32x1024xf32, #tpu.memory_space<vmem>>, vector<32x64xf32>,
    %slice3A_1577 = vector.extract_strided_slice %transpose3A_1488 {offsets = [384, 0], sizes = [32, 512], strides = [1, 1]} : vector<512x512xf32> to vector<32x512xf32>
    %slice3A_1578 = vector.extract_strided_slice %get3A_1493 {offsets = [0, 768], sizes = [512, 64], strides = [1, 1]} : vector<512x1024xf32> to vector<512x64xf32>
    %dot_general3A_1579 = arith.constant dense<0.000000e+00> : vector<32x64xf32>
    %dot_general3A_1580 = tpu.matmul %slice3A_1577, %slice3A_1578, %dot_general3A_1579 {dimension_numbers = #tpu.dot_dimension_numbers<[1], [0], [0], [1], [0, 0, 1, 1], [], []>, transpose_lhs_hint = false} : vector<32x512xf32>, vector<512x64xf32>, vector<32x64xf32> -> vector<32x64xf32>
    %swap3A_1581 = arith.constant 0 : index
    %swap3A_1582 = arith.constant 768 : index
    %swap3A_1583 = vector.load %arg10[%swap3A_1581, %swap3A_1582] : memref<32x1024xf32, #tpu.memory_space<vmem>>, vector<32x64xf32>
    tpu.vector_store %arg10[%swap3A_1581, %swap3A_1582], %dot_general3A_1580 {strides = array<i32>} : memref<32x1024xf32, #tpu.memory_space<vmem>>, vector<32x64xf32>,
    %slice3A_1584 = vector.extract_strided_slice %transpose3A_1488 {offsets = [416, 0], sizes = [32, 512], strides = [1, 1]} : vector<512x512xf32> to vector<32x512xf32>
    %slice3A_1585 = vector.extract_strided_slice %get3A_1493 {offsets = [0, 832], sizes = [512, 64], strides = [1, 1]} : vector<512x1024xf32> to vector<512x64xf32>
    %dot_general3A_1586 = arith.constant dense<0.000000e+00> : vector<32x64xf32>
    %dot_general3A_1587 = tpu.matmul %slice3A_1584, %slice3A_1585, %dot_general3A_1586 {dimension_numbers = #tpu.dot_dimension_numbers<[1], [0], [0], [1], [0, 0, 1, 1], [], []>, transpose_lhs_hint = false} : vector<32x512xf32>, vector<512x64xf32>, vector<32x64xf32> -> vector<32x64xf32>
    %swap3A_1588 = arith.constant 0 : index
    %swap3A_1589 = arith.constant 832 : index
    %swap3A_1590 = vector.load %arg10[%swap3A_1588, %swap3A_1589] : memref<32x1024xf32, #tpu.memory_space<vmem>>, vector<32x64xf32>
    tpu.vector_store %arg10[%swap3A_1588, %swap3A_1589], %dot_general3A_1587 {strides = array<i32>} : memref<32x1024xf32, #tpu.memory_space<vmem>>, vector<32x64xf32>,
    %slice3A_1591 = vector.extract_strided_slice %transpose3A_1488 {offsets = [448, 0], sizes = [32, 512], strides = [1, 1]} : vector<512x512xf32> to vector<32x512xf32>
    %slice3A_1592 = vector.extract_strided_slice %get3A_1493 {offsets = [0, 896], sizes = [512, 64], strides = [1, 1]} : vector<512x1024xf32> to vector<512x64xf32>
    %dot_general3A_1593 = arith.constant dense<0.000000e+00> : vector<32x64xf32>
    %dot_general3A_1594 = tpu.matmul %slice3A_1591, %slice3A_1592, %dot_general3A_1593 {dimension_numbers = #tpu.dot_dimension_numbers<[1], [0], [0], [1], [0, 0, 1, 1], [], []>, transpose_lhs_hint = false} : vector<32x512xf32>, vector<512x64xf32>, vector<32x64xf32> -> vector<32x64xf32>
    %swap3A_1595 = arith.constant 0 : index
    %swap3A_1596 = arith.constant 896 : index
    %swap3A_1597 = vector.load %arg10[%swap3A_1595, %swap3A_1596] : memref<32x1024xf32, #tpu.memory_space<vmem>>, vector<32x64xf32>
    tpu.vector_store %arg10[%swap3A_1595, %swap3A_1596], %dot_general3A_1594 {strides = array<i32>} : memref<32x1024xf32, #tpu.memory_space<vmem>>, vector<32x64xf32>,
    %slice3A_1598 = vector.extract_strided_slice %transpose3A_1488 {offsets = [480, 0], sizes = [32, 512], strides = [1, 1]} : vector<512x512xf32> to vector<32x512xf32>
    %slice3A_1599 = vector.extract_strided_slice %get3A_1493 {offsets = [0, 960], sizes = [512, 64], strides = [1, 1]} : vector<512x1024xf32> to vector<512x64xf32>
    %dot_general3A_1600 = arith.constant dense<0.000000e+00> : vector<32x64xf32>
    %dot_general3A_1601 = tpu.matmul %slice3A_1598, %slice3A_1599, %dot_general3A_1600 {dimension_numbers = #tpu.dot_dimension_numbers<[1], [0], [0], [1], [0, 0, 1, 1], [], []>, transpose_lhs_hint = false} : vector<32x512xf32>, vector<512x64xf32>, vector<32x64xf32> -> vector<32x64xf32>
    %swap3A_1602 = arith.constant 0 : index
    %swap3A_1603 = arith.constant 960 : index
    %swap3A_1604 = vector.load %arg10[%swap3A_1602, %swap3A_1603] : memref<32x1024xf32, #tpu.memory_space<vmem>>, vector<32x64xf32>
    tpu.vector_store %arg10[%swap3A_1602, %swap3A_1603], %dot_general3A_1601 {strides = array<i32>} : memref<32x1024xf32, #tpu.memory_space<vmem>>, vector<32x64xf32>,
    %get3A_1605 = arith.constant 0 : index
    %get3A_1606 = arith.constant 0 : index
    %get3A_1607 = vector.load %arg10[%get3A_1605, %get3A_1606] : memref<32x1024xf32, #tpu.memory_space<vmem>>, vector<32x1024xf32>
    %get3A_1608 = arith.constant 0 : index
    %get3A_1609 = arith.constant 0 : index
    %get3A_1610 = vector.load %arg4[%get3A_1608, %get3A_1609] : memref<1024x1024xf32, #tpu.memory_space<vmem>>, vector<1024x1024xf32>
    %dot_general3A_1611 = arith.constant dense<0.000000e+00> : vector<32x1024xf32>
    %dot_general3A_1612 = tpu.matmul %get3A_1607, %get3A_1610, %dot_general3A_1611 {dimension_numbers = #tpu.dot_dimension_numbers<[1], [0], [0], [1], [0, 0, 1, 1], [], []>, transpose_lhs_hint = false} : vector<32x1024xf32>, vector<1024x1024xf32>, vector<32x1024xf32> -> vector<32x1024xf32>
    %get3A_1613 = arith.constant 0 : index
    %get3A_1614 = arith.constant 0 : index
    %get3A_1615 = vector.load %arg5[%get3A_1613, %get3A_1614] : memref<1x1024xf32, #tpu.memory_space<vmem>>, vector<1x1024xf32>
    %add3A_1616 = vector.broadcast %get3A_1615 : vector<1x1024xf32> to vector<32x1024xf32>
    %add3A_1617 = arith.addf %dot_general3A_1612, %add3A_1616 : vector<32x1024xf32>
    %get3A_1618 = arith.constant 0 : index
    %get3A_1619 = arith.constant 0 : index
    %get3A_1620 = arith.constant 0 : index
    %get3A_1621 = vector.load %arg3[%get3A_1618, %get3A_1619, %get3A_1620] : memref<1x32x1024xf32, #tpu.memory_space<vmem>>, vector<1x32x1024xf32>
    %get3A_1622 = vector.shape_cast %get3A_1621 : vector<1x32x1024xf32> to vector<32x1024xf32>
    %add3A_1623 = arith.addf %get3A_1622, %add3A_1617 : vector<32x1024xf32>
    %reduce_sum3A_1624 = arith.constant dense<0.000000e+00> : vector<32xf32>
    %reduce_sum3A_1625 = vector.multi_reduction <add>, %add3A_1623, %reduce_sum3A_1624 [1] : vector<32x1024xf32> to vector<32xf32>
    %broadcast_in_dim3A_1626 = vector.shape_cast %reduce_sum3A_1625 : vector<32xf32> to vector<32x1xf32>
    %div3A_1627 = arith.constant 1.024000e+03 : f32
    %div3A_1628 = vector.broadcast %div3A_1627 : f32 to vector<32x1xf32>
    %div3A_1629 = arith.divf %broadcast_in_dim3A_1626, %div3A_1628 : vector<32x1xf32>
    %sub3A_1630 = vector.broadcast %div3A_1629 : vector<32x1xf32> to vector<32x1024xf32>
    %sub3A_1631 = arith.subf %add3A_1623, %sub3A_1630 : vector<32x1024xf32>
    %integer_pow3A = arith.mulf %sub3A_1631, %sub3A_1631 : vector<32x1024xf32>
    %reduce_sum3A_1632 = arith.constant dense<0.000000e+00> : vector<32xf32>
    %reduce_sum3A_1633 = vector.multi_reduction <add>, %integer_pow3A, %reduce_sum3A_1632 [1] : vector<32x1024xf32> to vector<32xf32>
    %broadcast_in_dim3A_1634 = vector.shape_cast %reduce_sum3A_1633 : vector<32xf32> to vector<32x1xf32>
    %div3A_1635 = arith.constant 1.024000e+03 : f32
    %div3A_1636 = vector.broadcast %div3A_1635 : f32 to vector<32x1xf32>
    %div3A_1637 = arith.divf %broadcast_in_dim3A_1634, %div3A_1636 : vector<32x1xf32>
    %sub3A_1638 = vector.broadcast %div3A_1629 : vector<32x1xf32> to vector<32x1024xf32>
    %sub3A_1639 = arith.subf %add3A_1623, %sub3A_1638 : vector<32x1024xf32>
    %add3A_1640 = arith.constant 9.99999974E-6 : f32
    %add3A_1641 = vector.broadcast %add3A_1640 : f32 to vector<32x1xf32>
    %add3A_1642 = arith.addf %div3A_1637, %add3A_1641 : vector<32x1xf32>
    %rsqrt3A = math.rsqrt %add3A_1642 : vector<32x1xf32>
    %mul3A = vector.broadcast %rsqrt3A : vector<32x1xf32> to vector<32x1024xf32>
    %mul3A_1643 = arith.mulf %sub3A_1639, %mul3A : vector<32x1024xf32>
    %get3A_1644 = arith.constant 0 : index
    %get3A_1645 = arith.constant 0 : index
    %get3A_1646 = vector.load %arg6[%get3A_1644, %get3A_1645] : memref<1x1024xf32, #tpu.memory_space<vmem>>, vector<1x1024xf32>
    %mul3A_1647 = vector.broadcast %get3A_1646 : vector<1x1024xf32> to vector<32x1024xf32>
    %mul3A_1648 = arith.mulf %mul3A_1643, %mul3A_1647 : vector<32x1024xf32>
    %get3A_1649 = arith.constant 0 : index
    %get3A_1650 = arith.constant 0 : index
    %get3A_1651 = vector.load %arg7[%get3A_1649, %get3A_1650] : memref<1x1024xf32, #tpu.memory_space<vmem>>, vector<1x1024xf32>
    %add3A_1652 = vector.broadcast %get3A_1651 : vector<1x1024xf32> to vector<32x1024xf32>
    %add3A_1653 = arith.addf %mul3A_1648, %add3A_1652 : vector<32x1024xf32>
    %swap3A_1654 = arith.constant 0 : index
    %swap3A_1655 = arith.constant 0 : index
    %swap3A_1656 = arith.constant 0 : index
    %swap3A_1657 = vector.load %arg8[%swap3A_1654, %swap3A_1655, %swap3A_1656] : memref<1x32x1024xf32, #tpu.memory_space<vmem>>, vector<1x32x1024xf32>
    %swap3A_1658 = vector.shape_cast %swap3A_1657 : vector<1x32x1024xf32> to vector<32x1024xf32>
    %swap3A_1659 = vector.shape_cast %add3A_1653 : vector<32x1024xf32> to vector<1x32x1024xf32>
    tpu.vector_store %arg8[%swap3A_1654, %swap3A_1655, %swap3A_1656], %swap3A_1659 {strides = array<i32>} : memref<1x32x1024xf32, #tpu.memory_space<vmem>>, vector<1x32x1024xf32>,
    return
  }
  func.func @transform_0(%arg0: i32) -> (i32, i32, i32) {
    %c0_i32 = arith.constant 0 : i32
    %c0_i32_0 = arith.constant 0 : i32
    %c0_i32_1 = arith.constant 0 : i32
    return %arg0, %c0_i32, %c0_i32_0 : i32, i32, i32
  }
  func.func @transform_1(%arg0: i32) -> (i32, i32, i32) {
    %c0_i32 = arith.constant 0 : i32
    %c0_i32_0 = arith.constant 0 : i32
    %c0_i32_1 = arith.constant 0 : i32
    return %arg0, %c0_i32, %c0_i32_0 : i32, i32, i32
  }
  func.func @transform_2(%arg0: i32) -> (i32, i32, i32) {
    %c0_i32 = arith.constant 0 : i32
    %c0_i32_0 = arith.constant 0 : i32
    %c0_i32_1 = arith.constant 0 : i32
    return %arg0, %c0_i32, %c0_i32_0 : i32, i32, i32
  }
  func.func @transform_3(%arg0: i32) -> (i32, i32) {
    %c0_i32 = arith.constant 0 : i32
    %c0_i32_0 = arith.constant 0 : i32
    %c0_i32_1 = arith.constant 0 : i32
    return %c0_i32, %c0_i32_0 : i32, i32
  }
  func.func @transform_4(%arg0: i32) -> (i32, i32) {
    %c0_i32 = arith.constant 0 : i32
    %c0_i32_0 = arith.constant 0 : i32
    %c0_i32_1 = arith.constant 0 : i32
    return %c0_i32, %c0_i32_0 : i32, i32
  }
  func.func @transform_5(%arg0: i32) -> (i32, i32) {
    %c0_i32 = arith.constant 0 : i32
    %c0_i32_0 = arith.constant 0 : i32
    %c0_i32_1 = arith.constant 0 : i32
    return %c0_i32, %c0_i32_0 : i32, i32
  }
  func.func @transform_6(%arg0: i32) -> (i32, i32) {
    %c0_i32 = arith.constant 0 : i32
    %c0_i32_0 = arith.constant 0 : i32
    %c0_i32_1 = arith.constant 0 : i32
    return %c0_i32, %c0_i32_0 : i32, i32
  }
  func.func @transform_7(%arg0: i32) -> (i32, i32, i32) {
    %c0_i32 = arith.constant 0 : i32
    %c0_i32_0 = arith.constant 0 : i32
    %c0_i32_1 = arith.constant 0 : i32
    return %arg0, %c0_i32, %c0_i32_0 : i32, i32, i32
  }
  func.func @transform_8(%arg0: i32) -> (i32, i32, i32) {
    %c0_i32 = arith.constant 0 : i32
    %c0_i32_0 = arith.constant 0 : i32
    %c0_i32_1 = arith.constant 0 : i32
    return %arg0, %c0_i32, %c0_i32_0 : i32, i32, i32
  }
}

</mosaic_0001>

<sc_bundles>
// kernel: kernel.7.cloned.1.call-start
scs
__scs_entry_jumppad:
0x0: {  	(pc) =	sbr.rel $0x88, $3  }
0x1: {  	(tag) =	ssettag $0x0;
	lr =	simm.s32 $0x1  }
0x2: {  	[smem:$0x3F8A] =	sst lr;
	_ =	strace $0xD0000000  }
0x3: {  	_ = 	snop  }
0x4: {  	_ = 	snop  }
0x5: {  	_ = 	snop  }
0x6: {  	_ = 	snop  }
0x7: {  	_ = 	snop  }
__scs_overlays_trampoline_lowered:
0x8: {  	[smem:$0x3F99] =	sst s0  }
0x9: {  	[smem:$0x3F9A] =	sst s1  }
0xa: {  	[smem:$0x3F9B] =	sst s2  }
0xb: {  	[smem:$0x3F9C] =	sst s3  }
0xc: {  	[smem:$0x3F9D] =	sst s4  }
0xd: {  	[smem:$0x3F9E] =	sst s5  }
0xe: {  	[smem:$0x3F9F] =	sst s6  }
0xf: {  	[smem:$0x3FA0] =	sst s7  }
0x10: {  	[smem:$0x3FA1] =	sst s8  }
0x11: {  	[smem:$0x3FA2] =	sst s9;
	s0 =	simm.s32 @!p0 $0x0  }
0x12: {  	s1 =	sld [smem:$0x3F88];
	s0 =	simm.s32 @p0 $0x1  }
0x13: {  	[smem:$0x3FA3] =	sst s0;
	s0 =	simm.s32 @!p1 $0x0  }
0x14: {  	s2 =	sld [smem:$0x3F87];
	s0 =	simm.s32 @p1 $0x1  }
0x15: {  	[smem:$0x3FA4] =	sst s0;
	s0 =	simm.s32 @!p2 $0x0  }
0x16: {  	s3 =	sld [smem:$0x3FDB];
	s0 =	simm.s32 @p2 $0x1  }
0x17: {  	s4 =	simm.s32 $0x1BF5;
	[smem:$0x3FA6] =	sst s0  }
0x18: {  	s0 =	sld [smem:$0x3F89];
	_ =	swait.ge [sflag:s4], $0x0  }
0x19: {  	s7 =	sld [smem:$0x3F8A]  }
0x1a: {  	s8 =	sadd.s32 $0xFFFFE003, lr  }
0x1b: {  	s9 =	sadd.s32 $0xFFFFFEF7, lr;
	s5 =	simm.s32 $0xFFFFFFFF;
	p2 =	slt.u32 s8, $0xFFFFF086  }
0x1c: {  	p1 =	slt.u32 s9, $0xF7A;
	s5 =	simm.s32 @!p2 $0x0  }
0x1d: {  	s5 =	simm.s32 @p1 $0x1;
	p0 =	seq.s32 s7, s2  }
0x1e: {  	s7 =	smul.u32 @!p0 $0xF7A, s2;
	p2 =	seq.s32 @!p0 s5, $0x0  }
0x1f: {  	s9 =	smul.u32 $0xF7A, s1;
	s8 =	simm.s32 @!p0 $0x1BF5;
	p2 =	por !p2, p0  }
0x20: {  	[sflag:s8] =	ssyncset.s32 @!p0 $0xFFFFF086;
	s6 =	sadd.s32 @!p0 s3, s7;
	s7 =	simm.s32 @!p0 $0x108  }
0x21: {  	s3 =	sadd.s32 s3, s9;
	s6 =	sadd.s32 @!p0 $0x88, s6;
	s7 =	simm.s32 @p2 $0x1082  }
0x22: {  	[simem:s7], [sflag:s8] =	dma.local @!p0 [hbm:s6], $0xF7A  }
0x23: {  	s9 =	sor.u32 $0xD0000000, s2;
	s6 =	simm.s32 $0x108;
	_ =	swait.ge @!p0 [sflag:s8], $0x0  }
0x24: {  	s3 =	sadd.s32 $0x88, s3;
	s6 =	simm.s32 @!p1 $0x1082;
	[sflag:s4] =	ssyncset.s32 $0xFFFFF086  }
0x25: {  	[simem:s6], [sflag:s4] =	dma.local [hbm:s3], $0xF7A  }
0x26: {  	[smem:$0x3F8A] =	sst s1;
	(tag) =	ssettag s2;
	_ =	strace s9  }
0x27: {  	s1 =	sld [smem:$0x3F9A]  }
0x28: {  	s2 =	sld [smem:$0x3F9B]  }
0x29: {  	s4 =	sld [smem:$0x3F9D]  }
0x2a: {  	p0 =	seq.s32 s5, $0x0;
	s5 =	sld [smem:$0x3F9E]  }
0x2b: {  	s6 =	sld [smem:$0x3F9F]  }
0x2c: {  	s7 =	sld [smem:$0x3FA0]  }
0x2d: {  	s3 =	simm.s32 $0x108;
	s8 =	sld [smem:$0x3FA1]  }
0x2e: {  	s3 =	simm.s32 @!p0 $0x1082;
	s9 =	sld [smem:$0x3FA2]  }
0x2f: {  	lr =	sadd.s32 s0, s3;
	s0 =	sld [smem:$0x3F99]  }
0x30: {  	s3 =	sld [smem:$0x3F9C]  }
0x31: {  	[smem:$0x3FA5] =	sst s10  }
0x32: {  	s10 =	sld [smem:$0x3FA3];
	_ =	sdelay $0x3  }
0x33: {  	p0 =	seq.s32 s10, $0x1;
	s10 =	sld [smem:$0x3FA5];
	_ =	sdelay $0x3  }
0x34: {  	[smem:$0x3FA5] =	sst s10  }
0x35: {  	s10 =	sld [smem:$0x3FA4];
	_ =	sdelay $0x3  }
0x36: {  	p1 =	seq.s32 s10, $0x1;
	s10 =	sld [smem:$0x3FA5];
	_ =	sdelay $0x3  }
0x37: {  	[smem:$0x3FA5] =	sst s10  }
0x38: {  	s10 =	sld [smem:$0x3FA6]  }
0x39: {  	_ = 	snop;
	(pc) =	sbr.ind lr, $3  }
0x3a: {  	_ = 	snop  }
0x3b: {  	_ = 	snop  }
0x3c: {  	p2 =	seq.s32 s10, $0x1;
	s10 =	sld [smem:$0x3FA5]  }
0x3d: {  	_ =	shalt  }
0x3e: {  	_ =	shalt  }
0x3f: {  	_ =	shalt  }
0x40: {  	_ =	shalt  }
0x41: {  	_ =	shalt  }
0x42: {  	_ =	shalt  }
0x43: {  	_ =	shalt  }
0x44: {  	_ =	shalt  }
0x45: {  	_ =	shalt  }
0x46: {  	_ =	shalt  }
0x47: {  	_ =	shalt  }
0x48: {  	_ =	shalt  }
0x49: {  	_ =	shalt  }
0x4a: {  	_ =	shalt  }
0x4b: {  	_ =	shalt  }
0x4c: {  	_ =	shalt  }
0x4d: {  	_ =	shalt  }
0x4e: {  	_ =	shalt  }
0x4f: {  	_ =	shalt  }
0x50: {  	_ =	shalt  }
0x51: {  	_ =	shalt  }
0x52: {  	_ =	shalt  }
0x53: {  	_ =	shalt  }
0x54: {  	_ =	shalt  }
0x55: {  	_ =	shalt  }
0x56: {  	_ =	shalt  }
0x57: {  	_ =	shalt  }
0x58: {  	_ =	shalt  }
0x59: {  	_ =	shalt  }
0x5a: {  	_ =	shalt  }
0x5b: {  	_ =	shalt  }
0x5c: {  	_ =	shalt  }
0x5d: {  	_ =	shalt  }
0x5e: {  	_ =	shalt  }
0x5f: {  	_ =	shalt  }
0x60: {  	_ =	shalt  }
0x61: {  	_ =	shalt  }
0x62: {  	_ =	shalt  }
0x63: {  	_ =	shalt  }
0x64: {  	_ =	shalt  }
0x65: {  	_ =	shalt  }
0x66: {  	_ =	shalt  }
0x67: {  	_ =	shalt  }
0x68: {  	_ =	shalt  }
0x69: {  	_ =	shalt  }
0x6a: {  	_ =	shalt  }
0x6b: {  	_ =	shalt  }
0x6c: {  	_ =	shalt  }
0x6d: {  	_ =	shalt  }
0x6e: {  	_ =	shalt  }
0x6f: {  	_ =	shalt  }
0x70: {  	_ =	shalt  }
0x71: {  	_ =	shalt  }
0x72: {  	_ =	shalt  }
0x73: {  	_ =	shalt  }
0x74: {  	_ =	shalt  }
0x75: {  	_ =	shalt  }
0x76: {  	_ =	shalt  }
0x77: {  	_ =	shalt  }
0x78: {  	_ =	shalt  }
0x79: {  	_ =	shalt  }
0x7a: {  	_ =	shalt  }
0x7b: {  	_ =	shalt  }
0x7c: {  	_ =	shalt  }
0x7d: {  	_ =	shalt  }
0x7e: {  	_ =	shalt  }
0x7f: {  	_ =	shalt  }
0x80: {  	_ =	shalt  }
0x81: {  	_ =	shalt  }
0x82: {  	_ =	shalt  }
0x83: {  	_ =	shalt  }
0x84: {  	_ =	shalt  }
0x85: {  	_ =	shalt  }
0x86: {  	_ =	shalt  }
0x87: {  	_ =	shalt  }
.Lfunc_end0:
.L_simem_size_0:
called_computation_lowered:
.L_overlay_start_0:
0x88: {  	s2 =	sld [smem:$0x3FD9]  }
0x89: {  	s3 =	sld [smem:$0x3FFE];
	_ =	sdelay $0x1  }
0x8a: {  	s1 =	srdreg.scid  }
0x8b: {  	s0 =	sand.u32 $0x1, s1  }
0x8c: {  	s14 =	sshll.u32 s0, $0xA;
	s2 =	sadd.s32 s3, s2  }
0x8d: {  	s2 =	sadd.s32 s2, s14  }
0x8e: {  	[smem:$0x3FB1] =	sst s2  }
0x8f: {  	_ = 	snop  }
0x90: {  	s2 =	sld [smem:$0x3FD0];
	_ =	sdelay $0x2  }
0x91: {  	s4 =	simm.s32 $0xA;
	s5 =	simm.s32 $0x10;
	s15 =	sld [smem:$0x3FC5]  }
0x92: {  	[smem:s5], [sflag:s4] =	dma.local [hbm:s2], $0x1  }
0x93: {  	_ =	swait.eq [sflag:s4], $0x1  }
0x94: {  	[sflag:s4] =	ssyncset.done $0x0  }
0x95: {  	[sflag:s4] =	ssyncadd.s32 $0xFFFFFFFF  }
0x96: {  	s16 =	sld [smem:$0x12];
	(tm) =	ssettm $0x1  }
0x97: {  	s17 =	sld [smem:$0x3FFB];
	_ =	sdelay $0x3  }
0x98: {  	_ =	strace s17  }
0x99: {  	s4 =	sld [smem:$0x3FFC];
	_ =	sdelay $0x3  }
0x9a: {  	_ =	strace s4  }
0x9b: {  	s4 =	sld [smem:$0x3FFD];
	_ =	sdelay $0x3  }
0x9c: {  	_ =	strace s4  }
0x9d: {  	_ =	strace $0x8FFFFFFF  }
0x9e: {  	s18 =	sld [smem:$0x3FDB];
	_ =	sdelay $0x1  }
0x9f: {  	s19 =	simm.s32 $_scs_section_size  }
0xa0: {  	s6 =	simm.s32 $_size__tile_overlayer_lowered;
	s7 =	simm.s32 $_tile_overlayer_lowered  }
0xa1: {  	s22 =	simm.s32 $0x1BFF;
	s21 =	sshll.u32 s7, $0x1;
	s4 =	sadd.s32 s19, s18  }
0xa2: {  	s8 =	simm.s32 $0x0;
	s20 =	sshll.u32 s6, $0x1;
	s6 =	sadd.s32 s21, s4  }
0xa3: {  	[timem:s8], [sflag:s22] =	dma.local [hbm:s6], s20  }
0xa4: {  	_ =	swait.ge [sflag:s22], s20  }
0xa5: {  	s5 =	ssub.s32 $0x0, s20;
	[sflag:s22] =	ssyncset.done $0x0  }
0xa6: {  	[sflag:s22] =	ssyncadd.s32 s5;
	_ =	sdelay $0x1  }
0xa7: {  	s23 =	simm.s32 $0x1B8B  }
0xa8: {  	_ =	swait.ge [sflag:s23], $0x1  }
0xa9: {  	[sflag:s23] =	ssyncset.done $0x0  }
0xaa: {  	s25 =	simm.s32 $0x1B8E;
	s24 =	sld [smem:$0x3FFE];
	[sflag:s23] =	ssyncadd.s32 $0xFFFFFFFF  }
0xab: {  	s26 =	simm.s32 $execute0_lowered;
	[smem:$0x3FD2] =	sst s25  }
0xac: {  	s6 =	sshll.u32 s26, $0x1;
	_ =	strace $0x80000046;
	[dreg:$0x1] =	wrdreg $0xFFFFFFFF  }
0xad: {  	s28 =	simm.s32 $_size_execute0_lowered;
	s4 =	sadd.s32 s4, s6;
	[dreg:$0x0] =	wrdreg $0x0  }
0xae: {  	s6 =	sshll.u32 s28, $0x1;
	[dreg:$0x2] =	wrdreg s4  }
0xaf: {  	[dreg:$0x3] =	wrdreg s6  }
0xb0: {  	[dreg:$0x4] =	wrdreg $0xC0  }
0xb1: {  	_ =	task [dreg:s8], $0x5FFFF  }
0xb2: {  	[dreg:$0x1] =	wrdreg $0xFFFFFFFF  }
0xb3: {  	[dreg:$0x0] =	wrdreg $0x60  }
0xb4: {  	[dreg:$0x2] =	wrdreg s15  }
0xb5: {  	[dreg:$0x3] =	wrdreg s16  }
0xb6: {  	[dreg:$0x4] =	wrdreg s24  }
0xb7: {  	[dreg:$0x5] =	wrdreg $0x9  }
0xb8: {  	_ =	task.clear_ibuf [dreg:s8], $0x6FFFF;
	_ =	strace $0x90000046  }
0xb9: {  	s29 =	simm.s32 $0x9;
	_ =	strace $0x80000048  }
0xba: {  	_ =	swait.ge [sflag:s29], $0x1  }
0xbb: {  	[sflag:s29] =	ssyncadd.s32 $0xFFFFFFFF  }
0xbc: {  	_ =	strace $0x90000048  }
0xbd: {  	_ =	sfence  }
0xbe: {  	s30 =	sld [smem:$0x0];
	_ =	sdelay $0x2  }
0xbf: {  	s31 =	sshll.u32 s1, $0xD;
	s1 =	sshrl.u32 s1, $0x2  }
0xc0: {  	s3 =	sand.u32 $0x4000, s31;
	s1 =	sadd.s32 s1, s30  }
0xc1: {  	s0 =	sor.u32 s3, s0;
	s1 =	sshll.u32 s1, $0x11  }
0xc2: {  	s0 =	sor.u32 s1, s0  }
0xc3: {  	s0 =	sadd.s32 $0x8F2B, s0  }
0xc4: {  	[sflag:s0] =	ssyncadd.remote.s32 $0x1  }
0xc5: {  	_ =	sfence.sel $0xFFFF  }
0xc6: {  	[dreg:$0x0] =	wrdreg $0xFFFFFFFF;
	(pc) =	sbr.abs _section_cstart, $3  }
0xc7: {  	[dreg:$0x1] =	wrdreg $0xFFFFFFFF  }
0xc8: {  	_ =	task.clear_ibuf [dreg:s8], $0x2FFFF;
	_ =	strace $0x9FFFFFFF  }
0xc9: {  	(tm) =	ssettm $0x7FFFFFFF  }
tec
execute0_lowered:
.L_overlay_start_1:
0x0: {  	(tag) =	ssettag $0x1  }
0x1: {  	s1 =	rddreg [dreg:$0x0];
	s2 =	srdreg.scid  }
0x2: {  	s0 =	stileid.u32;
	s4 =	rddreg [dreg:$0x1]  }
0x3: {  	s6 =	rddreg [dreg:$0x2];
	s3 =	simm.s32 $0x0;
	s10 =	simm.s32 $0x1100  }
0x4: {  	s11 =	simm.s32 $0x1900;
	s12 =	simm.s32 $0x2100;
	s13 =	simm.s32 $0x2900  }
0x5: {  	s14 =	simm.s32 $0x3100;
	s15 =	simm.s32 $0x3900;
	s16 =	simm.s32 $0x4100  }
0x6: {  	s17 =	simm.s32 $0x4900;
	s18 =	simm.s32 $0x5100;
	s19 =	simm.s32 $0x5900  }
0x7: {  	s20 =	simm.s32 $0x6100;
	s21 =	simm.s32 $0x6900;
	s22 =	simm.s32 $0x7100  }
0x8: {  	s23 =	simm.s32 $0x7900;
	s5 =	sand.u32 $0x1, s2;
	s30 =	sshll.u32 s0, $0x1  }
0x9: {  	s24 =	simm.s32 $0x8100;
	s25 =	simm.s32 $0x1;
	s7 =	sor.u32 s5, s30  }
0xa: {  	s2 =	rddreg [dreg:$0x3];
	s5 =	ssub.s32 $0x2, s5;
	s8 =	smul.u32 $0x1100, s7  }
0xb: {  	[smem:$0x7FF] =	sst s3;
	s7 =	smul.u32 $0x11, s7;
	s9 =	sshrl.u32 s5, $0x1  }
0xc: {  	v2 =	vlaneseq.u32;
	_ =	strace $0x80000047;
	s31 =	ssub.s32 s5, s9;
	s9 =	simm.s32 $0x900  }
0xd: {  	vm0 =	vmmov $0xffff;
	v1 =	vshrl.u32 v2, $0x3;
	s6 =	sadd.s32 s8, s6;
	s4 =	sadd.s32 s4, s7;
	s7 =	simm.s32 $0x2  }
0xe: {  	v0 =	vand.u32 $0x7, v2;
	v2 =	vor.u32 $0x8, v2;
	v1 =	vmul.u32 $0x8, v1;
	s8 =	simm.s32 $0x100;
	s5 =	sadd.s32 $0x3800, s6;
	s6 =	smax.u32 s31, $0x1  }
.LBB2_1:
0xf: {  	[tilespmem:s3], [sflag:$0x2] =	stream.linear.gather [hbm4b:s4+s3], $0x88, $0x38;
	[tilespmem:$0x8900] =	vst v63  }
0x10: {  	_ =	swait.ge [sflag:s7], $0x88  }
0x11: {  	[sflag:s7] =	ssyncset.done $0x0  }
0x12: {  	[sflag:s7] =	ssyncadd.s32 $0xFFFFFF78  }
0x13: {  	v3 =	vld [tilespmem:$0x0];
	_ =	sdelay $0x4  }
0x14: {  	v4 =	vshll.u32 v3, $0x1  }
0x15: {  	v3 =	vand.u32 $0x7, v3;
	v4 =	vand.u32 $0xFFFFFFF0, v4  }
0x16: {  	v3 =	vor.u32 v3, v4  }
0x17: {  	v4 =	vperm.xlane v3, v0;
	_ =	sdelay $0x1  }
0x18: {  	v3 =	vperm.xlane v3, v2;
	v4 =	vadd.s32 v1, v4;
	_ =	sdelay $0x1  }
0x19: {  	v3 =	vadd.s32 v1, v3;
	_ =	sdelay $0x2  }
0x1a: {  	[tilespmem:s8], [sflag:$0x1] =	stream.indirect_vreg.gather [hbm4b:s1+s3], $0x80, v4, vm0, $0xb8;
	[tilespmem:$0x8900] =	vst v63  }
0x1b: {  	_ = 	snop  }
0x1c: {  	[tilespmem:s9], [sflag:$0x1] =	stream.indirect_vreg.gather [hbm4b:s1+s3], $0x80, v3, vm0, $0xb8;
	[tilespmem:$0x8900] =	vst v63  }
0x1d: {  	v3 =	vld [tilespmem:$0x10];
	_ =	sdelay $0x4  }
0x1e: {  	v56 =	vshll.u32 v3, $0x1  }
0x1f: {  	v3 =	vand.u32 $0x7, v3;
	v4 =	vand.u32 $0xFFFFFFF0, v56  }
0x20: {  	v3 =	vor.u32 v3, v4  }
0x21: {  	v4 =	vperm.xlane v3, v0;
	_ =	sdelay $0x1  }
0x22: {  	v3 =	vperm.xlane v3, v2;
	v4 =	vadd.s32 v1, v4;
	_ =	sdelay $0x1  }
0x23: {  	v3 =	vadd.s32 v1, v3;
	_ =	sdelay $0x2  }
0x24: {  	[tilespmem:s10], [sflag:$0x1] =	stream.indirect_vreg.gather [hbm4b:s1+s3], $0x80, v4, vm0, $0xb8;
	[tilespmem:$0x8900] =	vst v63  }
0x25: {  	_ = 	snop  }
0x26: {  	[tilespmem:s11], [sflag:$0x1] =	stream.indirect_vreg.gather [hbm4b:s1+s3], $0x80, v3, vm0, $0xb8;
	[tilespmem:$0x8900] =	vst v63  }
0x27: {  	v3 =	vld [tilespmem:$0x20];
	_ =	sdelay $0x4  }
0x28: {  	v57 =	vshll.u32 v3, $0x1  }
0x29: {  	v3 =	vand.u32 $0x7, v3;
	v4 =	vand.u32 $0xFFFFFFF0, v57  }
0x2a: {  	v3 =	vor.u32 v3, v4  }
0x2b: {  	v4 =	vperm.xlane v3, v0;
	_ =	sdelay $0x1  }
0x2c: {  	v3 =	vperm.xlane v3, v2;
	v4 =	vadd.s32 v1, v4;
	_ =	sdelay $0x1  }
0x2d: {  	v3 =	vadd.s32 v1, v3;
	_ =	sdelay $0x2  }
0x2e: {  	[tilespmem:s12], [sflag:$0x1] =	stream.indirect_vreg.gather [hbm4b:s1+s3], $0x80, v4, vm0, $0xb8;
	[tilespmem:$0x8900] =	vst v63  }
0x2f: {  	_ = 	snop  }
0x30: {  	[tilespmem:s13], [sflag:$0x1] =	stream.indirect_vreg.gather [hbm4b:s1+s3], $0x80, v3, vm0, $0xb8;
	[tilespmem:$0x8900] =	vst v63  }
0x31: {  	v3 =	vld [tilespmem:$0x30];
	_ =	sdelay $0x4  }
0x32: {  	v58 =	vshll.u32 v3, $0x1  }
0x33: {  	v3 =	vand.u32 $0x7, v3;
	v4 =	vand.u32 $0xFFFFFFF0, v58  }
0x34: {  	v3 =	vor.u32 v3, v4  }
0x35: {  	v4 =	vperm.xlane v3, v0;
	_ =	sdelay $0x1  }
0x36: {  	v3 =	vperm.xlane v3, v2;
	v4 =	vadd.s32 v1, v4;
	_ =	sdelay $0x1  }
0x37: {  	v3 =	vadd.s32 v1, v3;
	_ =	sdelay $0x2  }
0x38: {  	[tilespmem:s14], [sflag:$0x1] =	stream.indirect_vreg.gather [hbm4b:s1+s3], $0x80, v4, vm0, $0xb8;
	[tilespmem:$0x8900] =	vst v63  }
0x39: {  	_ = 	snop  }
0x3a: {  	[tilespmem:s15], [sflag:$0x1] =	stream.indirect_vreg.gather [hbm4b:s1+s3], $0x80, v3, vm0, $0xb8;
	[tilespmem:$0x8900] =	vst v63  }
0x3b: {  	v3 =	vld [tilespmem:$0x40];
	_ =	sdelay $0x4  }
0x3c: {  	v59 =	vshll.u32 v3, $0x1  }
0x3d: {  	v3 =	vand.u32 $0x7, v3;
	v4 =	vand.u32 $0xFFFFFFF0, v59  }
0x3e: {  	v3 =	vor.u32 v3, v4  }
0x3f: {  	v4 =	vperm.xlane v3, v0;
	_ =	sdelay $0x1  }
0x40: {  	v3 =	vperm.xlane v3, v2;
	v4 =	vadd.s32 v1, v4;
	_ =	sdelay $0x1  }
0x41: {  	v3 =	vadd.s32 v1, v3;
	_ =	sdelay $0x2  }
0x42: {  	[tilespmem:s16], [sflag:$0x1] =	stream.indirect_vreg.gather [hbm4b:s1+s3], $0x80, v4, vm0, $0xb8;
	[tilespmem:$0x8900] =	vst v63  }
0x43: {  	_ = 	snop  }
0x44: {  	[tilespmem:s17], [sflag:$0x1] =	stream.indirect_vreg.gather [hbm4b:s1+s3], $0x80, v3, vm0, $0xb8;
	[tilespmem:$0x8900] =	vst v63  }
0x45: {  	v3 =	vld [tilespmem:$0x50];
	_ =	sdelay $0x4  }
0x46: {  	v60 =	vshll.u32 v3, $0x1  }
0x47: {  	v3 =	vand.u32 $0x7, v3;
	v4 =	vand.u32 $0xFFFFFFF0, v60  }
0x48: {  	v3 =	vor.u32 v3, v4  }
0x49: {  	v4 =	vperm.xlane v3, v0;
	_ =	sdelay $0x1  }
0x4a: {  	v3 =	vperm.xlane v3, v2;
	v4 =	vadd.s32 v1, v4;
	_ =	sdelay $0x1  }
0x4b: {  	v3 =	vadd.s32 v1, v3;
	_ =	sdelay $0x2  }
0x4c: {  	[tilespmem:s18], [sflag:$0x1] =	stream.indirect_vreg.gather [hbm4b:s1+s3], $0x80, v4, vm0, $0xb8;
	[tilespmem:$0x8900] =	vst v63  }
0x4d: {  	_ = 	snop  }
0x4e: {  	[tilespmem:s19], [sflag:$0x1] =	stream.indirect_vreg.gather [hbm4b:s1+s3], $0x80, v3, vm0, $0xb8;
	[tilespmem:$0x8900] =	vst v63  }
0x4f: {  	v3 =	vld [tilespmem:$0x60];
	_ =	sdelay $0x4  }
0x50: {  	v61 =	vshll.u32 v3, $0x1  }
0x51: {  	v3 =	vand.u32 $0x7, v3;
	v4 =	vand.u32 $0xFFFFFFF0, v61  }
0x52: {  	v3 =	vor.u32 v3, v4  }
0x53: {  	v4 =	vperm.xlane v3, v0;
	_ =	sdelay $0x1  }
0x54: {  	v3 =	vperm.xlane v3, v2;
	v4 =	vadd.s32 v1, v4;
	_ =	sdelay $0x1  }
0x55: {  	v3 =	vadd.s32 v1, v3;
	_ =	sdelay $0x2  }
0x56: {  	[tilespmem:s20], [sflag:$0x1] =	stream.indirect_vreg.gather [hbm4b:s1+s3], $0x80, v4, vm0, $0xb8;
	[tilespmem:$0x8900] =	vst v63  }
0x57: {  	_ = 	snop  }
0x58: {  	[tilespmem:s21], [sflag:$0x1] =	stream.indirect_vreg.gather [hbm4b:s1+s3], $0x80, v3, vm0, $0xb8;
	[tilespmem:$0x8900] =	vst v63  }
0x59: {  	v3 =	vld [tilespmem:$0x70];
	_ =	sdelay $0x4  }
0x5a: {  	v62 =	vshll.u32 v3, $0x1  }
0x5b: {  	v3 =	vand.u32 $0x7, v3;
	v4 =	vand.u32 $0xFFFFFFF0, v62  }
0x5c: {  	v3 =	vor.u32 v3, v4  }
0x5d: {  	v4 =	vperm.xlane v3, v0;
	_ =	sdelay $0x1  }
0x5e: {  	v3 =	vperm.xlane v3, v2;
	v4 =	vadd.s32 v1, v4;
	_ =	sdelay $0x1  }
0x5f: {  	v3 =	vadd.s32 v1, v3;
	_ =	sdelay $0x2  }
0x60: {  	[tilespmem:s22], [sflag:$0x1] =	stream.indirect_vreg.gather [hbm4b:s1+s3], $0x80, v4, vm0, $0xb8;
	[tilespmem:$0x8900] =	vst v63  }
0x61: {  	_ = 	snop  }
0x62: {  	[tilespmem:s23], [sflag:$0x1] =	stream.indirect_vreg.gather [hbm4b:s1+s3], $0x80, v3, vm0, $0xb8;
	[tilespmem:$0x8900] =	vst v63  }
0x63: {  	v3 =	vld.msk [tilespmem:$0x80], $0xff;
	_ =	sdelay $0x4  }
0x64: {  	v63 =	vshll.u32 v3, $0x1  }
0x65: {  	v3 =	vand.u32 $0x7, v3;
	v4 =	vand.u32 $0xFFFFFFF0, v63  }
0x66: {  	v3 =	vor.u32 v3, v4  }
0x67: {  	v3 =	vperm.xlane v3, v0;
	_ =	sdelay $0x1  }
0x68: {  	v3 =	vadd.s32 v1, v3;
	_ =	sdelay $0x4  }
0x69: {  	[tilespmem:s24], [sflag:$0x1] =	stream.indirect_vreg.gather [hbm4b:s1+s3], $0x80, v3, vm0, $0xb8;
	[tilespmem:$0x8900] =	vst v63  }
0x6a: {  	_ =	swait.ge [sflag:s25], $0x8800  }
0x6b: {  	p0 =	sne.s32 s6, $0x1;
	[sflag:s25] =	ssyncset.done $0x0  }
.Ltmp0:
0x6c: {  	[sflag:s25] =	ssyncadd.s32 $0xFFFF7800;
	(pc) =	sbr.rel @p0 .LBB2_1-.Ltmp0, $4  }
0x6d: {  	[hbm4b:s5+s3] =	stream.linear.scatter [tilespmem:s8], [sflag:$0x2], $0x8800, $0x38;
	[tilespmem:$0x8900] =	vst v63  }
0x6e: {  	_ =	swait.ge [sflag:s7], $0x8800  }
0x6f: {  	[sflag:s7] =	ssyncset.done $0x0  }
0x70: {  	s6 =	sadd.s32 $0xFFFFFFFF, s6;
	[sflag:s7] =	ssyncadd.s32 $0xFFFF7800  }
0x71: {  	_ =	sfence.sel $0x180000  }
0x72: {  	[bflag:$0x0] =	sbarrier.arrive $0xFFFF  }
0x73: {  	p0 =	sne.s32 s0, $0x0;
	_ =	strace $0x90000047  }
0x74: {  	s0 =	sadd.s32 @!p0 $0x100000, s2;
	[bflag:$0x2] =	sbarrier.arrive $0xFFFF  }
0x75: {  	[sflag:s0] =	ssyncadd.tile.s32 @!p0 $0x1;
	_ =	shalt  }
.Lfunc_end2:
_tile_overlayer_lowered:
.L_overlay_start_2:
0x76: {  	(tag) =	ssettag $0x2  }
0x77: {  	s0 =	rddreg [dreg:$0x0];
	s2 =	stileid.u32  }
0x78: {  	s1 =	rddreg [dreg:$0x1];
	p0 =	sne.s32 s2, $0x0  }
0x79: {  	s3 =	rddreg [dreg:$0x2];
	[bflag:$0x3] =	sbarrier.arrive $0xFFFF;
	s2 =	simm.s32 @!p0 $0x1C02  }
0x7a: {  	[timem:s3], [sflag:s2] =	dma.local @!p0 [hbm:s0], s1  }
0x7b: {  	s0 =	simm.s32 @!p0 $0x2  }
0x7c: {  	_ =	swait.ge @!p0 [sflag:s0], s1  }
0x7d: {  	s1 =	ssub.s32 @!p0 $0x0, s1;
	[sflag:s0] =	ssyncset.done @!p0 $0x0  }
0x7e: {  	[sflag:s0] =	ssyncadd.s32 @!p0 s1  }
0x7f: {  	[bflag:$0x3] =	sbarrier.arrive $0xFFFF  }
0x80: {  	_ =	shalt  }

</sc_bundles>
